<compile_context>
chip_gen: v7x
topology: tpu7x:2x2x1
jax: 0.10.2.dev20260603
libtpu: 0.0.44.dev20260713+nightly
codegen_flags: <defaults>
</compile_context>

<pallas_src>
import functools

import jax
import jax.numpy as jnp
from jax import lax
from jax.experimental import pallas as pl
from jax.experimental.pallas import tpu as pltpu
from jax.experimental.pallas import tpu_sc as plsc

_FEAT = 32
_ROWS = 16384
_HIST = 50
_NW = 32
_RPW = _ROWS // _NW
_NBUF = 16


def _embed_body(table_hbm, idx_hbm, out_hbm, idx2d, bufs, sems):
    wid = lax.axis_index("s") * 2 + lax.axis_index("c")
    base = wid * _RPW
    pltpu.sync_copy(idx_hbm.at[pl.ds(base, _RPW)], idx2d)

    def gather(row, b):
        pltpu.async_copy(table_hbm.at[idx2d.at[row]], bufs[b], sems[b])

    def wait_gather(b):
        pltpu.make_async_copy(
            table_hbm.at[idx2d.at[0]], bufs[b], sems[b]).wait()

    def store(row, b):
        pltpu.sync_copy(bufs[b], out_hbm.at[base + row])

    for b in range(_NBUF):
        gather(b, b)

    def body(i, _):
        r0 = i * _NBUF
        for b in range(_NBUF):
            r = r0 + b
            wait_gather(b)
            store(r, b)
            gather(r + _NBUF, b)
        return _

    lax.fori_loop(0, (_RPW - _NBUF) // _NBUF, body, None)

    for b in range(_NBUF):
        r = _RPW - _NBUF + b
        wait_gather(b)
        store(r, b)


@functools.partial(
    pl.kernel,
    mesh=plsc.VectorSubcoreMesh(core_axis_name="c", subcore_axis_name="s"),
    out_type=jax.ShapeDtypeStruct((_ROWS, _HIST, _FEAT), jnp.float32),
    scratch_types=[
        pltpu.VMEM((_RPW, _HIST), jnp.int32),
    ] + [pltpu.VMEM((_HIST, _FEAT), jnp.float32) for _ in range(_NBUF)]
      + [pltpu.SemaphoreType.DMA for _ in range(_NBUF)],
    compiler_params=pltpu.CompilerParams(use_tc_tiling_on_sc=False),
)
def _embed_gather(table_hbm, idx_hbm, out_hbm, idx2d, *rest):
    bufs = rest[:_NBUF]
    sems = rest[_NBUF:]
    _embed_body(table_hbm, idx_hbm, out_hbm, idx2d, bufs, sems)


def kernel(metadata, embedding):
    m = metadata
    if m.ndim > 0 and m.shape[-1] == 1:
        m = jnp.squeeze(m, axis=-1)
    return _embed_gather(embedding, m)

# --- scband reference (transcript-rebuilt; emitter-appended) ---
"""Pipeline reference for scband-embed-7627861917934 (READ-ONLY COPY).

The authoritative reference and input builder live on the scoring server;
editing this copy changes nothing except your own understanding.
"""

import jax, jax.numpy as jnp
import numpy as np

NUM_EMBEDDINGS = 1000000
FEATURES = 32
BATCH = 16384
HIST = 50


def setup_inputs(seed: int = 0) -> dict:
    key = jax.random.key(seed)
    k1, k2 = jax.random.split(key)
    metadata = jax.random.randint(k1, (BATCH, HIST), 0, NUM_EMBEDDINGS, dtype=jnp.int32)
    # nn.initializers.uniform(scale=0.05) -> U[0, 0.05)
    embedding = jax.random.uniform(k2, (NUM_EMBEDDINGS, FEATURES), dtype=jnp.float32, minval=0.0, maxval=0.05)
    return {"metadata": metadata, "embedding": embedding}


def reference(metadata, embedding):
    # Faithful translation of Embed.__call__
    m = metadata
    if m.ndim > 0 and m.shape[-1] == 1:
        m = jnp.squeeze(m, axis=-1)
    # nn.Embed lookup == row gather from the embedding table
    return jnp.take(embedding, m, axis=0)

if __name__ == "__main__":
    import jax
    _d = setup_inputs()
    print(jax.jit(kernel)(*tuple(_d.values())))

</pallas_src>

<mosaic_0001>
#map = affine_map<(d0, d1) -> (0, 0)>
#map1 = affine_map<(d0, d1) -> (0, 0, 0)>
module attributes {stable_mosaic.version = 14 : i64} {
  func.func @_embed_gather(%arg0: i32, %arg1: i32, %arg2: memref<1000000x32xf32, #tpu.memory_space<hbm>>, %arg3: memref<16384x50xi32, #tpu.memory_space<hbm>>, %arg4: memref<16384x50x32xf32, #tpu.memory_space<hbm>>, %arg5: memref<512x50xi32, #tpu.memory_space<vmem>>, %arg6: memref<50x32xf32, #tpu.memory_space<vmem>>, %arg7: memref<50x32xf32, #tpu.memory_space<vmem>>, %arg8: memref<50x32xf32, #tpu.memory_space<vmem>>, %arg9: memref<50x32xf32, #tpu.memory_space<vmem>>, %arg10: memref<50x32xf32, #tpu.memory_space<vmem>>, %arg11: memref<50x32xf32, #tpu.memory_space<vmem>>, %arg12: memref<50x32xf32, #tpu.memory_space<vmem>>, %arg13: memref<50x32xf32, #tpu.memory_space<vmem>>, %arg14: memref<50x32xf32, #tpu.memory_space<vmem>>, %arg15: memref<50x32xf32, #tpu.memory_space<vmem>>, %arg16: memref<50x32xf32, #tpu.memory_space<vmem>>, %arg17: memref<50x32xf32, #tpu.memory_space<vmem>>, %arg18: memref<50x32xf32, #tpu.memory_space<vmem>>, %arg19: memref<50x32xf32, #tpu.memory_space<vmem>>, %arg20: memref<50x32xf32, #tpu.memory_space<vmem>>, %arg21: memref<50x32xf32, #tpu.memory_space<vmem>>, %arg22: memref<!tpu.dma_semaphore, #tpu.memory_space<semaphore_mem>>, %arg23: memref<!tpu.dma_semaphore, #tpu.memory_space<semaphore_mem>>, %arg24: memref<!tpu.dma_semaphore, #tpu.memory_space<semaphore_mem>>, %arg25: memref<!tpu.dma_semaphore, #tpu.memory_space<semaphore_mem>>, %arg26: memref<!tpu.dma_semaphore, #tpu.memory_space<semaphore_mem>>, %arg27: memref<!tpu.dma_semaphore, #tpu.memory_space<semaphore_mem>>, %arg28: memref<!tpu.dma_semaphore, #tpu.memory_space<semaphore_mem>>, %arg29: memref<!tpu.dma_semaphore, #tpu.memory_space<semaphore_mem>>, %arg30: memref<!tpu.dma_semaphore, #tpu.memory_space<semaphore_mem>>, %arg31: memref<!tpu.dma_semaphore, #tpu.memory_space<semaphore_mem>>, %arg32: memref<!tpu.dma_semaphore, #tpu.memory_space<semaphore_mem>>, %arg33: memref<!tpu.dma_semaphore, #tpu.memory_space<semaphore_mem>>, %arg34: memref<!tpu.dma_semaphore, #tpu.memory_space<semaphore_mem>>, %arg35: memref<!tpu.dma_semaphore, #tpu.memory_space<semaphore_mem>>, %arg36: memref<!tpu.dma_semaphore, #tpu.memory_space<semaphore_mem>>, %arg37: memref<!tpu.dma_semaphore, #tpu.memory_space<semaphore_mem>>) attributes {dimension_semantics = [#tpu.dimension_semantics<core_parallel>, #tpu.dimension_semantics<subcore_parallel>], iteration_bounds = array<i64: 2, 16>, scalar_prefetch = 0 : i64, scratch_operands = 33 : i64, tpu.core_type = #tpu.core_type<sc_vector_subcore>, window_params = [{transform_indices = #map}, {transform_indices = #map}, {transform_indices = #map1}]} {
    %mul3A = arith.constant 2 : i32
    %mul3A_0 = arith.muli %arg1, %mul3A : i32
    %add3A = arith.addi %mul3A_0, %arg0 : i32
    %mul3A_1 = arith.constant 512 : i32
    %mul3A_2 = arith.muli %add3A, %mul3A_1 : i32
    "tpu.region"() ({
      %run_scoped3A = tpu.sem_alloc : memref<!tpu.dma_semaphore, #tpu.memory_space<semaphore_mem>>
      %dma_start3A_261 = arith.constant 0 : i32
      %dma_start3A_262 = tpu.memref_slice %arg3[%mul3A_2, %dma_start3A_261] : memref<16384x50xi32, #tpu.memory_space<hbm>> -> memref<512x50xi32, #tpu.memory_space<hbm>>
      %dma_start3A_263 = arith.constant 0 : i32
      %dma_start3A_264 = tpu.memref_slice %arg3[%mul3A_2, %dma_start3A_263] : memref<16384x50xi32, #tpu.memory_space<hbm>> -> memref<512x50xi32, #tpu.memory_space<hbm>>
      tpu.enqueue_dma source(%dma_start3A_264 : memref<512x50xi32, #tpu.memory_space<hbm>>) target(%arg5 : memref<512x50xi32, #tpu.memory_space<vmem>>) target_semaphore(%run_scoped3A : memref<!tpu.dma_semaphore, #tpu.memory_space<semaphore_mem>>)
      %dma_wait3A_265 = arith.constant 0 : i32
      %dma_wait3A_266 = tpu.memref_slice %arg3[%mul3A_2, %dma_wait3A_265] : memref<16384x50xi32, #tpu.memory_space<hbm>> -> memref<512x50xi32, #tpu.memory_space<hbm>>
      %dma_wait3A_267 = arith.constant 0 : i32
      %dma_wait3A_268 = tpu.memref_slice %arg3[%mul3A_2, %dma_wait3A_267] : memref<16384x50xi32, #tpu.memory_space<hbm>> -> memref<512x50xi32, #tpu.memory_space<hbm>>
      tpu.wait_dma2 semaphore(%run_scoped3A : memref<!tpu.dma_semaphore, #tpu.memory_space<semaphore_mem>>) src(%dma_wait3A_268 : memref<512x50xi32, #tpu.memory_space<hbm>>) dst(%arg5 : memref<512x50xi32, #tpu.memory_space<vmem>>)
      tpu.yield
    }) : () -> ()
    %dma_start3A = arith.constant 0 : i32
    %dma_start3A_3 = arith.constant 0 : i32
    %dma_start3A_4 = tpu.memref_slice %arg5[%dma_start3A, %dma_start3A_3] : memref<512x50xi32, #tpu.memory_space<vmem>> -> memref<1x50xi32, #tpu.memory_space<vmem>>
    %dma_start3A_5 = tpu.memref_squeeze %dma_start3A_4 : memref<1x50xi32, #tpu.memory_space<vmem>> -> memref<50xi32, #tpu.memory_space<vmem>>
    %dma_start3A_6 = arith.constant 0 : i32
    %dma_start3A_7 = arith.constant 0 : i32
    %dma_start3A_8 = tpu.memref_slice %arg2[%dma_start3A_6, %dma_start3A_7] : memref<1000000x32xf32, #tpu.memory_space<hbm>> -> memref<1000000x32xf32, #tpu.memory_space<hbm>>
    tpu.enqueue_indirect_dma source(%dma_start3A_8 : memref<1000000x32xf32, #tpu.memory_space<hbm>>) target(%arg6 : memref<50x32xf32, #tpu.memory_space<vmem>>) offsets(%dma_start3A_5 : memref<50xi32, #tpu.memory_space<vmem>>) semaphore(%arg22 : memref<!tpu.dma_semaphore, #tpu.memory_space<semaphore_mem>>)
    %dma_start3A_9 = arith.constant 1 : i32
    %dma_start3A_10 = arith.constant 0 : i32
    %dma_start3A_11 = tpu.memref_slice %arg5[%dma_start3A_9, %dma_start3A_10] : memref<512x50xi32, #tpu.memory_space<vmem>> -> memref<1x50xi32, #tpu.memory_space<vmem>>
    %dma_start3A_12 = tpu.memref_squeeze %dma_start3A_11 : memref<1x50xi32, #tpu.memory_space<vmem>> -> memref<50xi32, #tpu.memory_space<vmem>>
    %dma_start3A_13 = arith.constant 0 : i32
    %dma_start3A_14 = arith.constant 0 : i32
    %dma_start3A_15 = tpu.memref_slice %arg2[%dma_start3A_13, %dma_start3A_14] : memref<1000000x32xf32, #tpu.memory_space<hbm>> -> memref<1000000x32xf32, #tpu.memory_space<hbm>>
    tpu.enqueue_indirect_dma source(%dma_start3A_15 : memref<1000000x32xf32, #tpu.memory_space<hbm>>) target(%arg7 : memref<50x32xf32, #tpu.memory_space<vmem>>) offsets(%dma_start3A_12 : memref<50xi32, #tpu.memory_space<vmem>>) semaphore(%arg23 : memref<!tpu.dma_semaphore, #tpu.memory_space<semaphore_mem>>)
    %dma_start3A_16 = arith.constant 2 : i32
    %dma_start3A_17 = arith.constant 0 : i32
    %dma_start3A_18 = tpu.memref_slice %arg5[%dma_start3A_16, %dma_start3A_17] : memref<512x50xi32, #tpu.memory_space<vmem>> -> memref<1x50xi32, #tpu.memory_space<vmem>>
    %dma_start3A_19 = tpu.memref_squeeze %dma_start3A_18 : memref<1x50xi32, #tpu.memory_space<vmem>> -> memref<50xi32, #tpu.memory_space<vmem>>
    %dma_start3A_20 = arith.constant 0 : i32
    %dma_start3A_21 = arith.constant 0 : i32
    %dma_start3A_22 = tpu.memref_slice %arg2[%dma_start3A_20, %dma_start3A_21] : memref<1000000x32xf32, #tpu.memory_space<hbm>> -> memref<1000000x32xf32, #tpu.memory_space<hbm>>
    tpu.enqueue_indirect_dma source(%dma_start3A_22 : memref<1000000x32xf32, #tpu.memory_space<hbm>>) target(%arg8 : memref<50x32xf32, #tpu.memory_space<vmem>>) offsets(%dma_start3A_19 : memref<50xi32, #tpu.memory_space<vmem>>) semaphore(%arg24 : memref<!tpu.dma_semaphore, #tpu.memory_space<semaphore_mem>>)
    %dma_start3A_23 = arith.constant 3 : i32
    %dma_start3A_24 = arith.constant 0 : i32
    %dma_start3A_25 = tpu.memref_slice %arg5[%dma_start3A_23, %dma_start3A_24] : memref<512x50xi32, #tpu.memory_space<vmem>> -> memref<1x50xi32, #tpu.memory_space<vmem>>
    %dma_start3A_26 = tpu.memref_squeeze %dma_start3A_25 : memref<1x50xi32, #tpu.memory_space<vmem>> -> memref<50xi32, #tpu.memory_space<vmem>>
    %dma_start3A_27 = arith.constant 0 : i32
    %dma_start3A_28 = arith.constant 0 : i32
    %dma_start3A_29 = tpu.memref_slice %arg2[%dma_start3A_27, %dma_start3A_28] : memref<1000000x32xf32, #tpu.memory_space<hbm>> -> memref<1000000x32xf32, #tpu.memory_space<hbm>>
    tpu.enqueue_indirect_dma source(%dma_start3A_29 : memref<1000000x32xf32, #tpu.memory_space<hbm>>) target(%arg9 : memref<50x32xf32, #tpu.memory_space<vmem>>) offsets(%dma_start3A_26 : memref<50xi32, #tpu.memory_space<vmem>>) semaphore(%arg25 : memref<!tpu.dma_semaphore, #tpu.memory_space<semaphore_mem>>)
    %dma_start3A_30 = arith.constant 4 : i32
    %dma_start3A_31 = arith.constant 0 : i32
    %dma_start3A_32 = tpu.memref_slice %arg5[%dma_start3A_30, %dma_start3A_31] : memref<512x50xi32, #tpu.memory_space<vmem>> -> memref<1x50xi32, #tpu.memory_space<vmem>>
    %dma_start3A_33 = tpu.memref_squeeze %dma_start3A_32 : memref<1x50xi32, #tpu.memory_space<vmem>> -> memref<50xi32, #tpu.memory_space<vmem>>
    %dma_start3A_34 = arith.constant 0 : i32
    %dma_start3A_35 = arith.constant 0 : i32
    %dma_start3A_36 = tpu.memref_slice %arg2[%dma_start3A_34, %dma_start3A_35] : memref<1000000x32xf32, #tpu.memory_space<hbm>> -> memref<1000000x32xf32, #tpu.memory_space<hbm>>
    tpu.enqueue_indirect_dma source(%dma_start3A_36 : memref<1000000x32xf32, #tpu.memory_space<hbm>>) target(%arg10 : memref<50x32xf32, #tpu.memory_space<vmem>>) offsets(%dma_start3A_33 : memref<50xi32, #tpu.memory_space<vmem>>) semaphore(%arg26 : memref<!tpu.dma_semaphore, #tpu.memory_space<semaphore_mem>>)
    %dma_start3A_37 = arith.constant 5 : i32
    %dma_start3A_38 = arith.constant 0 : i32
    %dma_start3A_39 = tpu.memref_slice %arg5[%dma_start3A_37, %dma_start3A_38] : memref<512x50xi32, #tpu.memory_space<vmem>> -> memref<1x50xi32, #tpu.memory_space<vmem>>
    %dma_start3A_40 = tpu.memref_squeeze %dma_start3A_39 : memref<1x50xi32, #tpu.memory_space<vmem>> -> memref<50xi32, #tpu.memory_space<vmem>>
    %dma_start3A_41 = arith.constant 0 : i32
    %dma_start3A_42 = arith.constant 0 : i32
    %dma_start3A_43 = tpu.memref_slice %arg2[%dma_start3A_41, %dma_start3A_42] : memref<1000000x32xf32, #tpu.memory_space<hbm>> -> memref<1000000x32xf32, #tpu.memory_space<hbm>>
    tpu.enqueue_indirect_dma source(%dma_start3A_43 : memref<1000000x32xf32, #tpu.memory_space<hbm>>) target(%arg11 : memref<50x32xf32, #tpu.memory_space<vmem>>) offsets(%dma_start3A_40 : memref<50xi32, #tpu.memory_space<vmem>>) semaphore(%arg27 : memref<!tpu.dma_semaphore, #tpu.memory_space<semaphore_mem>>)
    %dma_start3A_44 = arith.constant 6 : i32
    %dma_start3A_45 = arith.constant 0 : i32
    %dma_start3A_46 = tpu.memref_slice %arg5[%dma_start3A_44, %dma_start3A_45] : memref<512x50xi32, #tpu.memory_space<vmem>> -> memref<1x50xi32, #tpu.memory_space<vmem>>
    %dma_start3A_47 = tpu.memref_squeeze %dma_start3A_46 : memref<1x50xi32, #tpu.memory_space<vmem>> -> memref<50xi32, #tpu.memory_space<vmem>>
    %dma_start3A_48 = arith.constant 0 : i32
    %dma_start3A_49 = arith.constant 0 : i32
    %dma_start3A_50 = tpu.memref_slice %arg2[%dma_start3A_48, %dma_start3A_49] : memref<1000000x32xf32, #tpu.memory_space<hbm>> -> memref<1000000x32xf32, #tpu.memory_space<hbm>>
    tpu.enqueue_indirect_dma source(%dma_start3A_50 : memref<1000000x32xf32, #tpu.memory_space<hbm>>) target(%arg12 : memref<50x32xf32, #tpu.memory_space<vmem>>) offsets(%dma_start3A_47 : memref<50xi32, #tpu.memory_space<vmem>>) semaphore(%arg28 : memref<!tpu.dma_semaphore, #tpu.memory_space<semaphore_mem>>)
    %dma_start3A_51 = arith.constant 7 : i32
    %dma_start3A_52 = arith.constant 0 : i32
    %dma_start3A_53 = tpu.memref_slice %arg5[%dma_start3A_51, %dma_start3A_52] : memref<512x50xi32, #tpu.memory_space<vmem>> -> memref<1x50xi32, #tpu.memory_space<vmem>>
    %dma_start3A_54 = tpu.memref_squeeze %dma_start3A_53 : memref<1x50xi32, #tpu.memory_space<vmem>> -> memref<50xi32, #tpu.memory_space<vmem>>
    %dma_start3A_55 = arith.constant 0 : i32
    %dma_start3A_56 = arith.constant 0 : i32
    %dma_start3A_57 = tpu.memref_slice %arg2[%dma_start3A_55, %dma_start3A_56] : memref<1000000x32xf32, #tpu.memory_space<hbm>> -> memref<1000000x32xf32, #tpu.memory_space<hbm>>
    tpu.enqueue_indirect_dma source(%dma_start3A_57 : memref<1000000x32xf32, #tpu.memory_space<hbm>>) target(%arg13 : memref<50x32xf32, #tpu.memory_space<vmem>>) offsets(%dma_start3A_54 : memref<50xi32, #tpu.memory_space<vmem>>) semaphore(%arg29 : memref<!tpu.dma_semaphore, #tpu.memory_space<semaphore_mem>>)
    %dma_start3A_58 = arith.constant 8 : i32
    %dma_start3A_59 = arith.constant 0 : i32
    %dma_start3A_60 = tpu.memref_slice %arg5[%dma_start3A_58, %dma_start3A_59] : memref<512x50xi32, #tpu.memory_space<vmem>> -> memref<1x50xi32, #tpu.memory_space<vmem>>
    %dma_start3A_61 = tpu.memref_squeeze %dma_start3A_60 : memref<1x50xi32, #tpu.memory_space<vmem>> -> memref<50xi32, #tpu.memory_space<vmem>>
    %dma_start3A_62 = arith.constant 0 : i32
    %dma_start3A_63 = arith.constant 0 : i32
    %dma_start3A_64 = tpu.memref_slice %arg2[%dma_start3A_62, %dma_start3A_63] : memref<1000000x32xf32, #tpu.memory_space<hbm>> -> memref<1000000x32xf32, #tpu.memory_space<hbm>>
    tpu.enqueue_indirect_dma source(%dma_start3A_64 : memref<1000000x32xf32, #tpu.memory_space<hbm>>) target(%arg14 : memref<50x32xf32, #tpu.memory_space<vmem>>) offsets(%dma_start3A_61 : memref<50xi32, #tpu.memory_space<vmem>>) semaphore(%arg30 : memref<!tpu.dma_semaphore, #tpu.memory_space<semaphore_mem>>)
    %dma_start3A_65 = arith.constant 9 : i32
    %dma_start3A_66 = arith.constant 0 : i32
    %dma_start3A_67 = tpu.memref_slice %arg5[%dma_start3A_65, %dma_start3A_66] : memref<512x50xi32, #tpu.memory_space<vmem>> -> memref<1x50xi32, #tpu.memory_space<vmem>>
    %dma_start3A_68 = tpu.memref_squeeze %dma_start3A_67 : memref<1x50xi32, #tpu.memory_space<vmem>> -> memref<50xi32, #tpu.memory_space<vmem>>
    %dma_start3A_69 = arith.constant 0 : i32
    %dma_start3A_70 = arith.constant 0 : i32
    %dma_start3A_71 = tpu.memref_slice %arg2[%dma_start3A_69, %dma_start3A_70] : memref<1000000x32xf32, #tpu.memory_space<hbm>> -> memref<1000000x32xf32, #tpu.memory_space<hbm>>
    tpu.enqueue_indirect_dma source(%dma_start3A_71 : memref<1000000x32xf32, #tpu.memory_space<hbm>>) target(%arg15 : memref<50x32xf32, #tpu.memory_space<vmem>>) offsets(%dma_start3A_68 : memref<50xi32, #tpu.memory_space<vmem>>) semaphore(%arg31 : memref<!tpu.dma_semaphore, #tpu.memory_space<semaphore_mem>>)
    %dma_start3A_72 = arith.constant 10 : i32
    %dma_start3A_73 = arith.constant 0 : i32
    %dma_start3A_74 = tpu.memref_slice %arg5[%dma_start3A_72, %dma_start3A_73] : memref<512x50xi32, #tpu.memory_space<vmem>> -> memref<1x50xi32, #tpu.memory_space<vmem>>
    %dma_start3A_75 = tpu.memref_squeeze %dma_start3A_74 : memref<1x50xi32, #tpu.memory_space<vmem>> -> memref<50xi32, #tpu.memory_space<vmem>>
    %dma_start3A_76 = arith.constant 0 : i32
    %dma_start3A_77 = arith.constant 0 : i32
    %dma_start3A_78 = tpu.memref_slice %arg2[%dma_start3A_76, %dma_start3A_77] : memref<1000000x32xf32, #tpu.memory_space<hbm>> -> memref<1000000x32xf32, #tpu.memory_space<hbm>>
    tpu.enqueue_indirect_dma source(%dma_start3A_78 : memref<1000000x32xf32, #tpu.memory_space<hbm>>) target(%arg16 : memref<50x32xf32, #tpu.memory_space<vmem>>) offsets(%dma_start3A_75 : memref<50xi32, #tpu.memory_space<vmem>>) semaphore(%arg32 : memref<!tpu.dma_semaphore, #tpu.memory_space<semaphore_mem>>)
    %dma_start3A_79 = arith.constant 11 : i32
    %dma_start3A_80 = arith.constant 0 : i32
    %dma_start3A_81 = tpu.memref_slice %arg5[%dma_start3A_79, %dma_start3A_80] : memref<512x50xi32, #tpu.memory_space<vmem>> -> memref<1x50xi32, #tpu.memory_space<vmem>>
    %dma_start3A_82 = tpu.memref_squeeze %dma_start3A_81 : memref<1x50xi32, #tpu.memory_space<vmem>> -> memref<50xi32, #tpu.memory_space<vmem>>
    %dma_start3A_83 = arith.constant 0 : i32
    %dma_start3A_84 = arith.constant 0 : i32
    %dma_start3A_85 = tpu.memref_slice %arg2[%dma_start3A_83, %dma_start3A_84] : memref<1000000x32xf32, #tpu.memory_space<hbm>> -> memref<1000000x32xf32, #tpu.memory_space<hbm>>
    tpu.enqueue_indirect_dma source(%dma_start3A_85 : memref<1000000x32xf32, #tpu.memory_space<hbm>>) target(%arg17 : memref<50x32xf32, #tpu.memory_space<vmem>>) offsets(%dma_start3A_82 : memref<50xi32, #tpu.memory_space<vmem>>) semaphore(%arg33 : memref<!tpu.dma_semaphore, #tpu.memory_space<semaphore_mem>>)
    %dma_start3A_86 = arith.constant 12 : i32
    %dma_start3A_87 = arith.constant 0 : i32
    %dma_start3A_88 = tpu.memref_slice %arg5[%dma_start3A_86, %dma_start3A_87] : memref<512x50xi32, #tpu.memory_space<vmem>> -> memref<1x50xi32, #tpu.memory_space<vmem>>
    %dma_start3A_89 = tpu.memref_squeeze %dma_start3A_88 : memref<1x50xi32, #tpu.memory_space<vmem>> -> memref<50xi32, #tpu.memory_space<vmem>>
    %dma_start3A_90 = arith.constant 0 : i32
    %dma_start3A_91 = arith.constant 0 : i32
    %dma_start3A_92 = tpu.memref_slice %arg2[%dma_start3A_90, %dma_start3A_91] : memref<1000000x32xf32, #tpu.memory_space<hbm>> -> memref<1000000x32xf32, #tpu.memory_space<hbm>>
    tpu.enqueue_indirect_dma source(%dma_start3A_92 : memref<1000000x32xf32, #tpu.memory_space<hbm>>) target(%arg18 : memref<50x32xf32, #tpu.memory_space<vmem>>) offsets(%dma_start3A_89 : memref<50xi32, #tpu.memory_space<vmem>>) semaphore(%arg34 : memref<!tpu.dma_semaphore, #tpu.memory_space<semaphore_mem>>)
    %dma_start3A_93 = arith.constant 13 : i32
    %dma_start3A_94 = arith.constant 0 : i32
    %dma_start3A_95 = tpu.memref_slice %arg5[%dma_start3A_93, %dma_start3A_94] : memref<512x50xi32, #tpu.memory_space<vmem>> -> memref<1x50xi32, #tpu.memory_space<vmem>>
    %dma_start3A_96 = tpu.memref_squeeze %dma_start3A_95 : memref<1x50xi32, #tpu.memory_space<vmem>> -> memref<50xi32, #tpu.memory_space<vmem>>
    %dma_start3A_97 = arith.constant 0 : i32
    %dma_start3A_98 = arith.constant 0 : i32
    %dma_start3A_99 = tpu.memref_slice %arg2[%dma_start3A_97, %dma_start3A_98] : memref<1000000x32xf32, #tpu.memory_space<hbm>> -> memref<1000000x32xf32, #tpu.memory_space<hbm>>
    tpu.enqueue_indirect_dma source(%dma_start3A_99 : memref<1000000x32xf32, #tpu.memory_space<hbm>>) target(%arg19 : memref<50x32xf32, #tpu.memory_space<vmem>>) offsets(%dma_start3A_96 : memref<50xi32, #tpu.memory_space<vmem>>) semaphore(%arg35 : memref<!tpu.dma_semaphore, #tpu.memory_space<semaphore_mem>>)
    %dma_start3A_100 = arith.constant 14 : i32
    %dma_start3A_101 = arith.constant 0 : i32
    %dma_start3A_102 = tpu.memref_slice %arg5[%dma_start3A_100, %dma_start3A_101] : memref<512x50xi32, #tpu.memory_space<vmem>> -> memref<1x50xi32, #tpu.memory_space<vmem>>
    %dma_start3A_103 = tpu.memref_squeeze %dma_start3A_102 : memref<1x50xi32, #tpu.memory_space<vmem>> -> memref<50xi32, #tpu.memory_space<vmem>>
    %dma_start3A_104 = arith.constant 0 : i32
    %dma_start3A_105 = arith.constant 0 : i32
    %dma_start3A_106 = tpu.memref_slice %arg2[%dma_start3A_104, %dma_start3A_105] : memref<1000000x32xf32, #tpu.memory_space<hbm>> -> memref<1000000x32xf32, #tpu.memory_space<hbm>>
    tpu.enqueue_indirect_dma source(%dma_start3A_106 : memref<1000000x32xf32, #tpu.memory_space<hbm>>) target(%arg20 : memref<50x32xf32, #tpu.memory_space<vmem>>) offsets(%dma_start3A_103 : memref<50xi32, #tpu.memory_space<vmem>>) semaphore(%arg36 : memref<!tpu.dma_semaphore, #tpu.memory_space<semaphore_mem>>)
    %dma_start3A_107 = arith.constant 15 : i32
    %dma_start3A_108 = arith.constant 0 : i32
    %dma_start3A_109 = tpu.memref_slice %arg5[%dma_start3A_107, %dma_start3A_108] : memref<512x50xi32, #tpu.memory_space<vmem>> -> memref<1x50xi32, #tpu.memory_space<vmem>>
    %dma_start3A_110 = tpu.memref_squeeze %dma_start3A_109 : memref<1x50xi32, #tpu.memory_space<vmem>> -> memref<50xi32, #tpu.memory_space<vmem>>
    %dma_start3A_111 = arith.constant 0 : i32
    %dma_start3A_112 = arith.constant 0 : i32
    %dma_start3A_113 = tpu.memref_slice %arg2[%dma_start3A_111, %dma_start3A_112] : memref<1000000x32xf32, #tpu.memory_space<hbm>> -> memref<1000000x32xf32, #tpu.memory_space<hbm>>
    tpu.enqueue_indirect_dma source(%dma_start3A_113 : memref<1000000x32xf32, #tpu.memory_space<hbm>>) target(%arg21 : memref<50x32xf32, #tpu.memory_space<vmem>>) offsets(%dma_start3A_110 : memref<50xi32, #tpu.memory_space<vmem>>) semaphore(%arg37 : memref<!tpu.dma_semaphore, #tpu.memory_space<semaphore_mem>>)
    %scan3A = arith.constant 0 : i32
    %scan3A_114 = arith.constant 31 : i32
    %scan3A_115 = arith.addi %scan3A, %scan3A_114 : i32
    %scan3A_116 = arith.constant 1 : i32
    scf.for %scan3A_261 = %scan3A to %scan3A_115 step %scan3A_116  : i32 {
      %mul3A_262 = arith.constant 16 : i32
      %mul3A_263 = arith.muli %scan3A_261, %mul3A_262 : i32
      %add3A_264 = arith.constant 0 : i32
      %add3A_265 = arith.addi %mul3A_263, %add3A_264 : i32
      %dma_wait3A_266 = arith.constant 0 : i32
      %dma_wait3A_267 = arith.constant 0 : i32
      %dma_wait3A_268 = tpu.memref_slice %arg5[%dma_wait3A_266, %dma_wait3A_267] : memref<512x50xi32, #tpu.memory_space<vmem>> -> memref<1x50xi32, #tpu.memory_space<vmem>>
      %dma_wait3A_269 = tpu.memref_squeeze %dma_wait3A_268 : memref<1x50xi32, #tpu.memory_space<vmem>> -> memref<50xi32, #tpu.memory_space<vmem>>
      %dma_wait3A_270 = arith.constant 0 : i32
      %dma_wait3A_271 = arith.constant 0 : i32
      %dma_wait3A_272 = tpu.memref_slice %arg2[%dma_wait3A_270, %dma_wait3A_271] : memref<1000000x32xf32, #tpu.memory_space<hbm>> -> memref<1000000x32xf32, #tpu.memory_space<hbm>>
      tpu.wait_indirect_dma semaphore(%arg22 : memref<!tpu.dma_semaphore, #tpu.memory_space<semaphore_mem>>) src(%dma_wait3A_272 : memref<1000000x32xf32, #tpu.memory_space<hbm>>) dst(%arg6 : memref<50x32xf32, #tpu.memory_space<vmem>>)
      %add3A_273 = arith.addi %mul3A_2, %add3A_265 : i32
      "tpu.region"() ({
        %run_scoped3A = tpu.sem_alloc : memref<!tpu.dma_semaphore, #tpu.memory_space<semaphore_mem>>
        %dma_start3A_552 = arith.constant 0 : i32
        %dma_start3A_553 = arith.constant 0 : i32
        %dma_start3A_554 = tpu.memref_slice %arg4[%add3A_273, %dma_start3A_552, %dma_start3A_553] : memref<16384x50x32xf32, #tpu.memory_space<hbm>> -> memref<1x50x32xf32, #tpu.memory_space<hbm>>
        %dma_start3A_555 = tpu.memref_squeeze %dma_start3A_554 : memref<1x50x32xf32, #tpu.memory_space<hbm>> -> memref<50x32xf32, #tpu.memory_space<hbm>>
        %dma_start3A_556 = arith.constant 0 : i32
        %dma_start3A_557 = arith.constant 0 : i32
        %dma_start3A_558 = tpu.memref_slice %arg4[%add3A_273, %dma_start3A_556, %dma_start3A_557] : memref<16384x50x32xf32, #tpu.memory_space<hbm>> -> memref<1x50x32xf32, #tpu.memory_space<hbm>>
        %dma_start3A_559 = tpu.memref_squeeze %dma_start3A_558 : memref<1x50x32xf32, #tpu.memory_space<hbm>> -> memref<50x32xf32, #tpu.memory_space<hbm>>
        tpu.enqueue_dma source(%arg6 : memref<50x32xf32, #tpu.memory_space<vmem>>) target(%dma_start3A_559 : memref<50x32xf32, #tpu.memory_space<hbm>>) target_semaphore(%run_scoped3A : memref<!tpu.dma_semaphore, #tpu.memory_space<semaphore_mem>>)
        %dma_wait3A_560 = arith.constant 0 : i32
        %dma_wait3A_561 = arith.constant 0 : i32
        %dma_wait3A_562 = tpu.memref_slice %arg4[%add3A_273, %dma_wait3A_560, %dma_wait3A_561] : memref<16384x50x32xf32, #tpu.memory_space<hbm>> -> memref<1x50x32xf32, #tpu.memory_space<hbm>>
        %dma_wait3A_563 = tpu.memref_squeeze %dma_wait3A_562 : memref<1x50x32xf32, #tpu.memory_space<hbm>> -> memref<50x32xf32, #tpu.memory_space<hbm>>
        %dma_wait3A_564 = arith.constant 0 : i32
        %dma_wait3A_565 = arith.constant 0 : i32
        %dma_wait3A_566 = tpu.memref_slice %arg4[%add3A_273, %dma_wait3A_564, %dma_wait3A_565] : memref<16384x50x32xf32, #tpu.memory_space<hbm>> -> memref<1x50x32xf32, #tpu.memory_space<hbm>>
        %dma_wait3A_567 = tpu.memref_squeeze %dma_wait3A_566 : memref<1x50x32xf32, #tpu.memory_space<hbm>> -> memref<50x32xf32, #tpu.memory_space<hbm>>
        tpu.wait_dma2 semaphore(%run_scoped3A : memref<!tpu.dma_semaphore, #tpu.memory_space<semaphore_mem>>) src(%arg6 : memref<50x32xf32, #tpu.memory_space<vmem>>) dst(%dma_wait3A_567 : memref<50x32xf32, #tpu.memory_space<hbm>>)
        tpu.yield
      }) : () -> ()
      %add3A_274 = arith.constant 16 : i32
      %add3A_275 = arith.addi %add3A_265, %add3A_274 : i32
      %dma_start3A_276 = arith.constant 0 : i32
      %dma_start3A_277 = tpu.memref_slice %arg5[%add3A_275, %dma_start3A_276] : memref<512x50xi32, #tpu.memory_space<vmem>> -> memref<1x50xi32, #tpu.memory_space<vmem>>
      %dma_start3A_278 = tpu.memref_squeeze %dma_start3A_277 : memref<1x50xi32, #tpu.memory_space<vmem>> -> memref<50xi32, #tpu.memory_space<vmem>>
      %dma_start3A_279 = arith.constant 0 : i32
      %dma_start3A_280 = arith.constant 0 : i32
      %dma_start3A_281 = tpu.memref_slice %arg2[%dma_start3A_279, %dma_start3A_280] : memref<1000000x32xf32, #tpu.memory_space<hbm>> -> memref<1000000x32xf32, #tpu.memory_space<hbm>>
      tpu.enqueue_indirect_dma source(%dma_start3A_281 : memref<1000000x32xf32, #tpu.memory_space<hbm>>) target(%arg6 : memref<50x32xf32, #tpu.memory_space<vmem>>) offsets(%dma_start3A_278 : memref<50xi32, #tpu.memory_space<vmem>>) semaphore(%arg22 : memref<!tpu.dma_semaphore, #tpu.memory_space<semaphore_mem>>)
      %add3A_282 = arith.constant 1 : i32
      %add3A_283 = arith.addi %mul3A_263, %add3A_282 : i32
      %dma_wait3A_284 = arith.constant 0 : i32
      %dma_wait3A_285 = arith.constant 0 : i32
      %dma_wait3A_286 = tpu.memref_slice %arg5[%dma_wait3A_284, %dma_wait3A_285] : memref<512x50xi32, #tpu.memory_space<vmem>> -> memref<1x50xi32, #tpu.memory_space<vmem>>
      %dma_wait3A_287 = tpu.memref_squeeze %dma_wait3A_286 : memref<1x50xi32, #tpu.memory_space<vmem>> -> memref<50xi32, #tpu.memory_space<vmem>>
      %dma_wait3A_288 = arith.constant 0 : i32
      %dma_wait3A_289 = arith.constant 0 : i32
      %dma_wait3A_290 = tpu.memref_slice %arg2[%dma_wait3A_288, %dma_wait3A_289] : memref<1000000x32xf32, #tpu.memory_space<hbm>> -> memref<1000000x32xf32, #tpu.memory_space<hbm>>
      tpu.wait_indirect_dma semaphore(%arg23 : memref<!tpu.dma_semaphore, #tpu.memory_space<semaphore_mem>>) src(%dma_wait3A_290 : memref<1000000x32xf32, #tpu.memory_space<hbm>>) dst(%arg7 : memref<50x32xf32, #tpu.memory_space<vmem>>)
      %add3A_291 = arith.addi %mul3A_2, %add3A_283 : i32
      "tpu.region"() ({
        %run_scoped3A = tpu.sem_alloc : memref<!tpu.dma_semaphore, #tpu.memory_space<semaphore_mem>>
        %dma_start3A_552 = arith.constant 0 : i32
        %dma_start3A_553 = arith.constant 0 : i32
        %dma_start3A_554 = tpu.memref_slice %arg4[%add3A_291, %dma_start3A_552, %dma_start3A_553] : memref<16384x50x32xf32, #tpu.memory_space<hbm>> -> memref<1x50x32xf32, #tpu.memory_space<hbm>>
        %dma_start3A_555 = tpu.memref_squeeze %dma_start3A_554 : memref<1x50x32xf32, #tpu.memory_space<hbm>> -> memref<50x32xf32, #tpu.memory_space<hbm>>
        %dma_start3A_556 = arith.constant 0 : i32
        %dma_start3A_557 = arith.constant 0 : i32
        %dma_start3A_558 = tpu.memref_slice %arg4[%add3A_291, %dma_start3A_556, %dma_start3A_557] : memref<16384x50x32xf32, #tpu.memory_space<hbm>> -> memref<1x50x32xf32, #tpu.memory_space<hbm>>
        %dma_start3A_559 = tpu.memref_squeeze %dma_start3A_558 : memref<1x50x32xf32, #tpu.memory_space<hbm>> -> memref<50x32xf32, #tpu.memory_space<hbm>>
        tpu.enqueue_dma source(%arg7 : memref<50x32xf32, #tpu.memory_space<vmem>>) target(%dma_start3A_559 : memref<50x32xf32, #tpu.memory_space<hbm>>) target_semaphore(%run_scoped3A : memref<!tpu.dma_semaphore, #tpu.memory_space<semaphore_mem>>)
        %dma_wait3A_560 = arith.constant 0 : i32
        %dma_wait3A_561 = arith.constant 0 : i32
        %dma_wait3A_562 = tpu.memref_slice %arg4[%add3A_291, %dma_wait3A_560, %dma_wait3A_561] : memref<16384x50x32xf32, #tpu.memory_space<hbm>> -> memref<1x50x32xf32, #tpu.memory_space<hbm>>
        %dma_wait3A_563 = tpu.memref_squeeze %dma_wait3A_562 : memref<1x50x32xf32, #tpu.memory_space<hbm>> -> memref<50x32xf32, #tpu.memory_space<hbm>>
        %dma_wait3A_564 = arith.constant 0 : i32
        %dma_wait3A_565 = arith.constant 0 : i32
        %dma_wait3A_566 = tpu.memref_slice %arg4[%add3A_291, %dma_wait3A_564, %dma_wait3A_565] : memref<16384x50x32xf32, #tpu.memory_space<hbm>> -> memref<1x50x32xf32, #tpu.memory_space<hbm>>
        %dma_wait3A_567 = tpu.memref_squeeze %dma_wait3A_566 : memref<1x50x32xf32, #tpu.memory_space<hbm>> -> memref<50x32xf32, #tpu.memory_space<hbm>>
        tpu.wait_dma2 semaphore(%run_scoped3A : memref<!tpu.dma_semaphore, #tpu.memory_space<semaphore_mem>>) src(%arg7 : memref<50x32xf32, #tpu.memory_space<vmem>>) dst(%dma_wait3A_567 : memref<50x32xf32, #tpu.memory_space<hbm>>)
        tpu.yield
      }) : () -> ()
      %add3A_292 = arith.constant 16 : i32
      %add3A_293 = arith.addi %add3A_283, %add3A_292 : i32
      %dma_start3A_294 = arith.constant 0 : i32
      %dma_start3A_295 = tpu.memref_slice %arg5[%add3A_293, %dma_start3A_294] : memref<512x50xi32, #tpu.memory_space<vmem>> -> memref<1x50xi32, #tpu.memory_space<vmem>>
      %dma_start3A_296 = tpu.memref_squeeze %dma_start3A_295 : memref<1x50xi32, #tpu.memory_space<vmem>> -> memref<50xi32, #tpu.memory_space<vmem>>
      %dma_start3A_297 = arith.constant 0 : i32
      %dma_start3A_298 = arith.constant 0 : i32
      %dma_start3A_299 = tpu.memref_slice %arg2[%dma_start3A_297, %dma_start3A_298] : memref<1000000x32xf32, #tpu.memory_space<hbm>> -> memref<1000000x32xf32, #tpu.memory_space<hbm>>
      tpu.enqueue_indirect_dma source(%dma_start3A_299 : memref<1000000x32xf32, #tpu.memory_space<hbm>>) target(%arg7 : memref<50x32xf32, #tpu.memory_space<vmem>>) offsets(%dma_start3A_296 : memref<50xi32, #tpu.memory_space<vmem>>) semaphore(%arg23 : memref<!tpu.dma_semaphore, #tpu.memory_space<semaphore_mem>>)
      %add3A_300 = arith.constant 2 : i32
      %add3A_301 = arith.addi %mul3A_263, %add3A_300 : i32
      %dma_wait3A_302 = arith.constant 0 : i32
      %dma_wait3A_303 = arith.constant 0 : i32
      %dma_wait3A_304 = tpu.memref_slice %arg5[%dma_wait3A_302, %dma_wait3A_303] : memref<512x50xi32, #tpu.memory_space<vmem>> -> memref<1x50xi32, #tpu.memory_space<vmem>>
      %dma_wait3A_305 = tpu.memref_squeeze %dma_wait3A_304 : memref<1x50xi32, #tpu.memory_space<vmem>> -> memref<50xi32, #tpu.memory_space<vmem>>
      %dma_wait3A_306 = arith.constant 0 : i32
      %dma_wait3A_307 = arith.constant 0 : i32
      %dma_wait3A_308 = tpu.memref_slice %arg2[%dma_wait3A_306, %dma_wait3A_307] : memref<1000000x32xf32, #tpu.memory_space<hbm>> -> memref<1000000x32xf32, #tpu.memory_space<hbm>>
      tpu.wait_indirect_dma semaphore(%arg24 : memref<!tpu.dma_semaphore, #tpu.memory_space<semaphore_mem>>) src(%dma_wait3A_308 : memref<1000000x32xf32, #tpu.memory_space<hbm>>) dst(%arg8 : memref<50x32xf32, #tpu.memory_space<vmem>>)
      %add3A_309 = arith.addi %mul3A_2, %add3A_301 : i32
      "tpu.region"() ({
        %run_scoped3A = tpu.sem_alloc : memref<!tpu.dma_semaphore, #tpu.memory_space<semaphore_mem>>
        %dma_start3A_552 = arith.constant 0 : i32
        %dma_start3A_553 = arith.constant 0 : i32
        %dma_start3A_554 = tpu.memref_slice %arg4[%add3A_309, %dma_start3A_552, %dma_start3A_553] : memref<16384x50x32xf32, #tpu.memory_space<hbm>> -> memref<1x50x32xf32, #tpu.memory_space<hbm>>
        %dma_start3A_555 = tpu.memref_squeeze %dma_start3A_554 : memref<1x50x32xf32, #tpu.memory_space<hbm>> -> memref<50x32xf32, #tpu.memory_space<hbm>>
        %dma_start3A_556 = arith.constant 0 : i32
        %dma_start3A_557 = arith.constant 0 : i32
        %dma_start3A_558 = tpu.memref_slice %arg4[%add3A_309, %dma_start3A_556, %dma_start3A_557] : memref<16384x50x32xf32, #tpu.memory_space<hbm>> -> memref<1x50x32xf32, #tpu.memory_space<hbm>>
        %dma_start3A_559 = tpu.memref_squeeze %dma_start3A_558 : memref<1x50x32xf32, #tpu.memory_space<hbm>> -> memref<50x32xf32, #tpu.memory_space<hbm>>
        tpu.enqueue_dma source(%arg8 : memref<50x32xf32, #tpu.memory_space<vmem>>) target(%dma_start3A_559 : memref<50x32xf32, #tpu.memory_space<hbm>>) target_semaphore(%run_scoped3A : memref<!tpu.dma_semaphore, #tpu.memory_space<semaphore_mem>>)
        %dma_wait3A_560 = arith.constant 0 : i32
        %dma_wait3A_561 = arith.constant 0 : i32
        %dma_wait3A_562 = tpu.memref_slice %arg4[%add3A_309, %dma_wait3A_560, %dma_wait3A_561] : memref<16384x50x32xf32, #tpu.memory_space<hbm>> -> memref<1x50x32xf32, #tpu.memory_space<hbm>>
        %dma_wait3A_563 = tpu.memref_squeeze %dma_wait3A_562 : memref<1x50x32xf32, #tpu.memory_space<hbm>> -> memref<50x32xf32, #tpu.memory_space<hbm>>
        %dma_wait3A_564 = arith.constant 0 : i32
        %dma_wait3A_565 = arith.constant 0 : i32
        %dma_wait3A_566 = tpu.memref_slice %arg4[%add3A_309, %dma_wait3A_564, %dma_wait3A_565] : memref<16384x50x32xf32, #tpu.memory_space<hbm>> -> memref<1x50x32xf32, #tpu.memory_space<hbm>>
        %dma_wait3A_567 = tpu.memref_squeeze %dma_wait3A_566 : memref<1x50x32xf32, #tpu.memory_space<hbm>> -> memref<50x32xf32, #tpu.memory_space<hbm>>
        tpu.wait_dma2 semaphore(%run_scoped3A : memref<!tpu.dma_semaphore, #tpu.memory_space<semaphore_mem>>) src(%arg8 : memref<50x32xf32, #tpu.memory_space<vmem>>) dst(%dma_wait3A_567 : memref<50x32xf32, #tpu.memory_space<hbm>>)
        tpu.yield
      }) : () -> ()
      %add3A_310 = arith.constant 16 : i32
      %add3A_311 = arith.addi %add3A_301, %add3A_310 : i32
      %dma_start3A_312 = arith.constant 0 : i32
      %dma_start3A_313 = tpu.memref_slice %arg5[%add3A_311, %dma_start3A_312] : memref<512x50xi32, #tpu.memory_space<vmem>> -> memref<1x50xi32, #tpu.memory_space<vmem>>
      %dma_start3A_314 = tpu.memref_squeeze %dma_start3A_313 : memref<1x50xi32, #tpu.memory_space<vmem>> -> memref<50xi32, #tpu.memory_space<vmem>>
      %dma_start3A_315 = arith.constant 0 : i32
      %dma_start3A_316 = arith.constant 0 : i32
      %dma_start3A_317 = tpu.memref_slice %arg2[%dma_start3A_315, %dma_start3A_316] : memref<1000000x32xf32, #tpu.memory_space<hbm>> -> memref<1000000x32xf32, #tpu.memory_space<hbm>>
      tpu.enqueue_indirect_dma source(%dma_start3A_317 : memref<1000000x32xf32, #tpu.memory_space<hbm>>) target(%arg8 : memref<50x32xf32, #tpu.memory_space<vmem>>) offsets(%dma_start3A_314 : memref<50xi32, #tpu.memory_space<vmem>>) semaphore(%arg24 : memref<!tpu.dma_semaphore, #tpu.memory_space<semaphore_mem>>)
      %add3A_318 = arith.constant 3 : i32
      %add3A_319 = arith.addi %mul3A_263, %add3A_318 : i32
      %dma_wait3A_320 = arith.constant 0 : i32
      %dma_wait3A_321 = arith.constant 0 : i32
      %dma_wait3A_322 = tpu.memref_slice %arg5[%dma_wait3A_320, %dma_wait3A_321] : memref<512x50xi32, #tpu.memory_space<vmem>> -> memref<1x50xi32, #tpu.memory_space<vmem>>
      %dma_wait3A_323 = tpu.memref_squeeze %dma_wait3A_322 : memref<1x50xi32, #tpu.memory_space<vmem>> -> memref<50xi32, #tpu.memory_space<vmem>>
      %dma_wait3A_324 = arith.constant 0 : i32
      %dma_wait3A_325 = arith.constant 0 : i32
      %dma_wait3A_326 = tpu.memref_slice %arg2[%dma_wait3A_324, %dma_wait3A_325] : memref<1000000x32xf32, #tpu.memory_space<hbm>> -> memref<1000000x32xf32, #tpu.memory_space<hbm>>
      tpu.wait_indirect_dma semaphore(%arg25 : memref<!tpu.dma_semaphore, #tpu.memory_space<semaphore_mem>>) src(%dma_wait3A_326 : memref<1000000x32xf32, #tpu.memory_space<hbm>>) dst(%arg9 : memref<50x32xf32, #tpu.memory_space<vmem>>)
      %add3A_327 = arith.addi %mul3A_2, %add3A_319 : i32
      "tpu.region"() ({
        %run_scoped3A = tpu.sem_alloc : memref<!tpu.dma_semaphore, #tpu.memory_space<semaphore_mem>>
        %dma_start3A_552 = arith.constant 0 : i32
        %dma_start3A_553 = arith.constant 0 : i32
        %dma_start3A_554 = tpu.memref_slice %arg4[%add3A_327, %dma_start3A_552, %dma_start3A_553] : memref<16384x50x32xf32, #tpu.memory_space<hbm>> -> memref<1x50x32xf32, #tpu.memory_space<hbm>>
        %dma_start3A_555 = tpu.memref_squeeze %dma_start3A_554 : memref<1x50x32xf32, #tpu.memory_space<hbm>> -> memref<50x32xf32, #tpu.memory_space<hbm>>
        %dma_start3A_556 = arith.constant 0 : i32
        %dma_start3A_557 = arith.constant 0 : i32
        %dma_start3A_558 = tpu.memref_slice %arg4[%add3A_327, %dma_start3A_556, %dma_start3A_557] : memref<16384x50x32xf32, #tpu.memory_space<hbm>> -> memref<1x50x32xf32, #tpu.memory_space<hbm>>
        %dma_start3A_559 = tpu.memref_squeeze %dma_start3A_558 : memref<1x50x32xf32, #tpu.memory_space<hbm>> -> memref<50x32xf32, #tpu.memory_space<hbm>>
        tpu.enqueue_dma source(%arg9 : memref<50x32xf32, #tpu.memory_space<vmem>>) target(%dma_start3A_559 : memref<50x32xf32, #tpu.memory_space<hbm>>) target_semaphore(%run_scoped3A : memref<!tpu.dma_semaphore, #tpu.memory_space<semaphore_mem>>)
        %dma_wait3A_560 = arith.constant 0 : i32
        %dma_wait3A_561 = arith.constant 0 : i32
        %dma_wait3A_562 = tpu.memref_slice %arg4[%add3A_327, %dma_wait3A_560, %dma_wait3A_561] : memref<16384x50x32xf32, #tpu.memory_space<hbm>> -> memref<1x50x32xf32, #tpu.memory_space<hbm>>
        %dma_wait3A_563 = tpu.memref_squeeze %dma_wait3A_562 : memref<1x50x32xf32, #tpu.memory_space<hbm>> -> memref<50x32xf32, #tpu.memory_space<hbm>>
        %dma_wait3A_564 = arith.constant 0 : i32
        %dma_wait3A_565 = arith.constant 0 : i32
        %dma_wait3A_566 = tpu.memref_slice %arg4[%add3A_327, %dma_wait3A_564, %dma_wait3A_565] : memref<16384x50x32xf32, #tpu.memory_space<hbm>> -> memref<1x50x32xf32, #tpu.memory_space<hbm>>
        %dma_wait3A_567 = tpu.memref_squeeze %dma_wait3A_566 : memref<1x50x32xf32, #tpu.memory_space<hbm>> -> memref<50x32xf32, #tpu.memory_space<hbm>>
        tpu.wait_dma2 semaphore(%run_scoped3A : memref<!tpu.dma_semaphore, #tpu.memory_space<semaphore_mem>>) src(%arg9 : memref<50x32xf32, #tpu.memory_space<vmem>>) dst(%dma_wait3A_567 : memref<50x32xf32, #tpu.memory_space<hbm>>)
        tpu.yield
      }) : () -> ()
      %add3A_328 = arith.constant 16 : i32
      %add3A_329 = arith.addi %add3A_319, %add3A_328 : i32
      %dma_start3A_330 = arith.constant 0 : i32
      %dma_start3A_331 = tpu.memref_slice %arg5[%add3A_329, %dma_start3A_330] : memref<512x50xi32, #tpu.memory_space<vmem>> -> memref<1x50xi32, #tpu.memory_space<vmem>>
      %dma_start3A_332 = tpu.memref_squeeze %dma_start3A_331 : memref<1x50xi32, #tpu.memory_space<vmem>> -> memref<50xi32, #tpu.memory_space<vmem>>
      %dma_start3A_333 = arith.constant 0 : i32
      %dma_start3A_334 = arith.constant 0 : i32
      %dma_start3A_335 = tpu.memref_slice %arg2[%dma_start3A_333, %dma_start3A_334] : memref<1000000x32xf32, #tpu.memory_space<hbm>> -> memref<1000000x32xf32, #tpu.memory_space<hbm>>
      tpu.enqueue_indirect_dma source(%dma_start3A_335 : memref<1000000x32xf32, #tpu.memory_space<hbm>>) target(%arg9 : memref<50x32xf32, #tpu.memory_space<vmem>>) offsets(%dma_start3A_332 : memref<50xi32, #tpu.memory_space<vmem>>) semaphore(%arg25 : memref<!tpu.dma_semaphore, #tpu.memory_space<semaphore_mem>>)
      %add3A_336 = arith.constant 4 : i32
      %add3A_337 = arith.addi %mul3A_263, %add3A_336 : i32
      %dma_wait3A_338 = arith.constant 0 : i32
      %dma_wait3A_339 = arith.constant 0 : i32
      %dma_wait3A_340 = tpu.memref_slice %arg5[%dma_wait3A_338, %dma_wait3A_339] : memref<512x50xi32, #tpu.memory_space<vmem>> -> memref<1x50xi32, #tpu.memory_space<vmem>>
      %dma_wait3A_341 = tpu.memref_squeeze %dma_wait3A_340 : memref<1x50xi32, #tpu.memory_space<vmem>> -> memref<50xi32, #tpu.memory_space<vmem>>
      %dma_wait3A_342 = arith.constant 0 : i32
      %dma_wait3A_343 = arith.constant 0 : i32
      %dma_wait3A_344 = tpu.memref_slice %arg2[%dma_wait3A_342, %dma_wait3A_343] : memref<1000000x32xf32, #tpu.memory_space<hbm>> -> memref<1000000x32xf32, #tpu.memory_space<hbm>>
      tpu.wait_indirect_dma semaphore(%arg26 : memref<!tpu.dma_semaphore, #tpu.memory_space<semaphore_mem>>) src(%dma_wait3A_344 : memref<1000000x32xf32, #tpu.memory_space<hbm>>) dst(%arg10 : memref<50x32xf32, #tpu.memory_space<vmem>>)
      %add3A_345 = arith.addi %mul3A_2, %add3A_337 : i32
      "tpu.region"() ({
        %run_scoped3A = tpu.sem_alloc : memref<!tpu.dma_semaphore, #tpu.memory_space<semaphore_mem>>
        %dma_start3A_552 = arith.constant 0 : i32
        %dma_start3A_553 = arith.constant 0 : i32
        %dma_start3A_554 = tpu.memref_slice %arg4[%add3A_345, %dma_start3A_552, %dma_start3A_553] : memref<16384x50x32xf32, #tpu.memory_space<hbm>> -> memref<1x50x32xf32, #tpu.memory_space<hbm>>
        %dma_start3A_555 = tpu.memref_squeeze %dma_start3A_554 : memref<1x50x32xf32, #tpu.memory_space<hbm>> -> memref<50x32xf32, #tpu.memory_space<hbm>>
        %dma_start3A_556 = arith.constant 0 : i32
        %dma_start3A_557 = arith.constant 0 : i32
        %dma_start3A_558 = tpu.memref_slice %arg4[%add3A_345, %dma_start3A_556, %dma_start3A_557] : memref<16384x50x32xf32, #tpu.memory_space<hbm>> -> memref<1x50x32xf32, #tpu.memory_space<hbm>>
        %dma_start3A_559 = tpu.memref_squeeze %dma_start3A_558 : memref<1x50x32xf32, #tpu.memory_space<hbm>> -> memref<50x32xf32, #tpu.memory_space<hbm>>
        tpu.enqueue_dma source(%arg10 : memref<50x32xf32, #tpu.memory_space<vmem>>) target(%dma_start3A_559 : memref<50x32xf32, #tpu.memory_space<hbm>>) target_semaphore(%run_scoped3A : memref<!tpu.dma_semaphore, #tpu.memory_space<semaphore_mem>>)
        %dma_wait3A_560 = arith.constant 0 : i32
        %dma_wait3A_561 = arith.constant 0 : i32
        %dma_wait3A_562 = tpu.memref_slice %arg4[%add3A_345, %dma_wait3A_560, %dma_wait3A_561] : memref<16384x50x32xf32, #tpu.memory_space<hbm>> -> memref<1x50x32xf32, #tpu.memory_space<hbm>>
        %dma_wait3A_563 = tpu.memref_squeeze %dma_wait3A_562 : memref<1x50x32xf32, #tpu.memory_space<hbm>> -> memref<50x32xf32, #tpu.memory_space<hbm>>
        %dma_wait3A_564 = arith.constant 0 : i32
        %dma_wait3A_565 = arith.constant 0 : i32
        %dma_wait3A_566 = tpu.memref_slice %arg4[%add3A_345, %dma_wait3A_564, %dma_wait3A_565] : memref<16384x50x32xf32, #tpu.memory_space<hbm>> -> memref<1x50x32xf32, #tpu.memory_space<hbm>>
        %dma_wait3A_567 = tpu.memref_squeeze %dma_wait3A_566 : memref<1x50x32xf32, #tpu.memory_space<hbm>> -> memref<50x32xf32, #tpu.memory_space<hbm>>
        tpu.wait_dma2 semaphore(%run_scoped3A : memref<!tpu.dma_semaphore, #tpu.memory_space<semaphore_mem>>) src(%arg10 : memref<50x32xf32, #tpu.memory_space<vmem>>) dst(%dma_wait3A_567 : memref<50x32xf32, #tpu.memory_space<hbm>>)
        tpu.yield
      }) : () -> ()
      %add3A_346 = arith.constant 16 : i32
      %add3A_347 = arith.addi %add3A_337, %add3A_346 : i32
      %dma_start3A_348 = arith.constant 0 : i32
      %dma_start3A_349 = tpu.memref_slice %arg5[%add3A_347, %dma_start3A_348] : memref<512x50xi32, #tpu.memory_space<vmem>> -> memref<1x50xi32, #tpu.memory_space<vmem>>
      %dma_start3A_350 = tpu.memref_squeeze %dma_start3A_349 : memref<1x50xi32, #tpu.memory_space<vmem>> -> memref<50xi32, #tpu.memory_space<vmem>>
      %dma_start3A_351 = arith.constant 0 : i32
      %dma_start3A_352 = arith.constant 0 : i32
      %dma_start3A_353 = tpu.memref_slice %arg2[%dma_start3A_351, %dma_start3A_352] : memref<1000000x32xf32, #tpu.memory_space<hbm>> -> memref<1000000x32xf32, #tpu.memory_space<hbm>>
      tpu.enqueue_indirect_dma source(%dma_start3A_353 : memref<1000000x32xf32, #tpu.memory_space<hbm>>) target(%arg10 : memref<50x32xf32, #tpu.memory_space<vmem>>) offsets(%dma_start3A_350 : memref<50xi32, #tpu.memory_space<vmem>>) semaphore(%arg26 : memref<!tpu.dma_semaphore, #tpu.memory_space<semaphore_mem>>)
      %add3A_354 = arith.constant 5 : i32
      %add3A_355 = arith.addi %mul3A_263, %add3A_354 : i32
      %dma_wait3A_356 = arith.constant 0 : i32
      %dma_wait3A_357 = arith.constant 0 : i32
      %dma_wait3A_358 = tpu.memref_slice %arg5[%dma_wait3A_356, %dma_wait3A_357] : memref<512x50xi32, #tpu.memory_space<vmem>> -> memref<1x50xi32, #tpu.memory_space<vmem>>
      %dma_wait3A_359 = tpu.memref_squeeze %dma_wait3A_358 : memref<1x50xi32, #tpu.memory_space<vmem>> -> memref<50xi32, #tpu.memory_space<vmem>>
      %dma_wait3A_360 = arith.constant 0 : i32
      %dma_wait3A_361 = arith.constant 0 : i32
      %dma_wait3A_362 = tpu.memref_slice %arg2[%dma_wait3A_360, %dma_wait3A_361] : memref<1000000x32xf32, #tpu.memory_space<hbm>> -> memref<1000000x32xf32, #tpu.memory_space<hbm>>
      tpu.wait_indirect_dma semaphore(%arg27 : memref<!tpu.dma_semaphore, #tpu.memory_space<semaphore_mem>>) src(%dma_wait3A_362 : memref<1000000x32xf32, #tpu.memory_space<hbm>>) dst(%arg11 : memref<50x32xf32, #tpu.memory_space<vmem>>)
      %add3A_363 = arith.addi %mul3A_2, %add3A_355 : i32
      "tpu.region"() ({
        %run_scoped3A = tpu.sem_alloc : memref<!tpu.dma_semaphore, #tpu.memory_space<semaphore_mem>>
        %dma_start3A_552 = arith.constant 0 : i32
        %dma_start3A_553 = arith.constant 0 : i32
        %dma_start3A_554 = tpu.memref_slice %arg4[%add3A_363, %dma_start3A_552, %dma_start3A_553] : memref<16384x50x32xf32, #tpu.memory_space<hbm>> -> memref<1x50x32xf32, #tpu.memory_space<hbm>>
        %dma_start3A_555 = tpu.memref_squeeze %dma_start3A_554 : memref<1x50x32xf32, #tpu.memory_space<hbm>> -> memref<50x32xf32, #tpu.memory_space<hbm>>
        %dma_start3A_556 = arith.constant 0 : i32
        %dma_start3A_557 = arith.constant 0 : i32
        %dma_start3A_558 = tpu.memref_slice %arg4[%add3A_363, %dma_start3A_556, %dma_start3A_557] : memref<16384x50x32xf32, #tpu.memory_space<hbm>> -> memref<1x50x32xf32, #tpu.memory_space<hbm>>
        %dma_start3A_559 = tpu.memref_squeeze %dma_start3A_558 : memref<1x50x32xf32, #tpu.memory_space<hbm>> -> memref<50x32xf32, #tpu.memory_space<hbm>>
        tpu.enqueue_dma source(%arg11 : memref<50x32xf32, #tpu.memory_space<vmem>>) target(%dma_start3A_559 : memref<50x32xf32, #tpu.memory_space<hbm>>) target_semaphore(%run_scoped3A : memref<!tpu.dma_semaphore, #tpu.memory_space<semaphore_mem>>)
        %dma_wait3A_560 = arith.constant 0 : i32
        %dma_wait3A_561 = arith.constant 0 : i32
        %dma_wait3A_562 = tpu.memref_slice %arg4[%add3A_363, %dma_wait3A_560, %dma_wait3A_561] : memref<16384x50x32xf32, #tpu.memory_space<hbm>> -> memref<1x50x32xf32, #tpu.memory_space<hbm>>
        %dma_wait3A_563 = tpu.memref_squeeze %dma_wait3A_562 : memref<1x50x32xf32, #tpu.memory_space<hbm>> -> memref<50x32xf32, #tpu.memory_space<hbm>>
        %dma_wait3A_564 = arith.constant 0 : i32
        %dma_wait3A_565 = arith.constant 0 : i32
        %dma_wait3A_566 = tpu.memref_slice %arg4[%add3A_363, %dma_wait3A_564, %dma_wait3A_565] : memref<16384x50x32xf32, #tpu.memory_space<hbm>> -> memref<1x50x32xf32, #tpu.memory_space<hbm>>
        %dma_wait3A_567 = tpu.memref_squeeze %dma_wait3A_566 : memref<1x50x32xf32, #tpu.memory_space<hbm>> -> memref<50x32xf32, #tpu.memory_space<hbm>>
        tpu.wait_dma2 semaphore(%run_scoped3A : memref<!tpu.dma_semaphore, #tpu.memory_space<semaphore_mem>>) src(%arg11 : memref<50x32xf32, #tpu.memory_space<vmem>>) dst(%dma_wait3A_567 : memref<50x32xf32, #tpu.memory_space<hbm>>)
        tpu.yield
      }) : () -> ()
      %add3A_364 = arith.constant 16 : i32
      %add3A_365 = arith.addi %add3A_355, %add3A_364 : i32
      %dma_start3A_366 = arith.constant 0 : i32
      %dma_start3A_367 = tpu.memref_slice %arg5[%add3A_365, %dma_start3A_366] : memref<512x50xi32, #tpu.memory_space<vmem>> -> memref<1x50xi32, #tpu.memory_space<vmem>>
      %dma_start3A_368 = tpu.memref_squeeze %dma_start3A_367 : memref<1x50xi32, #tpu.memory_space<vmem>> -> memref<50xi32, #tpu.memory_space<vmem>>
      %dma_start3A_369 = arith.constant 0 : i32
      %dma_start3A_370 = arith.constant 0 : i32
      %dma_start3A_371 = tpu.memref_slice %arg2[%dma_start3A_369, %dma_start3A_370] : memref<1000000x32xf32, #tpu.memory_space<hbm>> -> memref<1000000x32xf32, #tpu.memory_space<hbm>>
      tpu.enqueue_indirect_dma source(%dma_start3A_371 : memref<1000000x32xf32, #tpu.memory_space<hbm>>) target(%arg11 : memref<50x32xf32, #tpu.memory_space<vmem>>) offsets(%dma_start3A_368 : memref<50xi32, #tpu.memory_space<vmem>>) semaphore(%arg27 : memref<!tpu.dma_semaphore, #tpu.memory_space<semaphore_mem>>)
      %add3A_372 = arith.constant 6 : i32
      %add3A_373 = arith.addi %mul3A_263, %add3A_372 : i32
      %dma_wait3A_374 = arith.constant 0 : i32
      %dma_wait3A_375 = arith.constant 0 : i32
      %dma_wait3A_376 = tpu.memref_slice %arg5[%dma_wait3A_374, %dma_wait3A_375] : memref<512x50xi32, #tpu.memory_space<vmem>> -> memref<1x50xi32, #tpu.memory_space<vmem>>
      %dma_wait3A_377 = tpu.memref_squeeze %dma_wait3A_376 : memref<1x50xi32, #tpu.memory_space<vmem>> -> memref<50xi32, #tpu.memory_space<vmem>>
      %dma_wait3A_378 = arith.constant 0 : i32
      %dma_wait3A_379 = arith.constant 0 : i32
      %dma_wait3A_380 = tpu.memref_slice %arg2[%dma_wait3A_378, %dma_wait3A_379] : memref<1000000x32xf32, #tpu.memory_space<hbm>> -> memref<1000000x32xf32, #tpu.memory_space<hbm>>
      tpu.wait_indirect_dma semaphore(%arg28 : memref<!tpu.dma_semaphore, #tpu.memory_space<semaphore_mem>>) src(%dma_wait3A_380 : memref<1000000x32xf32, #tpu.memory_space<hbm>>) dst(%arg12 : memref<50x32xf32, #tpu.memory_space<vmem>>)
      %add3A_381 = arith.addi %mul3A_2, %add3A_373 : i32
      "tpu.region"() ({
        %run_scoped3A = tpu.sem_alloc : memref<!tpu.dma_semaphore, #tpu.memory_space<semaphore_mem>>
        %dma_start3A_552 = arith.constant 0 : i32
        %dma_start3A_553 = arith.constant 0 : i32
        %dma_start3A_554 = tpu.memref_slice %arg4[%add3A_381, %dma_start3A_552, %dma_start3A_553] : memref<16384x50x32xf32, #tpu.memory_space<hbm>> -> memref<1x50x32xf32, #tpu.memory_space<hbm>>
        %dma_start3A_555 = tpu.memref_squeeze %dma_start3A_554 : memref<1x50x32xf32, #tpu.memory_space<hbm>> -> memref<50x32xf32, #tpu.memory_space<hbm>>
        %dma_start3A_556 = arith.constant 0 : i32
        %dma_start3A_557 = arith.constant 0 : i32
        %dma_start3A_558 = tpu.memref_slice %arg4[%add3A_381, %dma_start3A_556, %dma_start3A_557] : memref<16384x50x32xf32, #tpu.memory_space<hbm>> -> memref<1x50x32xf32, #tpu.memory_space<hbm>>
        %dma_start3A_559 = tpu.memref_squeeze %dma_start3A_558 : memref<1x50x32xf32, #tpu.memory_space<hbm>> -> memref<50x32xf32, #tpu.memory_space<hbm>>
        tpu.enqueue_dma source(%arg12 : memref<50x32xf32, #tpu.memory_space<vmem>>) target(%dma_start3A_559 : memref<50x32xf32, #tpu.memory_space<hbm>>) target_semaphore(%run_scoped3A : memref<!tpu.dma_semaphore, #tpu.memory_space<semaphore_mem>>)
        %dma_wait3A_560 = arith.constant 0 : i32
        %dma_wait3A_561 = arith.constant 0 : i32
        %dma_wait3A_562 = tpu.memref_slice %arg4[%add3A_381, %dma_wait3A_560, %dma_wait3A_561] : memref<16384x50x32xf32, #tpu.memory_space<hbm>> -> memref<1x50x32xf32, #tpu.memory_space<hbm>>
        %dma_wait3A_563 = tpu.memref_squeeze %dma_wait3A_562 : memref<1x50x32xf32, #tpu.memory_space<hbm>> -> memref<50x32xf32, #tpu.memory_space<hbm>>
        %dma_wait3A_564 = arith.constant 0 : i32
        %dma_wait3A_565 = arith.constant 0 : i32
        %dma_wait3A_566 = tpu.memref_slice %arg4[%add3A_381, %dma_wait3A_564, %dma_wait3A_565] : memref<16384x50x32xf32, #tpu.memory_space<hbm>> -> memref<1x50x32xf32, #tpu.memory_space<hbm>>
        %dma_wait3A_567 = tpu.memref_squeeze %dma_wait3A_566 : memref<1x50x32xf32, #tpu.memory_space<hbm>> -> memref<50x32xf32, #tpu.memory_space<hbm>>
        tpu.wait_dma2 semaphore(%run_scoped3A : memref<!tpu.dma_semaphore, #tpu.memory_space<semaphore_mem>>) src(%arg12 : memref<50x32xf32, #tpu.memory_space<vmem>>) dst(%dma_wait3A_567 : memref<50x32xf32, #tpu.memory_space<hbm>>)
        tpu.yield
      }) : () -> ()
      %add3A_382 = arith.constant 16 : i32
      %add3A_383 = arith.addi %add3A_373, %add3A_382 : i32
      %dma_start3A_384 = arith.constant 0 : i32
      %dma_start3A_385 = tpu.memref_slice %arg5[%add3A_383, %dma_start3A_384] : memref<512x50xi32, #tpu.memory_space<vmem>> -> memref<1x50xi32, #tpu.memory_space<vmem>>
      %dma_start3A_386 = tpu.memref_squeeze %dma_start3A_385 : memref<1x50xi32, #tpu.memory_space<vmem>> -> memref<50xi32, #tpu.memory_space<vmem>>
      %dma_start3A_387 = arith.constant 0 : i32
      %dma_start3A_388 = arith.constant 0 : i32
      %dma_start3A_389 = tpu.memref_slice %arg2[%dma_start3A_387, %dma_start3A_388] : memref<1000000x32xf32, #tpu.memory_space<hbm>> -> memref<1000000x32xf32, #tpu.memory_space<hbm>>
      tpu.enqueue_indirect_dma source(%dma_start3A_389 : memref<1000000x32xf32, #tpu.memory_space<hbm>>) target(%arg12 : memref<50x32xf32, #tpu.memory_space<vmem>>) offsets(%dma_start3A_386 : memref<50xi32, #tpu.memory_space<vmem>>) semaphore(%arg28 : memref<!tpu.dma_semaphore, #tpu.memory_space<semaphore_mem>>)
      %add3A_390 = arith.constant 7 : i32
      %add3A_391 = arith.addi %mul3A_263, %add3A_390 : i32
      %dma_wait3A_392 = arith.constant 0 : i32
      %dma_wait3A_393 = arith.constant 0 : i32
      %dma_wait3A_394 = tpu.memref_slice %arg5[%dma_wait3A_392, %dma_wait3A_393] : memref<512x50xi32, #tpu.memory_space<vmem>> -> memref<1x50xi32, #tpu.memory_space<vmem>>
      %dma_wait3A_395 = tpu.memref_squeeze %dma_wait3A_394 : memref<1x50xi32, #tpu.memory_space<vmem>> -> memref<50xi32, #tpu.memory_space<vmem>>
      %dma_wait3A_396 = arith.constant 0 : i32
      %dma_wait3A_397 = arith.constant 0 : i32
      %dma_wait3A_398 = tpu.memref_slice %arg2[%dma_wait3A_396, %dma_wait3A_397] : memref<1000000x32xf32, #tpu.memory_space<hbm>> -> memref<1000000x32xf32, #tpu.memory_space<hbm>>
      tpu.wait_indirect_dma semaphore(%arg29 : memref<!tpu.dma_semaphore, #tpu.memory_space<semaphore_mem>>) src(%dma_wait3A_398 : memref<1000000x32xf32, #tpu.memory_space<hbm>>) dst(%arg13 : memref<50x32xf32, #tpu.memory_space<vmem>>)
      %add3A_399 = arith.addi %mul3A_2, %add3A_391 : i32
      "tpu.region"() ({
        %run_scoped3A = tpu.sem_alloc : memref<!tpu.dma_semaphore, #tpu.memory_space<semaphore_mem>>
        %dma_start3A_552 = arith.constant 0 : i32
        %dma_start3A_553 = arith.constant 0 : i32
        %dma_start3A_554 = tpu.memref_slice %arg4[%add3A_399, %dma_start3A_552, %dma_start3A_553] : memref<16384x50x32xf32, #tpu.memory_space<hbm>> -> memref<1x50x32xf32, #tpu.memory_space<hbm>>
        %dma_start3A_555 = tpu.memref_squeeze %dma_start3A_554 : memref<1x50x32xf32, #tpu.memory_space<hbm>> -> memref<50x32xf32, #tpu.memory_space<hbm>>
        %dma_start3A_556 = arith.constant 0 : i32
        %dma_start3A_557 = arith.constant 0 : i32
        %dma_start3A_558 = tpu.memref_slice %arg4[%add3A_399, %dma_start3A_556, %dma_start3A_557] : memref<16384x50x32xf32, #tpu.memory_space<hbm>> -> memref<1x50x32xf32, #tpu.memory_space<hbm>>
        %dma_start3A_559 = tpu.memref_squeeze %dma_start3A_558 : memref<1x50x32xf32, #tpu.memory_space<hbm>> -> memref<50x32xf32, #tpu.memory_space<hbm>>
        tpu.enqueue_dma source(%arg13 : memref<50x32xf32, #tpu.memory_space<vmem>>) target(%dma_start3A_559 : memref<50x32xf32, #tpu.memory_space<hbm>>) target_semaphore(%run_scoped3A : memref<!tpu.dma_semaphore, #tpu.memory_space<semaphore_mem>>)
        %dma_wait3A_560 = arith.constant 0 : i32
        %dma_wait3A_561 = arith.constant 0 : i32
        %dma_wait3A_562 = tpu.memref_slice %arg4[%add3A_399, %dma_wait3A_560, %dma_wait3A_561] : memref<16384x50x32xf32, #tpu.memory_space<hbm>> -> memref<1x50x32xf32, #tpu.memory_space<hbm>>
        %dma_wait3A_563 = tpu.memref_squeeze %dma_wait3A_562 : memref<1x50x32xf32, #tpu.memory_space<hbm>> -> memref<50x32xf32, #tpu.memory_space<hbm>>
        %dma_wait3A_564 = arith.constant 0 : i32
        %dma_wait3A_565 = arith.constant 0 : i32
        %dma_wait3A_566 = tpu.memref_slice %arg4[%add3A_399, %dma_wait3A_564, %dma_wait3A_565] : memref<16384x50x32xf32, #tpu.memory_space<hbm>> -> memref<1x50x32xf32, #tpu.memory_space<hbm>>
        %dma_wait3A_567 = tpu.memref_squeeze %dma_wait3A_566 : memref<1x50x32xf32, #tpu.memory_space<hbm>> -> memref<50x32xf32, #tpu.memory_space<hbm>>
        tpu.wait_dma2 semaphore(%run_scoped3A : memref<!tpu.dma_semaphore, #tpu.memory_space<semaphore_mem>>) src(%arg13 : memref<50x32xf32, #tpu.memory_space<vmem>>) dst(%dma_wait3A_567 : memref<50x32xf32, #tpu.memory_space<hbm>>)
        tpu.yield
      }) : () -> ()
      %add3A_400 = arith.constant 16 : i32
      %add3A_401 = arith.addi %add3A_391, %add3A_400 : i32
      %dma_start3A_402 = arith.constant 0 : i32
      %dma_start3A_403 = tpu.memref_slice %arg5[%add3A_401, %dma_start3A_402] : memref<512x50xi32, #tpu.memory_space<vmem>> -> memref<1x50xi32, #tpu.memory_space<vmem>>
      %dma_start3A_404 = tpu.memref_squeeze %dma_start3A_403 : memref<1x50xi32, #tpu.memory_space<vmem>> -> memref<50xi32, #tpu.memory_space<vmem>>
      %dma_start3A_405 = arith.constant 0 : i32
      %dma_start3A_406 = arith.constant 0 : i32
      %dma_start3A_407 = tpu.memref_slice %arg2[%dma_start3A_405, %dma_start3A_406] : memref<1000000x32xf32, #tpu.memory_space<hbm>> -> memref<1000000x32xf32, #tpu.memory_space<hbm>>
      tpu.enqueue_indirect_dma source(%dma_start3A_407 : memref<1000000x32xf32, #tpu.memory_space<hbm>>) target(%arg13 : memref<50x32xf32, #tpu.memory_space<vmem>>) offsets(%dma_start3A_404 : memref<50xi32, #tpu.memory_space<vmem>>) semaphore(%arg29 : memref<!tpu.dma_semaphore, #tpu.memory_space<semaphore_mem>>)
      %add3A_408 = arith.constant 8 : i32
      %add3A_409 = arith.addi %mul3A_263, %add3A_408 : i32
      %dma_wait3A_410 = arith.constant 0 : i32
      %dma_wait3A_411 = arith.constant 0 : i32
      %dma_wait3A_412 = tpu.memref_slice %arg5[%dma_wait3A_410, %dma_wait3A_411] : memref<512x50xi32, #tpu.memory_space<vmem>> -> memref<1x50xi32, #tpu.memory_space<vmem>>
      %dma_wait3A_413 = tpu.memref_squeeze %dma_wait3A_412 : memref<1x50xi32, #tpu.memory_space<vmem>> -> memref<50xi32, #tpu.memory_space<vmem>>
      %dma_wait3A_414 = arith.constant 0 : i32
      %dma_wait3A_415 = arith.constant 0 : i32
      %dma_wait3A_416 = tpu.memref_slice %arg2[%dma_wait3A_414, %dma_wait3A_415] : memref<1000000x32xf32, #tpu.memory_space<hbm>> -> memref<1000000x32xf32, #tpu.memory_space<hbm>>
      tpu.wait_indirect_dma semaphore(%arg30 : memref<!tpu.dma_semaphore, #tpu.memory_space<semaphore_mem>>) src(%dma_wait3A_416 : memref<1000000x32xf32, #tpu.memory_space<hbm>>) dst(%arg14 : memref<50x32xf32, #tpu.memory_space<vmem>>)
      %add3A_417 = arith.addi %mul3A_2, %add3A_409 : i32
      "tpu.region"() ({
        %run_scoped3A = tpu.sem_alloc : memref<!tpu.dma_semaphore, #tpu.memory_space<semaphore_mem>>
        %dma_start3A_552 = arith.constant 0 : i32
        %dma_start3A_553 = arith.constant 0 : i32
        %dma_start3A_554 = tpu.memref_slice %arg4[%add3A_417, %dma_start3A_552, %dma_start3A_553] : memref<16384x50x32xf32, #tpu.memory_space<hbm>> -> memref<1x50x32xf32, #tpu.memory_space<hbm>>
        %dma_start3A_555 = tpu.memref_squeeze %dma_start3A_554 : memref<1x50x32xf32, #tpu.memory_space<hbm>> -> memref<50x32xf32, #tpu.memory_space<hbm>>
        %dma_start3A_556 = arith.constant 0 : i32
        %dma_start3A_557 = arith.constant 0 : i32
        %dma_start3A_558 = tpu.memref_slice %arg4[%add3A_417, %dma_start3A_556, %dma_start3A_557] : memref<16384x50x32xf32, #tpu.memory_space<hbm>> -> memref<1x50x32xf32, #tpu.memory_space<hbm>>
        %dma_start3A_559 = tpu.memref_squeeze %dma_start3A_558 : memref<1x50x32xf32, #tpu.memory_space<hbm>> -> memref<50x32xf32, #tpu.memory_space<hbm>>
        tpu.enqueue_dma source(%arg14 : memref<50x32xf32, #tpu.memory_space<vmem>>) target(%dma_start3A_559 : memref<50x32xf32, #tpu.memory_space<hbm>>) target_semaphore(%run_scoped3A : memref<!tpu.dma_semaphore, #tpu.memory_space<semaphore_mem>>)
        %dma_wait3A_560 = arith.constant 0 : i32
        %dma_wait3A_561 = arith.constant 0 : i32
        %dma_wait3A_562 = tpu.memref_slice %arg4[%add3A_417, %dma_wait3A_560, %dma_wait3A_561] : memref<16384x50x32xf32, #tpu.memory_space<hbm>> -> memref<1x50x32xf32, #tpu.memory_space<hbm>>
        %dma_wait3A_563 = tpu.memref_squeeze %dma_wait3A_562 : memref<1x50x32xf32, #tpu.memory_space<hbm>> -> memref<50x32xf32, #tpu.memory_space<hbm>>
        %dma_wait3A_564 = arith.constant 0 : i32
        %dma_wait3A_565 = arith.constant 0 : i32
        %dma_wait3A_566 = tpu.memref_slice %arg4[%add3A_417, %dma_wait3A_564, %dma_wait3A_565] : memref<16384x50x32xf32, #tpu.memory_space<hbm>> -> memref<1x50x32xf32, #tpu.memory_space<hbm>>
        %dma_wait3A_567 = tpu.memref_squeeze %dma_wait3A_566 : memref<1x50x32xf32, #tpu.memory_space<hbm>> -> memref<50x32xf32, #tpu.memory_space<hbm>>
        tpu.wait_dma2 semaphore(%run_scoped3A : memref<!tpu.dma_semaphore, #tpu.memory_space<semaphore_mem>>) src(%arg14 : memref<50x32xf32, #tpu.memory_space<vmem>>) dst(%dma_wait3A_567 : memref<50x32xf32, #tpu.memory_space<hbm>>)
        tpu.yield
      }) : () -> ()
      %add3A_418 = arith.constant 16 : i32
      %add3A_419 = arith.addi %add3A_409, %add3A_418 : i32
      %dma_start3A_420 = arith.constant 0 : i32
      %dma_start3A_421 = tpu.memref_slice %arg5[%add3A_419, %dma_start3A_420] : memref<512x50xi32, #tpu.memory_space<vmem>> -> memref<1x50xi32, #tpu.memory_space<vmem>>
      %dma_start3A_422 = tpu.memref_squeeze %dma_start3A_421 : memref<1x50xi32, #tpu.memory_space<vmem>> -> memref<50xi32, #tpu.memory_space<vmem>>
      %dma_start3A_423 = arith.constant 0 : i32
      %dma_start3A_424 = arith.constant 0 : i32
      %dma_start3A_425 = tpu.memref_slice %arg2[%dma_start3A_423, %dma_start3A_424] : memref<1000000x32xf32, #tpu.memory_space<hbm>> -> memref<1000000x32xf32, #tpu.memory_space<hbm>>
      tpu.enqueue_indirect_dma source(%dma_start3A_425 : memref<1000000x32xf32, #tpu.memory_space<hbm>>) target(%arg14 : memref<50x32xf32, #tpu.memory_space<vmem>>) offsets(%dma_start3A_422 : memref<50xi32, #tpu.memory_space<vmem>>) semaphore(%arg30 : memref<!tpu.dma_semaphore, #tpu.memory_space<semaphore_mem>>)
      %add3A_426 = arith.constant 9 : i32
      %add3A_427 = arith.addi %mul3A_263, %add3A_426 : i32
      %dma_wait3A_428 = arith.constant 0 : i32
      %dma_wait3A_429 = arith.constant 0 : i32
      %dma_wait3A_430 = tpu.memref_slice %arg5[%dma_wait3A_428, %dma_wait3A_429] : memref<512x50xi32, #tpu.memory_space<vmem>> -> memref<1x50xi32, #tpu.memory_space<vmem>>
      %dma_wait3A_431 = tpu.memref_squeeze %dma_wait3A_430 : memref<1x50xi32, #tpu.memory_space<vmem>> -> memref<50xi32, #tpu.memory_space<vmem>>
      %dma_wait3A_432 = arith.constant 0 : i32
      %dma_wait3A_433 = arith.constant 0 : i32
      %dma_wait3A_434 = tpu.memref_slice %arg2[%dma_wait3A_432, %dma_wait3A_433] : memref<1000000x32xf32, #tpu.memory_space<hbm>> -> memref<1000000x32xf32, #tpu.memory_space<hbm>>
      tpu.wait_indirect_dma semaphore(%arg31 : memref<!tpu.dma_semaphore, #tpu.memory_space<semaphore_mem>>) src(%dma_wait3A_434 : memref<1000000x32xf32, #tpu.memory_space<hbm>>) dst(%arg15 : memref<50x32xf32, #tpu.memory_space<vmem>>)
      %add3A_435 = arith.addi %mul3A_2, %add3A_427 : i32
      "tpu.region"() ({
        %run_scoped3A = tpu.sem_alloc : memref<!tpu.dma_semaphore, #tpu.memory_space<semaphore_mem>>
        %dma_start3A_552 = arith.constant 0 : i32
        %dma_start3A_553 = arith.constant 0 : i32
        %dma_start3A_554 = tpu.memref_slice %arg4[%add3A_435, %dma_start3A_552, %dma_start3A_553] : memref<16384x50x32xf32, #tpu.memory_space<hbm>> -> memref<1x50x32xf32, #tpu.memory_space<hbm>>
        %dma_start3A_555 = tpu.memref_squeeze %dma_start3A_554 : memref<1x50x32xf32, #tpu.memory_space<hbm>> -> memref<50x32xf32, #tpu.memory_space<hbm>>
        %dma_start3A_556 = arith.constant 0 : i32
        %dma_start3A_557 = arith.constant 0 : i32
        %dma_start3A_558 = tpu.memref_slice %arg4[%add3A_435, %dma_start3A_556, %dma_start3A_557] : memref<16384x50x32xf32, #tpu.memory_space<hbm>> -> memref<1x50x32xf32, #tpu.memory_space<hbm>>
        %dma_start3A_559 = tpu.memref_squeeze %dma_start3A_558 : memref<1x50x32xf32, #tpu.memory_space<hbm>> -> memref<50x32xf32, #tpu.memory_space<hbm>>
        tpu.enqueue_dma source(%arg15 : memref<50x32xf32, #tpu.memory_space<vmem>>) target(%dma_start3A_559 : memref<50x32xf32, #tpu.memory_space<hbm>>) target_semaphore(%run_scoped3A : memref<!tpu.dma_semaphore, #tpu.memory_space<semaphore_mem>>)
        %dma_wait3A_560 = arith.constant 0 : i32
        %dma_wait3A_561 = arith.constant 0 : i32
        %dma_wait3A_562 = tpu.memref_slice %arg4[%add3A_435, %dma_wait3A_560, %dma_wait3A_561] : memref<16384x50x32xf32, #tpu.memory_space<hbm>> -> memref<1x50x32xf32, #tpu.memory_space<hbm>>
        %dma_wait3A_563 = tpu.memref_squeeze %dma_wait3A_562 : memref<1x50x32xf32, #tpu.memory_space<hbm>> -> memref<50x32xf32, #tpu.memory_space<hbm>>
        %dma_wait3A_564 = arith.constant 0 : i32
        %dma_wait3A_565 = arith.constant 0 : i32
        %dma_wait3A_566 = tpu.memref_slice %arg4[%add3A_435, %dma_wait3A_564, %dma_wait3A_565] : memref<16384x50x32xf32, #tpu.memory_space<hbm>> -> memref<1x50x32xf32, #tpu.memory_space<hbm>>
        %dma_wait3A_567 = tpu.memref_squeeze %dma_wait3A_566 : memref<1x50x32xf32, #tpu.memory_space<hbm>> -> memref<50x32xf32, #tpu.memory_space<hbm>>
        tpu.wait_dma2 semaphore(%run_scoped3A : memref<!tpu.dma_semaphore, #tpu.memory_space<semaphore_mem>>) src(%arg15 : memref<50x32xf32, #tpu.memory_space<vmem>>) dst(%dma_wait3A_567 : memref<50x32xf32, #tpu.memory_space<hbm>>)
        tpu.yield
      }) : () -> ()
      %add3A_436 = arith.constant 16 : i32
      %add3A_437 = arith.addi %add3A_427, %add3A_436 : i32
      %dma_start3A_438 = arith.constant 0 : i32
      %dma_start3A_439 = tpu.memref_slice %arg5[%add3A_437, %dma_start3A_438] : memref<512x50xi32, #tpu.memory_space<vmem>> -> memref<1x50xi32, #tpu.memory_space<vmem>>
      %dma_start3A_440 = tpu.memref_squeeze %dma_start3A_439 : memref<1x50xi32, #tpu.memory_space<vmem>> -> memref<50xi32, #tpu.memory_space<vmem>>
      %dma_start3A_441 = arith.constant 0 : i32
      %dma_start3A_442 = arith.constant 0 : i32
      %dma_start3A_443 = tpu.memref_slice %arg2[%dma_start3A_441, %dma_start3A_442] : memref<1000000x32xf32, #tpu.memory_space<hbm>> -> memref<1000000x32xf32, #tpu.memory_space<hbm>>
      tpu.enqueue_indirect_dma source(%dma_start3A_443 : memref<1000000x32xf32, #tpu.memory_space<hbm>>) target(%arg15 : memref<50x32xf32, #tpu.memory_space<vmem>>) offsets(%dma_start3A_440 : memref<50xi32, #tpu.memory_space<vmem>>) semaphore(%arg31 : memref<!tpu.dma_semaphore, #tpu.memory_space<semaphore_mem>>)
      %add3A_444 = arith.constant 10 : i32
      %add3A_445 = arith.addi %mul3A_263, %add3A_444 : i32
      %dma_wait3A_446 = arith.constant 0 : i32
      %dma_wait3A_447 = arith.constant 0 : i32
      %dma_wait3A_448 = tpu.memref_slice %arg5[%dma_wait3A_446, %dma_wait3A_447] : memref<512x50xi32, #tpu.memory_space<vmem>> -> memref<1x50xi32, #tpu.memory_space<vmem>>
      %dma_wait3A_449 = tpu.memref_squeeze %dma_wait3A_448 : memref<1x50xi32, #tpu.memory_space<vmem>> -> memref<50xi32, #tpu.memory_space<vmem>>
      %dma_wait3A_450 = arith.constant 0 : i32
      %dma_wait3A_451 = arith.constant 0 : i32
      %dma_wait3A_452 = tpu.memref_slice %arg2[%dma_wait3A_450, %dma_wait3A_451] : memref<1000000x32xf32, #tpu.memory_space<hbm>> -> memref<1000000x32xf32, #tpu.memory_space<hbm>>
      tpu.wait_indirect_dma semaphore(%arg32 : memref<!tpu.dma_semaphore, #tpu.memory_space<semaphore_mem>>) src(%dma_wait3A_452 : memref<1000000x32xf32, #tpu.memory_space<hbm>>) dst(%arg16 : memref<50x32xf32, #tpu.memory_space<vmem>>)
      %add3A_453 = arith.addi %mul3A_2, %add3A_445 : i32
      "tpu.region"() ({
        %run_scoped3A = tpu.sem_alloc : memref<!tpu.dma_semaphore, #tpu.memory_space<semaphore_mem>>
        %dma_start3A_552 = arith.constant 0 : i32
        %dma_start3A_553 = arith.constant 0 : i32
        %dma_start3A_554 = tpu.memref_slice %arg4[%add3A_453, %dma_start3A_552, %dma_start3A_553] : memref<16384x50x32xf32, #tpu.memory_space<hbm>> -> memref<1x50x32xf32, #tpu.memory_space<hbm>>
        %dma_start3A_555 = tpu.memref_squeeze %dma_start3A_554 : memref<1x50x32xf32, #tpu.memory_space<hbm>> -> memref<50x32xf32, #tpu.memory_space<hbm>>
        %dma_start3A_556 = arith.constant 0 : i32
        %dma_start3A_557 = arith.constant 0 : i32
        %dma_start3A_558 = tpu.memref_slice %arg4[%add3A_453, %dma_start3A_556, %dma_start3A_557] : memref<16384x50x32xf32, #tpu.memory_space<hbm>> -> memref<1x50x32xf32, #tpu.memory_space<hbm>>
        %dma_start3A_559 = tpu.memref_squeeze %dma_start3A_558 : memref<1x50x32xf32, #tpu.memory_space<hbm>> -> memref<50x32xf32, #tpu.memory_space<hbm>>
        tpu.enqueue_dma source(%arg16 : memref<50x32xf32, #tpu.memory_space<vmem>>) target(%dma_start3A_559 : memref<50x32xf32, #tpu.memory_space<hbm>>) target_semaphore(%run_scoped3A : memref<!tpu.dma_semaphore, #tpu.memory_space<semaphore_mem>>)
        %dma_wait3A_560 = arith.constant 0 : i32
        %dma_wait3A_561 = arith.constant 0 : i32
        %dma_wait3A_562 = tpu.memref_slice %arg4[%add3A_453, %dma_wait3A_560, %dma_wait3A_561] : memref<16384x50x32xf32, #tpu.memory_space<hbm>> -> memref<1x50x32xf32, #tpu.memory_space<hbm>>
        %dma_wait3A_563 = tpu.memref_squeeze %dma_wait3A_562 : memref<1x50x32xf32, #tpu.memory_space<hbm>> -> memref<50x32xf32, #tpu.memory_space<hbm>>
        %dma_wait3A_564 = arith.constant 0 : i32
        %dma_wait3A_565 = arith.constant 0 : i32
        %dma_wait3A_566 = tpu.memref_slice %arg4[%add3A_453, %dma_wait3A_564, %dma_wait3A_565] : memref<16384x50x32xf32, #tpu.memory_space<hbm>> -> memref<1x50x32xf32, #tpu.memory_space<hbm>>
        %dma_wait3A_567 = tpu.memref_squeeze %dma_wait3A_566 : memref<1x50x32xf32, #tpu.memory_space<hbm>> -> memref<50x32xf32, #tpu.memory_space<hbm>>
        tpu.wait_dma2 semaphore(%run_scoped3A : memref<!tpu.dma_semaphore, #tpu.memory_space<semaphore_mem>>) src(%arg16 : memref<50x32xf32, #tpu.memory_space<vmem>>) dst(%dma_wait3A_567 : memref<50x32xf32, #tpu.memory_space<hbm>>)
        tpu.yield
      }) : () -> ()
      %add3A_454 = arith.constant 16 : i32
      %add3A_455 = arith.addi %add3A_445, %add3A_454 : i32
      %dma_start3A_456 = arith.constant 0 : i32
      %dma_start3A_457 = tpu.memref_slice %arg5[%add3A_455, %dma_start3A_456] : memref<512x50xi32, #tpu.memory_space<vmem>> -> memref<1x50xi32, #tpu.memory_space<vmem>>
      %dma_start3A_458 = tpu.memref_squeeze %dma_start3A_457 : memref<1x50xi32, #tpu.memory_space<vmem>> -> memref<50xi32, #tpu.memory_space<vmem>>
      %dma_start3A_459 = arith.constant 0 : i32
      %dma_start3A_460 = arith.constant 0 : i32
      %dma_start3A_461 = tpu.memref_slice %arg2[%dma_start3A_459, %dma_start3A_460] : memref<1000000x32xf32, #tpu.memory_space<hbm>> -> memref<1000000x32xf32, #tpu.memory_space<hbm>>
      tpu.enqueue_indirect_dma source(%dma_start3A_461 : memref<1000000x32xf32, #tpu.memory_space<hbm>>) target(%arg16 : memref<50x32xf32, #tpu.memory_space<vmem>>) offsets(%dma_start3A_458 : memref<50xi32, #tpu.memory_space<vmem>>) semaphore(%arg32 : memref<!tpu.dma_semaphore, #tpu.memory_space<semaphore_mem>>)
      %add3A_462 = arith.constant 11 : i32
      %add3A_463 = arith.addi %mul3A_263, %add3A_462 : i32
      %dma_wait3A_464 = arith.constant 0 : i32
      %dma_wait3A_465 = arith.constant 0 : i32
      %dma_wait3A_466 = tpu.memref_slice %arg5[%dma_wait3A_464, %dma_wait3A_465] : memref<512x50xi32, #tpu.memory_space<vmem>> -> memref<1x50xi32, #tpu.memory_space<vmem>>
      %dma_wait3A_467 = tpu.memref_squeeze %dma_wait3A_466 : memref<1x50xi32, #tpu.memory_space<vmem>> -> memref<50xi32, #tpu.memory_space<vmem>>
      %dma_wait3A_468 = arith.constant 0 : i32
      %dma_wait3A_469 = arith.constant 0 : i32
      %dma_wait3A_470 = tpu.memref_slice %arg2[%dma_wait3A_468, %dma_wait3A_469] : memref<1000000x32xf32, #tpu.memory_space<hbm>> -> memref<1000000x32xf32, #tpu.memory_space<hbm>>
      tpu.wait_indirect_dma semaphore(%arg33 : memref<!tpu.dma_semaphore, #tpu.memory_space<semaphore_mem>>) src(%dma_wait3A_470 : memref<1000000x32xf32, #tpu.memory_space<hbm>>) dst(%arg17 : memref<50x32xf32, #tpu.memory_space<vmem>>)
      %add3A_471 = arith.addi %mul3A_2, %add3A_463 : i32
      "tpu.region"() ({
        %run_scoped3A = tpu.sem_alloc : memref<!tpu.dma_semaphore, #tpu.memory_space<semaphore_mem>>
        %dma_start3A_552 = arith.constant 0 : i32
        %dma_start3A_553 = arith.constant 0 : i32
        %dma_start3A_554 = tpu.memref_slice %arg4[%add3A_471, %dma_start3A_552, %dma_start3A_553] : memref<16384x50x32xf32, #tpu.memory_space<hbm>> -> memref<1x50x32xf32, #tpu.memory_space<hbm>>
        %dma_start3A_555 = tpu.memref_squeeze %dma_start3A_554 : memref<1x50x32xf32, #tpu.memory_space<hbm>> -> memref<50x32xf32, #tpu.memory_space<hbm>>
        %dma_start3A_556 = arith.constant 0 : i32
        %dma_start3A_557 = arith.constant 0 : i32
        %dma_start3A_558 = tpu.memref_slice %arg4[%add3A_471, %dma_start3A_556, %dma_start3A_557] : memref<16384x50x32xf32, #tpu.memory_space<hbm>> -> memref<1x50x32xf32, #tpu.memory_space<hbm>>
        %dma_start3A_559 = tpu.memref_squeeze %dma_start3A_558 : memref<1x50x32xf32, #tpu.memory_space<hbm>> -> memref<50x32xf32, #tpu.memory_space<hbm>>
        tpu.enqueue_dma source(%arg17 : memref<50x32xf32, #tpu.memory_space<vmem>>) target(%dma_start3A_559 : memref<50x32xf32, #tpu.memory_space<hbm>>) target_semaphore(%run_scoped3A : memref<!tpu.dma_semaphore, #tpu.memory_space<semaphore_mem>>)
        %dma_wait3A_560 = arith.constant 0 : i32
        %dma_wait3A_561 = arith.constant 0 : i32
        %dma_wait3A_562 = tpu.memref_slice %arg4[%add3A_471, %dma_wait3A_560, %dma_wait3A_561] : memref<16384x50x32xf32, #tpu.memory_space<hbm>> -> memref<1x50x32xf32, #tpu.memory_space<hbm>>
        %dma_wait3A_563 = tpu.memref_squeeze %dma_wait3A_562 : memref<1x50x32xf32, #tpu.memory_space<hbm>> -> memref<50x32xf32, #tpu.memory_space<hbm>>
        %dma_wait3A_564 = arith.constant 0 : i32
        %dma_wait3A_565 = arith.constant 0 : i32
        %dma_wait3A_566 = tpu.memref_slice %arg4[%add3A_471, %dma_wait3A_564, %dma_wait3A_565] : memref<16384x50x32xf32, #tpu.memory_space<hbm>> -> memref<1x50x32xf32, #tpu.memory_space<hbm>>
        %dma_wait3A_567 = tpu.memref_squeeze %dma_wait3A_566 : memref<1x50x32xf32, #tpu.memory_space<hbm>> -> memref<50x32xf32, #tpu.memory_space<hbm>>
        tpu.wait_dma2 semaphore(%run_scoped3A : memref<!tpu.dma_semaphore, #tpu.memory_space<semaphore_mem>>) src(%arg17 : memref<50x32xf32, #tpu.memory_space<vmem>>) dst(%dma_wait3A_567 : memref<50x32xf32, #tpu.memory_space<hbm>>)
        tpu.yield
      }) : () -> ()
      %add3A_472 = arith.constant 16 : i32
      %add3A_473 = arith.addi %add3A_463, %add3A_472 : i32
      %dma_start3A_474 = arith.constant 0 : i32
      %dma_start3A_475 = tpu.memref_slice %arg5[%add3A_473, %dma_start3A_474] : memref<512x50xi32, #tpu.memory_space<vmem>> -> memref<1x50xi32, #tpu.memory_space<vmem>>
      %dma_start3A_476 = tpu.memref_squeeze %dma_start3A_475 : memref<1x50xi32, #tpu.memory_space<vmem>> -> memref<50xi32, #tpu.memory_space<vmem>>
      %dma_start3A_477 = arith.constant 0 : i32
      %dma_start3A_478 = arith.constant 0 : i32
      %dma_start3A_479 = tpu.memref_slice %arg2[%dma_start3A_477, %dma_start3A_478] : memref<1000000x32xf32, #tpu.memory_space<hbm>> -> memref<1000000x32xf32, #tpu.memory_space<hbm>>
      tpu.enqueue_indirect_dma source(%dma_start3A_479 : memref<1000000x32xf32, #tpu.memory_space<hbm>>) target(%arg17 : memref<50x32xf32, #tpu.memory_space<vmem>>) offsets(%dma_start3A_476 : memref<50xi32, #tpu.memory_space<vmem>>) semaphore(%arg33 : memref<!tpu.dma_semaphore, #tpu.memory_space<semaphore_mem>>)
      %add3A_480 = arith.constant 12 : i32
      %add3A_481 = arith.addi %mul3A_263, %add3A_480 : i32
      %dma_wait3A_482 = arith.constant 0 : i32
      %dma_wait3A_483 = arith.constant 0 : i32
      %dma_wait3A_484 = tpu.memref_slice %arg5[%dma_wait3A_482, %dma_wait3A_483] : memref<512x50xi32, #tpu.memory_space<vmem>> -> memref<1x50xi32, #tpu.memory_space<vmem>>
      %dma_wait3A_485 = tpu.memref_squeeze %dma_wait3A_484 : memref<1x50xi32, #tpu.memory_space<vmem>> -> memref<50xi32, #tpu.memory_space<vmem>>
      %dma_wait3A_486 = arith.constant 0 : i32
      %dma_wait3A_487 = arith.constant 0 : i32
      %dma_wait3A_488 = tpu.memref_slice %arg2[%dma_wait3A_486, %dma_wait3A_487] : memref<1000000x32xf32, #tpu.memory_space<hbm>> -> memref<1000000x32xf32, #tpu.memory_space<hbm>>
      tpu.wait_indirect_dma semaphore(%arg34 : memref<!tpu.dma_semaphore, #tpu.memory_space<semaphore_mem>>) src(%dma_wait3A_488 : memref<1000000x32xf32, #tpu.memory_space<hbm>>) dst(%arg18 : memref<50x32xf32, #tpu.memory_space<vmem>>)
      %add3A_489 = arith.addi %mul3A_2, %add3A_481 : i32
      "tpu.region"() ({
        %run_scoped3A = tpu.sem_alloc : memref<!tpu.dma_semaphore, #tpu.memory_space<semaphore_mem>>
        %dma_start3A_552 = arith.constant 0 : i32
        %dma_start3A_553 = arith.constant 0 : i32
        %dma_start3A_554 = tpu.memref_slice %arg4[%add3A_489, %dma_start3A_552, %dma_start3A_553] : memref<16384x50x32xf32, #tpu.memory_space<hbm>> -> memref<1x50x32xf32, #tpu.memory_space<hbm>>
        %dma_start3A_555 = tpu.memref_squeeze %dma_start3A_554 : memref<1x50x32xf32, #tpu.memory_space<hbm>> -> memref<50x32xf32, #tpu.memory_space<hbm>>
        %dma_start3A_556 = arith.constant 0 : i32
        %dma_start3A_557 = arith.constant 0 : i32
        %dma_start3A_558 = tpu.memref_slice %arg4[%add3A_489, %dma_start3A_556, %dma_start3A_557] : memref<16384x50x32xf32, #tpu.memory_space<hbm>> -> memref<1x50x32xf32, #tpu.memory_space<hbm>>
        %dma_start3A_559 = tpu.memref_squeeze %dma_start3A_558 : memref<1x50x32xf32, #tpu.memory_space<hbm>> -> memref<50x32xf32, #tpu.memory_space<hbm>>
        tpu.enqueue_dma source(%arg18 : memref<50x32xf32, #tpu.memory_space<vmem>>) target(%dma_start3A_559 : memref<50x32xf32, #tpu.memory_space<hbm>>) target_semaphore(%run_scoped3A : memref<!tpu.dma_semaphore, #tpu.memory_space<semaphore_mem>>)
        %dma_wait3A_560 = arith.constant 0 : i32
        %dma_wait3A_561 = arith.constant 0 : i32
        %dma_wait3A_562 = tpu.memref_slice %arg4[%add3A_489, %dma_wait3A_560, %dma_wait3A_561] : memref<16384x50x32xf32, #tpu.memory_space<hbm>> -> memref<1x50x32xf32, #tpu.memory_space<hbm>>
        %dma_wait3A_563 = tpu.memref_squeeze %dma_wait3A_562 : memref<1x50x32xf32, #tpu.memory_space<hbm>> -> memref<50x32xf32, #tpu.memory_space<hbm>>
        %dma_wait3A_564 = arith.constant 0 : i32
        %dma_wait3A_565 = arith.constant 0 : i32
        %dma_wait3A_566 = tpu.memref_slice %arg4[%add3A_489, %dma_wait3A_564, %dma_wait3A_565] : memref<16384x50x32xf32, #tpu.memory_space<hbm>> -> memref<1x50x32xf32, #tpu.memory_space<hbm>>
        %dma_wait3A_567 = tpu.memref_squeeze %dma_wait3A_566 : memref<1x50x32xf32, #tpu.memory_space<hbm>> -> memref<50x32xf32, #tpu.memory_space<hbm>>
        tpu.wait_dma2 semaphore(%run_scoped3A : memref<!tpu.dma_semaphore, #tpu.memory_space<semaphore_mem>>) src(%arg18 : memref<50x32xf32, #tpu.memory_space<vmem>>) dst(%dma_wait3A_567 : memref<50x32xf32, #tpu.memory_space<hbm>>)
        tpu.yield
      }) : () -> ()
      %add3A_490 = arith.constant 16 : i32
      %add3A_491 = arith.addi %add3A_481, %add3A_490 : i32
      %dma_start3A_492 = arith.constant 0 : i32
      %dma_start3A_493 = tpu.memref_slice %arg5[%add3A_491, %dma_start3A_492] : memref<512x50xi32, #tpu.memory_space<vmem>> -> memref<1x50xi32, #tpu.memory_space<vmem>>
      %dma_start3A_494 = tpu.memref_squeeze %dma_start3A_493 : memref<1x50xi32, #tpu.memory_space<vmem>> -> memref<50xi32, #tpu.memory_space<vmem>>
      %dma_start3A_495 = arith.constant 0 : i32
      %dma_start3A_496 = arith.constant 0 : i32
      %dma_start3A_497 = tpu.memref_slice %arg2[%dma_start3A_495, %dma_start3A_496] : memref<1000000x32xf32, #tpu.memory_space<hbm>> -> memref<1000000x32xf32, #tpu.memory_space<hbm>>
      tpu.enqueue_indirect_dma source(%dma_start3A_497 : memref<1000000x32xf32, #tpu.memory_space<hbm>>) target(%arg18 : memref<50x32xf32, #tpu.memory_space<vmem>>) offsets(%dma_start3A_494 : memref<50xi32, #tpu.memory_space<vmem>>) semaphore(%arg34 : memref<!tpu.dma_semaphore, #tpu.memory_space<semaphore_mem>>)
      %add3A_498 = arith.constant 13 : i32
      %add3A_499 = arith.addi %mul3A_263, %add3A_498 : i32
      %dma_wait3A_500 = arith.constant 0 : i32
      %dma_wait3A_501 = arith.constant 0 : i32
      %dma_wait3A_502 = tpu.memref_slice %arg5[%dma_wait3A_500, %dma_wait3A_501] : memref<512x50xi32, #tpu.memory_space<vmem>> -> memref<1x50xi32, #tpu.memory_space<vmem>>
      %dma_wait3A_503 = tpu.memref_squeeze %dma_wait3A_502 : memref<1x50xi32, #tpu.memory_space<vmem>> -> memref<50xi32, #tpu.memory_space<vmem>>
      %dma_wait3A_504 = arith.constant 0 : i32
      %dma_wait3A_505 = arith.constant 0 : i32
      %dma_wait3A_506 = tpu.memref_slice %arg2[%dma_wait3A_504, %dma_wait3A_505] : memref<1000000x32xf32, #tpu.memory_space<hbm>> -> memref<1000000x32xf32, #tpu.memory_space<hbm>>
      tpu.wait_indirect_dma semaphore(%arg35 : memref<!tpu.dma_semaphore, #tpu.memory_space<semaphore_mem>>) src(%dma_wait3A_506 : memref<1000000x32xf32, #tpu.memory_space<hbm>>) dst(%arg19 : memref<50x32xf32, #tpu.memory_space<vmem>>)
      %add3A_507 = arith.addi %mul3A_2, %add3A_499 : i32
      "tpu.region"() ({
        %run_scoped3A = tpu.sem_alloc : memref<!tpu.dma_semaphore, #tpu.memory_space<semaphore_mem>>
        %dma_start3A_552 = arith.constant 0 : i32
        %dma_start3A_553 = arith.constant 0 : i32
        %dma_start3A_554 = tpu.memref_slice %arg4[%add3A_507, %dma_start3A_552, %dma_start3A_553] : memref<16384x50x32xf32, #tpu.memory_space<hbm>> -> memref<1x50x32xf32, #tpu.memory_space<hbm>>
        %dma_start3A_555 = tpu.memref_squeeze %dma_start3A_554 : memref<1x50x32xf32, #tpu.memory_space<hbm>> -> memref<50x32xf32, #tpu.memory_space<hbm>>
        %dma_start3A_556 = arith.constant 0 : i32
        %dma_start3A_557 = arith.constant 0 : i32
        %dma_start3A_558 = tpu.memref_slice %arg4[%add3A_507, %dma_start3A_556, %dma_start3A_557] : memref<16384x50x32xf32, #tpu.memory_space<hbm>> -> memref<1x50x32xf32, #tpu.memory_space<hbm>>
        %dma_start3A_559 = tpu.memref_squeeze %dma_start3A_558 : memref<1x50x32xf32, #tpu.memory_space<hbm>> -> memref<50x32xf32, #tpu.memory_space<hbm>>
        tpu.enqueue_dma source(%arg19 : memref<50x32xf32, #tpu.memory_space<vmem>>) target(%dma_start3A_559 : memref<50x32xf32, #tpu.memory_space<hbm>>) target_semaphore(%run_scoped3A : memref<!tpu.dma_semaphore, #tpu.memory_space<semaphore_mem>>)
        %dma_wait3A_560 = arith.constant 0 : i32
        %dma_wait3A_561 = arith.constant 0 : i32
        %dma_wait3A_562 = tpu.memref_slice %arg4[%add3A_507, %dma_wait3A_560, %dma_wait3A_561] : memref<16384x50x32xf32, #tpu.memory_space<hbm>> -> memref<1x50x32xf32, #tpu.memory_space<hbm>>
        %dma_wait3A_563 = tpu.memref_squeeze %dma_wait3A_562 : memref<1x50x32xf32, #tpu.memory_space<hbm>> -> memref<50x32xf32, #tpu.memory_space<hbm>>
        %dma_wait3A_564 = arith.constant 0 : i32
        %dma_wait3A_565 = arith.constant 0 : i32
        %dma_wait3A_566 = tpu.memref_slice %arg4[%add3A_507, %dma_wait3A_564, %dma_wait3A_565] : memref<16384x50x32xf32, #tpu.memory_space<hbm>> -> memref<1x50x32xf32, #tpu.memory_space<hbm>>
        %dma_wait3A_567 = tpu.memref_squeeze %dma_wait3A_566 : memref<1x50x32xf32, #tpu.memory_space<hbm>> -> memref<50x32xf32, #tpu.memory_space<hbm>>
        tpu.wait_dma2 semaphore(%run_scoped3A : memref<!tpu.dma_semaphore, #tpu.memory_space<semaphore_mem>>) src(%arg19 : memref<50x32xf32, #tpu.memory_space<vmem>>) dst(%dma_wait3A_567 : memref<50x32xf32, #tpu.memory_space<hbm>>)
        tpu.yield
      }) : () -> ()
      %add3A_508 = arith.constant 16 : i32
      %add3A_509 = arith.addi %add3A_499, %add3A_508 : i32
      %dma_start3A_510 = arith.constant 0 : i32
      %dma_start3A_511 = tpu.memref_slice %arg5[%add3A_509, %dma_start3A_510] : memref<512x50xi32, #tpu.memory_space<vmem>> -> memref<1x50xi32, #tpu.memory_space<vmem>>
      %dma_start3A_512 = tpu.memref_squeeze %dma_start3A_511 : memref<1x50xi32, #tpu.memory_space<vmem>> -> memref<50xi32, #tpu.memory_space<vmem>>
      %dma_start3A_513 = arith.constant 0 : i32
      %dma_start3A_514 = arith.constant 0 : i32
      %dma_start3A_515 = tpu.memref_slice %arg2[%dma_start3A_513, %dma_start3A_514] : memref<1000000x32xf32, #tpu.memory_space<hbm>> -> memref<1000000x32xf32, #tpu.memory_space<hbm>>
      tpu.enqueue_indirect_dma source(%dma_start3A_515 : memref<1000000x32xf32, #tpu.memory_space<hbm>>) target(%arg19 : memref<50x32xf32, #tpu.memory_space<vmem>>) offsets(%dma_start3A_512 : memref<50xi32, #tpu.memory_space<vmem>>) semaphore(%arg35 : memref<!tpu.dma_semaphore, #tpu.memory_space<semaphore_mem>>)
      %add3A_516 = arith.constant 14 : i32
      %add3A_517 = arith.addi %mul3A_263, %add3A_516 : i32
      %dma_wait3A_518 = arith.constant 0 : i32
      %dma_wait3A_519 = arith.constant 0 : i32
      %dma_wait3A_520 = tpu.memref_slice %arg5[%dma_wait3A_518, %dma_wait3A_519] : memref<512x50xi32, #tpu.memory_space<vmem>> -> memref<1x50xi32, #tpu.memory_space<vmem>>
      %dma_wait3A_521 = tpu.memref_squeeze %dma_wait3A_520 : memref<1x50xi32, #tpu.memory_space<vmem>> -> memref<50xi32, #tpu.memory_space<vmem>>
      %dma_wait3A_522 = arith.constant 0 : i32
      %dma_wait3A_523 = arith.constant 0 : i32
      %dma_wait3A_524 = tpu.memref_slice %arg2[%dma_wait3A_522, %dma_wait3A_523] : memref<1000000x32xf32, #tpu.memory_space<hbm>> -> memref<1000000x32xf32, #tpu.memory_space<hbm>>
      tpu.wait_indirect_dma semaphore(%arg36 : memref<!tpu.dma_semaphore, #tpu.memory_space<semaphore_mem>>) src(%dma_wait3A_524 : memref<1000000x32xf32, #tpu.memory_space<hbm>>) dst(%arg20 : memref<50x32xf32, #tpu.memory_space<vmem>>)
      %add3A_525 = arith.addi %mul3A_2, %add3A_517 : i32
      "tpu.region"() ({
        %run_scoped3A = tpu.sem_alloc : memref<!tpu.dma_semaphore, #tpu.memory_space<semaphore_mem>>
        %dma_start3A_552 = arith.constant 0 : i32
        %dma_start3A_553 = arith.constant 0 : i32
        %dma_start3A_554 = tpu.memref_slice %arg4[%add3A_525, %dma_start3A_552, %dma_start3A_553] : memref<16384x50x32xf32, #tpu.memory_space<hbm>> -> memref<1x50x32xf32, #tpu.memory_space<hbm>>
        %dma_start3A_555 = tpu.memref_squeeze %dma_start3A_554 : memref<1x50x32xf32, #tpu.memory_space<hbm>> -> memref<50x32xf32, #tpu.memory_space<hbm>>
        %dma_start3A_556 = arith.constant 0 : i32
        %dma_start3A_557 = arith.constant 0 : i32
        %dma_start3A_558 = tpu.memref_slice %arg4[%add3A_525, %dma_start3A_556, %dma_start3A_557] : memref<16384x50x32xf32, #tpu.memory_space<hbm>> -> memref<1x50x32xf32, #tpu.memory_space<hbm>>
        %dma_start3A_559 = tpu.memref_squeeze %dma_start3A_558 : memref<1x50x32xf32, #tpu.memory_space<hbm>> -> memref<50x32xf32, #tpu.memory_space<hbm>>
        tpu.enqueue_dma source(%arg20 : memref<50x32xf32, #tpu.memory_space<vmem>>) target(%dma_start3A_559 : memref<50x32xf32, #tpu.memory_space<hbm>>) target_semaphore(%run_scoped3A : memref<!tpu.dma_semaphore, #tpu.memory_space<semaphore_mem>>)
        %dma_wait3A_560 = arith.constant 0 : i32
        %dma_wait3A_561 = arith.constant 0 : i32
        %dma_wait3A_562 = tpu.memref_slice %arg4[%add3A_525, %dma_wait3A_560, %dma_wait3A_561] : memref<16384x50x32xf32, #tpu.memory_space<hbm>> -> memref<1x50x32xf32, #tpu.memory_space<hbm>>
        %dma_wait3A_563 = tpu.memref_squeeze %dma_wait3A_562 : memref<1x50x32xf32, #tpu.memory_space<hbm>> -> memref<50x32xf32, #tpu.memory_space<hbm>>
        %dma_wait3A_564 = arith.constant 0 : i32
        %dma_wait3A_565 = arith.constant 0 : i32
        %dma_wait3A_566 = tpu.memref_slice %arg4[%add3A_525, %dma_wait3A_564, %dma_wait3A_565] : memref<16384x50x32xf32, #tpu.memory_space<hbm>> -> memref<1x50x32xf32, #tpu.memory_space<hbm>>
        %dma_wait3A_567 = tpu.memref_squeeze %dma_wait3A_566 : memref<1x50x32xf32, #tpu.memory_space<hbm>> -> memref<50x32xf32, #tpu.memory_space<hbm>>
        tpu.wait_dma2 semaphore(%run_scoped3A : memref<!tpu.dma_semaphore, #tpu.memory_space<semaphore_mem>>) src(%arg20 : memref<50x32xf32, #tpu.memory_space<vmem>>) dst(%dma_wait3A_567 : memref<50x32xf32, #tpu.memory_space<hbm>>)
        tpu.yield
      }) : () -> ()
      %add3A_526 = arith.constant 16 : i32
      %add3A_527 = arith.addi %add3A_517, %add3A_526 : i32
      %dma_start3A_528 = arith.constant 0 : i32
      %dma_start3A_529 = tpu.memref_slice %arg5[%add3A_527, %dma_start3A_528] : memref<512x50xi32, #tpu.memory_space<vmem>> -> memref<1x50xi32, #tpu.memory_space<vmem>>
      %dma_start3A_530 = tpu.memref_squeeze %dma_start3A_529 : memref<1x50xi32, #tpu.memory_space<vmem>> -> memref<50xi32, #tpu.memory_space<vmem>>
      %dma_start3A_531 = arith.constant 0 : i32
      %dma_start3A_532 = arith.constant 0 : i32
      %dma_start3A_533 = tpu.memref_slice %arg2[%dma_start3A_531, %dma_start3A_532] : memref<1000000x32xf32, #tpu.memory_space<hbm>> -> memref<1000000x32xf32, #tpu.memory_space<hbm>>
      tpu.enqueue_indirect_dma source(%dma_start3A_533 : memref<1000000x32xf32, #tpu.memory_space<hbm>>) target(%arg20 : memref<50x32xf32, #tpu.memory_space<vmem>>) offsets(%dma_start3A_530 : memref<50xi32, #tpu.memory_space<vmem>>) semaphore(%arg36 : memref<!tpu.dma_semaphore, #tpu.memory_space<semaphore_mem>>)
      %add3A_534 = arith.constant 15 : i32
      %add3A_535 = arith.addi %mul3A_263, %add3A_534 : i32
      %dma_wait3A_536 = arith.constant 0 : i32
      %dma_wait3A_537 = arith.constant 0 : i32
      %dma_wait3A_538 = tpu.memref_slice %arg5[%dma_wait3A_536, %dma_wait3A_537] : memref<512x50xi32, #tpu.memory_space<vmem>> -> memref<1x50xi32, #tpu.memory_space<vmem>>
      %dma_wait3A_539 = tpu.memref_squeeze %dma_wait3A_538 : memref<1x50xi32, #tpu.memory_space<vmem>> -> memref<50xi32, #tpu.memory_space<vmem>>
      %dma_wait3A_540 = arith.constant 0 : i32
      %dma_wait3A_541 = arith.constant 0 : i32
      %dma_wait3A_542 = tpu.memref_slice %arg2[%dma_wait3A_540, %dma_wait3A_541] : memref<1000000x32xf32, #tpu.memory_space<hbm>> -> memref<1000000x32xf32, #tpu.memory_space<hbm>>
      tpu.wait_indirect_dma semaphore(%arg37 : memref<!tpu.dma_semaphore, #tpu.memory_space<semaphore_mem>>) src(%dma_wait3A_542 : memref<1000000x32xf32, #tpu.memory_space<hbm>>) dst(%arg21 : memref<50x32xf32, #tpu.memory_space<vmem>>)
      %add3A_543 = arith.addi %mul3A_2, %add3A_535 : i32
      "tpu.region"() ({
        %run_scoped3A = tpu.sem_alloc : memref<!tpu.dma_semaphore, #tpu.memory_space<semaphore_mem>>
        %dma_start3A_552 = arith.constant 0 : i32
        %dma_start3A_553 = arith.constant 0 : i32
        %dma_start3A_554 = tpu.memref_slice %arg4[%add3A_543, %dma_start3A_552, %dma_start3A_553] : memref<16384x50x32xf32, #tpu.memory_space<hbm>> -> memref<1x50x32xf32, #tpu.memory_space<hbm>>
        %dma_start3A_555 = tpu.memref_squeeze %dma_start3A_554 : memref<1x50x32xf32, #tpu.memory_space<hbm>> -> memref<50x32xf32, #tpu.memory_space<hbm>>
        %dma_start3A_556 = arith.constant 0 : i32
        %dma_start3A_557 = arith.constant 0 : i32
        %dma_start3A_558 = tpu.memref_slice %arg4[%add3A_543, %dma_start3A_556, %dma_start3A_557] : memref<16384x50x32xf32, #tpu.memory_space<hbm>> -> memref<1x50x32xf32, #tpu.memory_space<hbm>>
        %dma_start3A_559 = tpu.memref_squeeze %dma_start3A_558 : memref<1x50x32xf32, #tpu.memory_space<hbm>> -> memref<50x32xf32, #tpu.memory_space<hbm>>
        tpu.enqueue_dma source(%arg21 : memref<50x32xf32, #tpu.memory_space<vmem>>) target(%dma_start3A_559 : memref<50x32xf32, #tpu.memory_space<hbm>>) target_semaphore(%run_scoped3A : memref<!tpu.dma_semaphore, #tpu.memory_space<semaphore_mem>>)
        %dma_wait3A_560 = arith.constant 0 : i32
        %dma_wait3A_561 = arith.constant 0 : i32
        %dma_wait3A_562 = tpu.memref_slice %arg4[%add3A_543, %dma_wait3A_560, %dma_wait3A_561] : memref<16384x50x32xf32, #tpu.memory_space<hbm>> -> memref<1x50x32xf32, #tpu.memory_space<hbm>>
        %dma_wait3A_563 = tpu.memref_squeeze %dma_wait3A_562 : memref<1x50x32xf32, #tpu.memory_space<hbm>> -> memref<50x32xf32, #tpu.memory_space<hbm>>
        %dma_wait3A_564 = arith.constant 0 : i32
        %dma_wait3A_565 = arith.constant 0 : i32
        %dma_wait3A_566 = tpu.memref_slice %arg4[%add3A_543, %dma_wait3A_564, %dma_wait3A_565] : memref<16384x50x32xf32, #tpu.memory_space<hbm>> -> memref<1x50x32xf32, #tpu.memory_space<hbm>>
        %dma_wait3A_567 = tpu.memref_squeeze %dma_wait3A_566 : memref<1x50x32xf32, #tpu.memory_space<hbm>> -> memref<50x32xf32, #tpu.memory_space<hbm>>
        tpu.wait_dma2 semaphore(%run_scoped3A : memref<!tpu.dma_semaphore, #tpu.memory_space<semaphore_mem>>) src(%arg21 : memref<50x32xf32, #tpu.memory_space<vmem>>) dst(%dma_wait3A_567 : memref<50x32xf32, #tpu.memory_space<hbm>>)
        tpu.yield
      }) : () -> ()
      %add3A_544 = arith.constant 16 : i32
      %add3A_545 = arith.addi %add3A_535, %add3A_544 : i32
      %dma_start3A_546 = arith.constant 0 : i32
      %dma_start3A_547 = tpu.memref_slice %arg5[%add3A_545, %dma_start3A_546] : memref<512x50xi32, #tpu.memory_space<vmem>> -> memref<1x50xi32, #tpu.memory_space<vmem>>
      %dma_start3A_548 = tpu.memref_squeeze %dma_start3A_547 : memref<1x50xi32, #tpu.memory_space<vmem>> -> memref<50xi32, #tpu.memory_space<vmem>>
      %dma_start3A_549 = arith.constant 0 : i32
      %dma_start3A_550 = arith.constant 0 : i32
      %dma_start3A_551 = tpu.memref_slice %arg2[%dma_start3A_549, %dma_start3A_550] : memref<1000000x32xf32, #tpu.memory_space<hbm>> -> memref<1000000x32xf32, #tpu.memory_space<hbm>>
      tpu.enqueue_indirect_dma source(%dma_start3A_551 : memref<1000000x32xf32, #tpu.memory_space<hbm>>) target(%arg21 : memref<50x32xf32, #tpu.memory_space<vmem>>) offsets(%dma_start3A_548 : memref<50xi32, #tpu.memory_space<vmem>>) semaphore(%arg37 : memref<!tpu.dma_semaphore, #tpu.memory_space<semaphore_mem>>)
    }
    %scan3A_117 = arith.constant 31 : i32
    %dma_wait3A = arith.constant 0 : i32
    %dma_wait3A_118 = arith.constant 0 : i32
    %dma_wait3A_119 = tpu.memref_slice %arg5[%dma_wait3A, %dma_wait3A_118] : memref<512x50xi32, #tpu.memory_space<vmem>> -> memref<1x50xi32, #tpu.memory_space<vmem>>
    %dma_wait3A_120 = tpu.memref_squeeze %dma_wait3A_119 : memref<1x50xi32, #tpu.memory_space<vmem>> -> memref<50xi32, #tpu.memory_space<vmem>>
    %dma_wait3A_121 = arith.constant 0 : i32
    %dma_wait3A_122 = arith.constant 0 : i32
    %dma_wait3A_123 = tpu.memref_slice %arg2[%dma_wait3A_121, %dma_wait3A_122] : memref<1000000x32xf32, #tpu.memory_space<hbm>> -> memref<1000000x32xf32, #tpu.memory_space<hbm>>
    tpu.wait_indirect_dma semaphore(%arg22 : memref<!tpu.dma_semaphore, #tpu.memory_space<semaphore_mem>>) src(%dma_wait3A_123 : memref<1000000x32xf32, #tpu.memory_space<hbm>>) dst(%arg6 : memref<50x32xf32, #tpu.memory_space<vmem>>)
    %add3A_124 = arith.constant 496 : i32
    %add3A_125 = arith.addi %mul3A_2, %add3A_124 : i32
    "tpu.region"() ({
      %run_scoped3A = tpu.sem_alloc : memref<!tpu.dma_semaphore, #tpu.memory_space<semaphore_mem>>
      %dma_start3A_261 = arith.constant 0 : i32
      %dma_start3A_262 = arith.constant 0 : i32
      %dma_start3A_263 = tpu.memref_slice %arg4[%add3A_125, %dma_start3A_261, %dma_start3A_262] : memref<16384x50x32xf32, #tpu.memory_space<hbm>> -> memref<1x50x32xf32, #tpu.memory_space<hbm>>
      %dma_start3A_264 = tpu.memref_squeeze %dma_start3A_263 : memref<1x50x32xf32, #tpu.memory_space<hbm>> -> memref<50x32xf32, #tpu.memory_space<hbm>>
      %dma_start3A_265 = arith.constant 0 : i32
      %dma_start3A_266 = arith.constant 0 : i32
      %dma_start3A_267 = tpu.memref_slice %arg4[%add3A_125, %dma_start3A_265, %dma_start3A_266] : memref<16384x50x32xf32, #tpu.memory_space<hbm>> -> memref<1x50x32xf32, #tpu.memory_space<hbm>>
      %dma_start3A_268 = tpu.memref_squeeze %dma_start3A_267 : memref<1x50x32xf32, #tpu.memory_space<hbm>> -> memref<50x32xf32, #tpu.memory_space<hbm>>
      tpu.enqueue_dma source(%arg6 : memref<50x32xf32, #tpu.memory_space<vmem>>) target(%dma_start3A_268 : memref<50x32xf32, #tpu.memory_space<hbm>>) target_semaphore(%run_scoped3A : memref<!tpu.dma_semaphore, #tpu.memory_space<semaphore_mem>>)
      %dma_wait3A_269 = arith.constant 0 : i32
      %dma_wait3A_270 = arith.constant 0 : i32
      %dma_wait3A_271 = tpu.memref_slice %arg4[%add3A_125, %dma_wait3A_269, %dma_wait3A_270] : memref<16384x50x32xf32, #tpu.memory_space<hbm>> -> memref<1x50x32xf32, #tpu.memory_space<hbm>>
      %dma_wait3A_272 = tpu.memref_squeeze %dma_wait3A_271 : memref<1x50x32xf32, #tpu.memory_space<hbm>> -> memref<50x32xf32, #tpu.memory_space<hbm>>
      %dma_wait3A_273 = arith.constant 0 : i32
      %dma_wait3A_274 = arith.constant 0 : i32
      %dma_wait3A_275 = tpu.memref_slice %arg4[%add3A_125, %dma_wait3A_273, %dma_wait3A_274] : memref<16384x50x32xf32, #tpu.memory_space<hbm>> -> memref<1x50x32xf32, #tpu.memory_space<hbm>>
      %dma_wait3A_276 = tpu.memref_squeeze %dma_wait3A_275 : memref<1x50x32xf32, #tpu.memory_space<hbm>> -> memref<50x32xf32, #tpu.memory_space<hbm>>
      tpu.wait_dma2 semaphore(%run_scoped3A : memref<!tpu.dma_semaphore, #tpu.memory_space<semaphore_mem>>) src(%arg6 : memref<50x32xf32, #tpu.memory_space<vmem>>) dst(%dma_wait3A_276 : memref<50x32xf32, #tpu.memory_space<hbm>>)
      tpu.yield
    }) : () -> ()
    %dma_wait3A_126 = arith.constant 0 : i32
    %dma_wait3A_127 = arith.constant 0 : i32
    %dma_wait3A_128 = tpu.memref_slice %arg5[%dma_wait3A_126, %dma_wait3A_127] : memref<512x50xi32, #tpu.memory_space<vmem>> -> memref<1x50xi32, #tpu.memory_space<vmem>>
    %dma_wait3A_129 = tpu.memref_squeeze %dma_wait3A_128 : memref<1x50xi32, #tpu.memory_space<vmem>> -> memref<50xi32, #tpu.memory_space<vmem>>
    %dma_wait3A_130 = arith.constant 0 : i32
    %dma_wait3A_131 = arith.constant 0 : i32
    %dma_wait3A_132 = tpu.memref_slice %arg2[%dma_wait3A_130, %dma_wait3A_131] : memref<1000000x32xf32, #tpu.memory_space<hbm>> -> memref<1000000x32xf32, #tpu.memory_space<hbm>>
    tpu.wait_indirect_dma semaphore(%arg23 : memref<!tpu.dma_semaphore, #tpu.memory_space<semaphore_mem>>) src(%dma_wait3A_132 : memref<1000000x32xf32, #tpu.memory_space<hbm>>) dst(%arg7 : memref<50x32xf32, #tpu.memory_space<vmem>>)
    %add3A_133 = arith.constant 497 : i32
    %add3A_134 = arith.addi %mul3A_2, %add3A_133 : i32
    "tpu.region"() ({
      %run_scoped3A = tpu.sem_alloc : memref<!tpu.dma_semaphore, #tpu.memory_space<semaphore_mem>>
      %dma_start3A_261 = arith.constant 0 : i32
      %dma_start3A_262 = arith.constant 0 : i32
      %dma_start3A_263 = tpu.memref_slice %arg4[%add3A_134, %dma_start3A_261, %dma_start3A_262] : memref<16384x50x32xf32, #tpu.memory_space<hbm>> -> memref<1x50x32xf32, #tpu.memory_space<hbm>>
      %dma_start3A_264 = tpu.memref_squeeze %dma_start3A_263 : memref<1x50x32xf32, #tpu.memory_space<hbm>> -> memref<50x32xf32, #tpu.memory_space<hbm>>
      %dma_start3A_265 = arith.constant 0 : i32
      %dma_start3A_266 = arith.constant 0 : i32
      %dma_start3A_267 = tpu.memref_slice %arg4[%add3A_134, %dma_start3A_265, %dma_start3A_266] : memref<16384x50x32xf32, #tpu.memory_space<hbm>> -> memref<1x50x32xf32, #tpu.memory_space<hbm>>
      %dma_start3A_268 = tpu.memref_squeeze %dma_start3A_267 : memref<1x50x32xf32, #tpu.memory_space<hbm>> -> memref<50x32xf32, #tpu.memory_space<hbm>>
      tpu.enqueue_dma source(%arg7 : memref<50x32xf32, #tpu.memory_space<vmem>>) target(%dma_start3A_268 : memref<50x32xf32, #tpu.memory_space<hbm>>) target_semaphore(%run_scoped3A : memref<!tpu.dma_semaphore, #tpu.memory_space<semaphore_mem>>)
      %dma_wait3A_269 = arith.constant 0 : i32
      %dma_wait3A_270 = arith.constant 0 : i32
      %dma_wait3A_271 = tpu.memref_slice %arg4[%add3A_134, %dma_wait3A_269, %dma_wait3A_270] : memref<16384x50x32xf32, #tpu.memory_space<hbm>> -> memref<1x50x32xf32, #tpu.memory_space<hbm>>
      %dma_wait3A_272 = tpu.memref_squeeze %dma_wait3A_271 : memref<1x50x32xf32, #tpu.memory_space<hbm>> -> memref<50x32xf32, #tpu.memory_space<hbm>>
      %dma_wait3A_273 = arith.constant 0 : i32
      %dma_wait3A_274 = arith.constant 0 : i32
      %dma_wait3A_275 = tpu.memref_slice %arg4[%add3A_134, %dma_wait3A_273, %dma_wait3A_274] : memref<16384x50x32xf32, #tpu.memory_space<hbm>> -> memref<1x50x32xf32, #tpu.memory_space<hbm>>
      %dma_wait3A_276 = tpu.memref_squeeze %dma_wait3A_275 : memref<1x50x32xf32, #tpu.memory_space<hbm>> -> memref<50x32xf32, #tpu.memory_space<hbm>>
      tpu.wait_dma2 semaphore(%run_scoped3A : memref<!tpu.dma_semaphore, #tpu.memory_space<semaphore_mem>>) src(%arg7 : memref<50x32xf32, #tpu.memory_space<vmem>>) dst(%dma_wait3A_276 : memref<50x32xf32, #tpu.memory_space<hbm>>)
      tpu.yield
    }) : () -> ()
    %dma_wait3A_135 = arith.constant 0 : i32
    %dma_wait3A_136 = arith.constant 0 : i32
    %dma_wait3A_137 = tpu.memref_slice %arg5[%dma_wait3A_135, %dma_wait3A_136] : memref<512x50xi32, #tpu.memory_space<vmem>> -> memref<1x50xi32, #tpu.memory_space<vmem>>
    %dma_wait3A_138 = tpu.memref_squeeze %dma_wait3A_137 : memref<1x50xi32, #tpu.memory_space<vmem>> -> memref<50xi32, #tpu.memory_space<vmem>>
    %dma_wait3A_139 = arith.constant 0 : i32
    %dma_wait3A_140 = arith.constant 0 : i32
    %dma_wait3A_141 = tpu.memref_slice %arg2[%dma_wait3A_139, %dma_wait3A_140] : memref<1000000x32xf32, #tpu.memory_space<hbm>> -> memref<1000000x32xf32, #tpu.memory_space<hbm>>
    tpu.wait_indirect_dma semaphore(%arg24 : memref<!tpu.dma_semaphore, #tpu.memory_space<semaphore_mem>>) src(%dma_wait3A_141 : memref<1000000x32xf32, #tpu.memory_space<hbm>>) dst(%arg8 : memref<50x32xf32, #tpu.memory_space<vmem>>)
    %add3A_142 = arith.constant 498 : i32
    %add3A_143 = arith.addi %mul3A_2, %add3A_142 : i32
    "tpu.region"() ({
      %run_scoped3A = tpu.sem_alloc : memref<!tpu.dma_semaphore, #tpu.memory_space<semaphore_mem>>
      %dma_start3A_261 = arith.constant 0 : i32
      %dma_start3A_262 = arith.constant 0 : i32
      %dma_start3A_263 = tpu.memref_slice %arg4[%add3A_143, %dma_start3A_261, %dma_start3A_262] : memref<16384x50x32xf32, #tpu.memory_space<hbm>> -> memref<1x50x32xf32, #tpu.memory_space<hbm>>
      %dma_start3A_264 = tpu.memref_squeeze %dma_start3A_263 : memref<1x50x32xf32, #tpu.memory_space<hbm>> -> memref<50x32xf32, #tpu.memory_space<hbm>>
      %dma_start3A_265 = arith.constant 0 : i32
      %dma_start3A_266 = arith.constant 0 : i32
      %dma_start3A_267 = tpu.memref_slice %arg4[%add3A_143, %dma_start3A_265, %dma_start3A_266] : memref<16384x50x32xf32, #tpu.memory_space<hbm>> -> memref<1x50x32xf32, #tpu.memory_space<hbm>>
      %dma_start3A_268 = tpu.memref_squeeze %dma_start3A_267 : memref<1x50x32xf32, #tpu.memory_space<hbm>> -> memref<50x32xf32, #tpu.memory_space<hbm>>
      tpu.enqueue_dma source(%arg8 : memref<50x32xf32, #tpu.memory_space<vmem>>) target(%dma_start3A_268 : memref<50x32xf32, #tpu.memory_space<hbm>>) target_semaphore(%run_scoped3A : memref<!tpu.dma_semaphore, #tpu.memory_space<semaphore_mem>>)
      %dma_wait3A_269 = arith.constant 0 : i32
      %dma_wait3A_270 = arith.constant 0 : i32
      %dma_wait3A_271 = tpu.memref_slice %arg4[%add3A_143, %dma_wait3A_269, %dma_wait3A_270] : memref<16384x50x32xf32, #tpu.memory_space<hbm>> -> memref<1x50x32xf32, #tpu.memory_space<hbm>>
      %dma_wait3A_272 = tpu.memref_squeeze %dma_wait3A_271 : memref<1x50x32xf32, #tpu.memory_space<hbm>> -> memref<50x32xf32, #tpu.memory_space<hbm>>
      %dma_wait3A_273 = arith.constant 0 : i32
      %dma_wait3A_274 = arith.constant 0 : i32
      %dma_wait3A_275 = tpu.memref_slice %arg4[%add3A_143, %dma_wait3A_273, %dma_wait3A_274] : memref<16384x50x32xf32, #tpu.memory_space<hbm>> -> memref<1x50x32xf32, #tpu.memory_space<hbm>>
      %dma_wait3A_276 = tpu.memref_squeeze %dma_wait3A_275 : memref<1x50x32xf32, #tpu.memory_space<hbm>> -> memref<50x32xf32, #tpu.memory_space<hbm>>
      tpu.wait_dma2 semaphore(%run_scoped3A : memref<!tpu.dma_semaphore, #tpu.memory_space<semaphore_mem>>) src(%arg8 : memref<50x32xf32, #tpu.memory_space<vmem>>) dst(%dma_wait3A_276 : memref<50x32xf32, #tpu.memory_space<hbm>>)
      tpu.yield
    }) : () -> ()
    %dma_wait3A_144 = arith.constant 0 : i32
    %dma_wait3A_145 = arith.constant 0 : i32
    %dma_wait3A_146 = tpu.memref_slice %arg5[%dma_wait3A_144, %dma_wait3A_145] : memref<512x50xi32, #tpu.memory_space<vmem>> -> memref<1x50xi32, #tpu.memory_space<vmem>>
    %dma_wait3A_147 = tpu.memref_squeeze %dma_wait3A_146 : memref<1x50xi32, #tpu.memory_space<vmem>> -> memref<50xi32, #tpu.memory_space<vmem>>
    %dma_wait3A_148 = arith.constant 0 : i32
    %dma_wait3A_149 = arith.constant 0 : i32
    %dma_wait3A_150 = tpu.memref_slice %arg2[%dma_wait3A_148, %dma_wait3A_149] : memref<1000000x32xf32, #tpu.memory_space<hbm>> -> memref<1000000x32xf32, #tpu.memory_space<hbm>>
    tpu.wait_indirect_dma semaphore(%arg25 : memref<!tpu.dma_semaphore, #tpu.memory_space<semaphore_mem>>) src(%dma_wait3A_150 : memref<1000000x32xf32, #tpu.memory_space<hbm>>) dst(%arg9 : memref<50x32xf32, #tpu.memory_space<vmem>>)
    %add3A_151 = arith.constant 499 : i32
    %add3A_152 = arith.addi %mul3A_2, %add3A_151 : i32
    "tpu.region"() ({
      %run_scoped3A = tpu.sem_alloc : memref<!tpu.dma_semaphore, #tpu.memory_space<semaphore_mem>>
      %dma_start3A_261 = arith.constant 0 : i32
      %dma_start3A_262 = arith.constant 0 : i32
      %dma_start3A_263 = tpu.memref_slice %arg4[%add3A_152, %dma_start3A_261, %dma_start3A_262] : memref<16384x50x32xf32, #tpu.memory_space<hbm>> -> memref<1x50x32xf32, #tpu.memory_space<hbm>>
      %dma_start3A_264 = tpu.memref_squeeze %dma_start3A_263 : memref<1x50x32xf32, #tpu.memory_space<hbm>> -> memref<50x32xf32, #tpu.memory_space<hbm>>
      %dma_start3A_265 = arith.constant 0 : i32
      %dma_start3A_266 = arith.constant 0 : i32
      %dma_start3A_267 = tpu.memref_slice %arg4[%add3A_152, %dma_start3A_265, %dma_start3A_266] : memref<16384x50x32xf32, #tpu.memory_space<hbm>> -> memref<1x50x32xf32, #tpu.memory_space<hbm>>
      %dma_start3A_268 = tpu.memref_squeeze %dma_start3A_267 : memref<1x50x32xf32, #tpu.memory_space<hbm>> -> memref<50x32xf32, #tpu.memory_space<hbm>>
      tpu.enqueue_dma source(%arg9 : memref<50x32xf32, #tpu.memory_space<vmem>>) target(%dma_start3A_268 : memref<50x32xf32, #tpu.memory_space<hbm>>) target_semaphore(%run_scoped3A : memref<!tpu.dma_semaphore, #tpu.memory_space<semaphore_mem>>)
      %dma_wait3A_269 = arith.constant 0 : i32
      %dma_wait3A_270 = arith.constant 0 : i32
      %dma_wait3A_271 = tpu.memref_slice %arg4[%add3A_152, %dma_wait3A_269, %dma_wait3A_270] : memref<16384x50x32xf32, #tpu.memory_space<hbm>> -> memref<1x50x32xf32, #tpu.memory_space<hbm>>
      %dma_wait3A_272 = tpu.memref_squeeze %dma_wait3A_271 : memref<1x50x32xf32, #tpu.memory_space<hbm>> -> memref<50x32xf32, #tpu.memory_space<hbm>>
      %dma_wait3A_273 = arith.constant 0 : i32
      %dma_wait3A_274 = arith.constant 0 : i32
      %dma_wait3A_275 = tpu.memref_slice %arg4[%add3A_152, %dma_wait3A_273, %dma_wait3A_274] : memref<16384x50x32xf32, #tpu.memory_space<hbm>> -> memref<1x50x32xf32, #tpu.memory_space<hbm>>
      %dma_wait3A_276 = tpu.memref_squeeze %dma_wait3A_275 : memref<1x50x32xf32, #tpu.memory_space<hbm>> -> memref<50x32xf32, #tpu.memory_space<hbm>>
      tpu.wait_dma2 semaphore(%run_scoped3A : memref<!tpu.dma_semaphore, #tpu.memory_space<semaphore_mem>>) src(%arg9 : memref<50x32xf32, #tpu.memory_space<vmem>>) dst(%dma_wait3A_276 : memref<50x32xf32, #tpu.memory_space<hbm>>)
      tpu.yield
    }) : () -> ()
    %dma_wait3A_153 = arith.constant 0 : i32
    %dma_wait3A_154 = arith.constant 0 : i32
    %dma_wait3A_155 = tpu.memref_slice %arg5[%dma_wait3A_153, %dma_wait3A_154] : memref<512x50xi32, #tpu.memory_space<vmem>> -> memref<1x50xi32, #tpu.memory_space<vmem>>
    %dma_wait3A_156 = tpu.memref_squeeze %dma_wait3A_155 : memref<1x50xi32, #tpu.memory_space<vmem>> -> memref<50xi32, #tpu.memory_space<vmem>>
    %dma_wait3A_157 = arith.constant 0 : i32
    %dma_wait3A_158 = arith.constant 0 : i32
    %dma_wait3A_159 = tpu.memref_slice %arg2[%dma_wait3A_157, %dma_wait3A_158] : memref<1000000x32xf32, #tpu.memory_space<hbm>> -> memref<1000000x32xf32, #tpu.memory_space<hbm>>
    tpu.wait_indirect_dma semaphore(%arg26 : memref<!tpu.dma_semaphore, #tpu.memory_space<semaphore_mem>>) src(%dma_wait3A_159 : memref<1000000x32xf32, #tpu.memory_space<hbm>>) dst(%arg10 : memref<50x32xf32, #tpu.memory_space<vmem>>)
    %add3A_160 = arith.constant 500 : i32
    %add3A_161 = arith.addi %mul3A_2, %add3A_160 : i32
    "tpu.region"() ({
      %run_scoped3A = tpu.sem_alloc : memref<!tpu.dma_semaphore, #tpu.memory_space<semaphore_mem>>
      %dma_start3A_261 = arith.constant 0 : i32
      %dma_start3A_262 = arith.constant 0 : i32
      %dma_start3A_263 = tpu.memref_slice %arg4[%add3A_161, %dma_start3A_261, %dma_start3A_262] : memref<16384x50x32xf32, #tpu.memory_space<hbm>> -> memref<1x50x32xf32, #tpu.memory_space<hbm>>
      %dma_start3A_264 = tpu.memref_squeeze %dma_start3A_263 : memref<1x50x32xf32, #tpu.memory_space<hbm>> -> memref<50x32xf32, #tpu.memory_space<hbm>>
      %dma_start3A_265 = arith.constant 0 : i32
      %dma_start3A_266 = arith.constant 0 : i32
      %dma_start3A_267 = tpu.memref_slice %arg4[%add3A_161, %dma_start3A_265, %dma_start3A_266] : memref<16384x50x32xf32, #tpu.memory_space<hbm>> -> memref<1x50x32xf32, #tpu.memory_space<hbm>>
      %dma_start3A_268 = tpu.memref_squeeze %dma_start3A_267 : memref<1x50x32xf32, #tpu.memory_space<hbm>> -> memref<50x32xf32, #tpu.memory_space<hbm>>
      tpu.enqueue_dma source(%arg10 : memref<50x32xf32, #tpu.memory_space<vmem>>) target(%dma_start3A_268 : memref<50x32xf32, #tpu.memory_space<hbm>>) target_semaphore(%run_scoped3A : memref<!tpu.dma_semaphore, #tpu.memory_space<semaphore_mem>>)
      %dma_wait3A_269 = arith.constant 0 : i32
      %dma_wait3A_270 = arith.constant 0 : i32
      %dma_wait3A_271 = tpu.memref_slice %arg4[%add3A_161, %dma_wait3A_269, %dma_wait3A_270] : memref<16384x50x32xf32, #tpu.memory_space<hbm>> -> memref<1x50x32xf32, #tpu.memory_space<hbm>>
      %dma_wait3A_272 = tpu.memref_squeeze %dma_wait3A_271 : memref<1x50x32xf32, #tpu.memory_space<hbm>> -> memref<50x32xf32, #tpu.memory_space<hbm>>
      %dma_wait3A_273 = arith.constant 0 : i32
      %dma_wait3A_274 = arith.constant 0 : i32
      %dma_wait3A_275 = tpu.memref_slice %arg4[%add3A_161, %dma_wait3A_273, %dma_wait3A_274] : memref<16384x50x32xf32, #tpu.memory_space<hbm>> -> memref<1x50x32xf32, #tpu.memory_space<hbm>>
      %dma_wait3A_276 = tpu.memref_squeeze %dma_wait3A_275 : memref<1x50x32xf32, #tpu.memory_space<hbm>> -> memref<50x32xf32, #tpu.memory_space<hbm>>
      tpu.wait_dma2 semaphore(%run_scoped3A : memref<!tpu.dma_semaphore, #tpu.memory_space<semaphore_mem>>) src(%arg10 : memref<50x32xf32, #tpu.memory_space<vmem>>) dst(%dma_wait3A_276 : memref<50x32xf32, #tpu.memory_space<hbm>>)
      tpu.yield
    }) : () -> ()
    %dma_wait3A_162 = arith.constant 0 : i32
    %dma_wait3A_163 = arith.constant 0 : i32
    %dma_wait3A_164 = tpu.memref_slice %arg5[%dma_wait3A_162, %dma_wait3A_163] : memref<512x50xi32, #tpu.memory_space<vmem>> -> memref<1x50xi32, #tpu.memory_space<vmem>>
    %dma_wait3A_165 = tpu.memref_squeeze %dma_wait3A_164 : memref<1x50xi32, #tpu.memory_space<vmem>> -> memref<50xi32, #tpu.memory_space<vmem>>
    %dma_wait3A_166 = arith.constant 0 : i32
    %dma_wait3A_167 = arith.constant 0 : i32
    %dma_wait3A_168 = tpu.memref_slice %arg2[%dma_wait3A_166, %dma_wait3A_167] : memref<1000000x32xf32, #tpu.memory_space<hbm>> -> memref<1000000x32xf32, #tpu.memory_space<hbm>>
    tpu.wait_indirect_dma semaphore(%arg27 : memref<!tpu.dma_semaphore, #tpu.memory_space<semaphore_mem>>) src(%dma_wait3A_168 : memref<1000000x32xf32, #tpu.memory_space<hbm>>) dst(%arg11 : memref<50x32xf32, #tpu.memory_space<vmem>>)
    %add3A_169 = arith.constant 501 : i32
    %add3A_170 = arith.addi %mul3A_2, %add3A_169 : i32
    "tpu.region"() ({
      %run_scoped3A = tpu.sem_alloc : memref<!tpu.dma_semaphore, #tpu.memory_space<semaphore_mem>>
      %dma_start3A_261 = arith.constant 0 : i32
      %dma_start3A_262 = arith.constant 0 : i32
      %dma_start3A_263 = tpu.memref_slice %arg4[%add3A_170, %dma_start3A_261, %dma_start3A_262] : memref<16384x50x32xf32, #tpu.memory_space<hbm>> -> memref<1x50x32xf32, #tpu.memory_space<hbm>>
      %dma_start3A_264 = tpu.memref_squeeze %dma_start3A_263 : memref<1x50x32xf32, #tpu.memory_space<hbm>> -> memref<50x32xf32, #tpu.memory_space<hbm>>
      %dma_start3A_265 = arith.constant 0 : i32
      %dma_start3A_266 = arith.constant 0 : i32
      %dma_start3A_267 = tpu.memref_slice %arg4[%add3A_170, %dma_start3A_265, %dma_start3A_266] : memref<16384x50x32xf32, #tpu.memory_space<hbm>> -> memref<1x50x32xf32, #tpu.memory_space<hbm>>
      %dma_start3A_268 = tpu.memref_squeeze %dma_start3A_267 : memref<1x50x32xf32, #tpu.memory_space<hbm>> -> memref<50x32xf32, #tpu.memory_space<hbm>>
      tpu.enqueue_dma source(%arg11 : memref<50x32xf32, #tpu.memory_space<vmem>>) target(%dma_start3A_268 : memref<50x32xf32, #tpu.memory_space<hbm>>) target_semaphore(%run_scoped3A : memref<!tpu.dma_semaphore, #tpu.memory_space<semaphore_mem>>)
      %dma_wait3A_269 = arith.constant 0 : i32
      %dma_wait3A_270 = arith.constant 0 : i32
      %dma_wait3A_271 = tpu.memref_slice %arg4[%add3A_170, %dma_wait3A_269, %dma_wait3A_270] : memref<16384x50x32xf32, #tpu.memory_space<hbm>> -> memref<1x50x32xf32, #tpu.memory_space<hbm>>
      %dma_wait3A_272 = tpu.memref_squeeze %dma_wait3A_271 : memref<1x50x32xf32, #tpu.memory_space<hbm>> -> memref<50x32xf32, #tpu.memory_space<hbm>>
      %dma_wait3A_273 = arith.constant 0 : i32
      %dma_wait3A_274 = arith.constant 0 : i32
      %dma_wait3A_275 = tpu.memref_slice %arg4[%add3A_170, %dma_wait3A_273, %dma_wait3A_274] : memref<16384x50x32xf32, #tpu.memory_space<hbm>> -> memref<1x50x32xf32, #tpu.memory_space<hbm>>
      %dma_wait3A_276 = tpu.memref_squeeze %dma_wait3A_275 : memref<1x50x32xf32, #tpu.memory_space<hbm>> -> memref<50x32xf32, #tpu.memory_space<hbm>>
      tpu.wait_dma2 semaphore(%run_scoped3A : memref<!tpu.dma_semaphore, #tpu.memory_space<semaphore_mem>>) src(%arg11 : memref<50x32xf32, #tpu.memory_space<vmem>>) dst(%dma_wait3A_276 : memref<50x32xf32, #tpu.memory_space<hbm>>)
      tpu.yield
    }) : () -> ()
    %dma_wait3A_171 = arith.constant 0 : i32
    %dma_wait3A_172 = arith.constant 0 : i32
    %dma_wait3A_173 = tpu.memref_slice %arg5[%dma_wait3A_171, %dma_wait3A_172] : memref<512x50xi32, #tpu.memory_space<vmem>> -> memref<1x50xi32, #tpu.memory_space<vmem>>
    %dma_wait3A_174 = tpu.memref_squeeze %dma_wait3A_173 : memref<1x50xi32, #tpu.memory_space<vmem>> -> memref<50xi32, #tpu.memory_space<vmem>>
    %dma_wait3A_175 = arith.constant 0 : i32
    %dma_wait3A_176 = arith.constant 0 : i32
    %dma_wait3A_177 = tpu.memref_slice %arg2[%dma_wait3A_175, %dma_wait3A_176] : memref<1000000x32xf32, #tpu.memory_space<hbm>> -> memref<1000000x32xf32, #tpu.memory_space<hbm>>
    tpu.wait_indirect_dma semaphore(%arg28 : memref<!tpu.dma_semaphore, #tpu.memory_space<semaphore_mem>>) src(%dma_wait3A_177 : memref<1000000x32xf32, #tpu.memory_space<hbm>>) dst(%arg12 : memref<50x32xf32, #tpu.memory_space<vmem>>)
    %add3A_178 = arith.constant 502 : i32
    %add3A_179 = arith.addi %mul3A_2, %add3A_178 : i32
    "tpu.region"() ({
      %run_scoped3A = tpu.sem_alloc : memref<!tpu.dma_semaphore, #tpu.memory_space<semaphore_mem>>
      %dma_start3A_261 = arith.constant 0 : i32
      %dma_start3A_262 = arith.constant 0 : i32
      %dma_start3A_263 = tpu.memref_slice %arg4[%add3A_179, %dma_start3A_261, %dma_start3A_262] : memref<16384x50x32xf32, #tpu.memory_space<hbm>> -> memref<1x50x32xf32, #tpu.memory_space<hbm>>
      %dma_start3A_264 = tpu.memref_squeeze %dma_start3A_263 : memref<1x50x32xf32, #tpu.memory_space<hbm>> -> memref<50x32xf32, #tpu.memory_space<hbm>>
      %dma_start3A_265 = arith.constant 0 : i32
      %dma_start3A_266 = arith.constant 0 : i32
      %dma_start3A_267 = tpu.memref_slice %arg4[%add3A_179, %dma_start3A_265, %dma_start3A_266] : memref<16384x50x32xf32, #tpu.memory_space<hbm>> -> memref<1x50x32xf32, #tpu.memory_space<hbm>>
      %dma_start3A_268 = tpu.memref_squeeze %dma_start3A_267 : memref<1x50x32xf32, #tpu.memory_space<hbm>> -> memref<50x32xf32, #tpu.memory_space<hbm>>
      tpu.enqueue_dma source(%arg12 : memref<50x32xf32, #tpu.memory_space<vmem>>) target(%dma_start3A_268 : memref<50x32xf32, #tpu.memory_space<hbm>>) target_semaphore(%run_scoped3A : memref<!tpu.dma_semaphore, #tpu.memory_space<semaphore_mem>>)
      %dma_wait3A_269 = arith.constant 0 : i32
      %dma_wait3A_270 = arith.constant 0 : i32
      %dma_wait3A_271 = tpu.memref_slice %arg4[%add3A_179, %dma_wait3A_269, %dma_wait3A_270] : memref<16384x50x32xf32, #tpu.memory_space<hbm>> -> memref<1x50x32xf32, #tpu.memory_space<hbm>>
      %dma_wait3A_272 = tpu.memref_squeeze %dma_wait3A_271 : memref<1x50x32xf32, #tpu.memory_space<hbm>> -> memref<50x32xf32, #tpu.memory_space<hbm>>
      %dma_wait3A_273 = arith.constant 0 : i32
      %dma_wait3A_274 = arith.constant 0 : i32
      %dma_wait3A_275 = tpu.memref_slice %arg4[%add3A_179, %dma_wait3A_273, %dma_wait3A_274] : memref<16384x50x32xf32, #tpu.memory_space<hbm>> -> memref<1x50x32xf32, #tpu.memory_space<hbm>>
      %dma_wait3A_276 = tpu.memref_squeeze %dma_wait3A_275 : memref<1x50x32xf32, #tpu.memory_space<hbm>> -> memref<50x32xf32, #tpu.memory_space<hbm>>
      tpu.wait_dma2 semaphore(%run_scoped3A : memref<!tpu.dma_semaphore, #tpu.memory_space<semaphore_mem>>) src(%arg12 : memref<50x32xf32, #tpu.memory_space<vmem>>) dst(%dma_wait3A_276 : memref<50x32xf32, #tpu.memory_space<hbm>>)
      tpu.yield
    }) : () -> ()
    %dma_wait3A_180 = arith.constant 0 : i32
    %dma_wait3A_181 = arith.constant 0 : i32
    %dma_wait3A_182 = tpu.memref_slice %arg5[%dma_wait3A_180, %dma_wait3A_181] : memref<512x50xi32, #tpu.memory_space<vmem>> -> memref<1x50xi32, #tpu.memory_space<vmem>>
    %dma_wait3A_183 = tpu.memref_squeeze %dma_wait3A_182 : memref<1x50xi32, #tpu.memory_space<vmem>> -> memref<50xi32, #tpu.memory_space<vmem>>
    %dma_wait3A_184 = arith.constant 0 : i32
    %dma_wait3A_185 = arith.constant 0 : i32
    %dma_wait3A_186 = tpu.memref_slice %arg2[%dma_wait3A_184, %dma_wait3A_185] : memref<1000000x32xf32, #tpu.memory_space<hbm>> -> memref<1000000x32xf32, #tpu.memory_space<hbm>>
    tpu.wait_indirect_dma semaphore(%arg29 : memref<!tpu.dma_semaphore, #tpu.memory_space<semaphore_mem>>) src(%dma_wait3A_186 : memref<1000000x32xf32, #tpu.memory_space<hbm>>) dst(%arg13 : memref<50x32xf32, #tpu.memory_space<vmem>>)
    %add3A_187 = arith.constant 503 : i32
    %add3A_188 = arith.addi %mul3A_2, %add3A_187 : i32
    "tpu.region"() ({
      %run_scoped3A = tpu.sem_alloc : memref<!tpu.dma_semaphore, #tpu.memory_space<semaphore_mem>>
      %dma_start3A_261 = arith.constant 0 : i32
      %dma_start3A_262 = arith.constant 0 : i32
      %dma_start3A_263 = tpu.memref_slice %arg4[%add3A_188, %dma_start3A_261, %dma_start3A_262] : memref<16384x50x32xf32, #tpu.memory_space<hbm>> -> memref<1x50x32xf32, #tpu.memory_space<hbm>>
      %dma_start3A_264 = tpu.memref_squeeze %dma_start3A_263 : memref<1x50x32xf32, #tpu.memory_space<hbm>> -> memref<50x32xf32, #tpu.memory_space<hbm>>
      %dma_start3A_265 = arith.constant 0 : i32
      %dma_start3A_266 = arith.constant 0 : i32
      %dma_start3A_267 = tpu.memref_slice %arg4[%add3A_188, %dma_start3A_265, %dma_start3A_266] : memref<16384x50x32xf32, #tpu.memory_space<hbm>> -> memref<1x50x32xf32, #tpu.memory_space<hbm>>
      %dma_start3A_268 = tpu.memref_squeeze %dma_start3A_267 : memref<1x50x32xf32, #tpu.memory_space<hbm>> -> memref<50x32xf32, #tpu.memory_space<hbm>>
      tpu.enqueue_dma source(%arg13 : memref<50x32xf32, #tpu.memory_space<vmem>>) target(%dma_start3A_268 : memref<50x32xf32, #tpu.memory_space<hbm>>) target_semaphore(%run_scoped3A : memref<!tpu.dma_semaphore, #tpu.memory_space<semaphore_mem>>)
      %dma_wait3A_269 = arith.constant 0 : i32
      %dma_wait3A_270 = arith.constant 0 : i32
      %dma_wait3A_271 = tpu.memref_slice %arg4[%add3A_188, %dma_wait3A_269, %dma_wait3A_270] : memref<16384x50x32xf32, #tpu.memory_space<hbm>> -> memref<1x50x32xf32, #tpu.memory_space<hbm>>
      %dma_wait3A_272 = tpu.memref_squeeze %dma_wait3A_271 : memref<1x50x32xf32, #tpu.memory_space<hbm>> -> memref<50x32xf32, #tpu.memory_space<hbm>>
      %dma_wait3A_273 = arith.constant 0 : i32
      %dma_wait3A_274 = arith.constant 0 : i32
      %dma_wait3A_275 = tpu.memref_slice %arg4[%add3A_188, %dma_wait3A_273, %dma_wait3A_274] : memref<16384x50x32xf32, #tpu.memory_space<hbm>> -> memref<1x50x32xf32, #tpu.memory_space<hbm>>
      %dma_wait3A_276 = tpu.memref_squeeze %dma_wait3A_275 : memref<1x50x32xf32, #tpu.memory_space<hbm>> -> memref<50x32xf32, #tpu.memory_space<hbm>>
      tpu.wait_dma2 semaphore(%run_scoped3A : memref<!tpu.dma_semaphore, #tpu.memory_space<semaphore_mem>>) src(%arg13 : memref<50x32xf32, #tpu.memory_space<vmem>>) dst(%dma_wait3A_276 : memref<50x32xf32, #tpu.memory_space<hbm>>)
      tpu.yield
    }) : () -> ()
    %dma_wait3A_189 = arith.constant 0 : i32
    %dma_wait3A_190 = arith.constant 0 : i32
    %dma_wait3A_191 = tpu.memref_slice %arg5[%dma_wait3A_189, %dma_wait3A_190] : memref<512x50xi32, #tpu.memory_space<vmem>> -> memref<1x50xi32, #tpu.memory_space<vmem>>
    %dma_wait3A_192 = tpu.memref_squeeze %dma_wait3A_191 : memref<1x50xi32, #tpu.memory_space<vmem>> -> memref<50xi32, #tpu.memory_space<vmem>>
    %dma_wait3A_193 = arith.constant 0 : i32
    %dma_wait3A_194 = arith.constant 0 : i32
    %dma_wait3A_195 = tpu.memref_slice %arg2[%dma_wait3A_193, %dma_wait3A_194] : memref<1000000x32xf32, #tpu.memory_space<hbm>> -> memref<1000000x32xf32, #tpu.memory_space<hbm>>
    tpu.wait_indirect_dma semaphore(%arg30 : memref<!tpu.dma_semaphore, #tpu.memory_space<semaphore_mem>>) src(%dma_wait3A_195 : memref<1000000x32xf32, #tpu.memory_space<hbm>>) dst(%arg14 : memref<50x32xf32, #tpu.memory_space<vmem>>)
    %add3A_196 = arith.constant 504 : i32
    %add3A_197 = arith.addi %mul3A_2, %add3A_196 : i32
    "tpu.region"() ({
      %run_scoped3A = tpu.sem_alloc : memref<!tpu.dma_semaphore, #tpu.memory_space<semaphore_mem>>
      %dma_start3A_261 = arith.constant 0 : i32
      %dma_start3A_262 = arith.constant 0 : i32
      %dma_start3A_263 = tpu.memref_slice %arg4[%add3A_197, %dma_start3A_261, %dma_start3A_262] : memref<16384x50x32xf32, #tpu.memory_space<hbm>> -> memref<1x50x32xf32, #tpu.memory_space<hbm>>
      %dma_start3A_264 = tpu.memref_squeeze %dma_start3A_263 : memref<1x50x32xf32, #tpu.memory_space<hbm>> -> memref<50x32xf32, #tpu.memory_space<hbm>>
      %dma_start3A_265 = arith.constant 0 : i32
      %dma_start3A_266 = arith.constant 0 : i32
      %dma_start3A_267 = tpu.memref_slice %arg4[%add3A_197, %dma_start3A_265, %dma_start3A_266] : memref<16384x50x32xf32, #tpu.memory_space<hbm>> -> memref<1x50x32xf32, #tpu.memory_space<hbm>>
      %dma_start3A_268 = tpu.memref_squeeze %dma_start3A_267 : memref<1x50x32xf32, #tpu.memory_space<hbm>> -> memref<50x32xf32, #tpu.memory_space<hbm>>
      tpu.enqueue_dma source(%arg14 : memref<50x32xf32, #tpu.memory_space<vmem>>) target(%dma_start3A_268 : memref<50x32xf32, #tpu.memory_space<hbm>>) target_semaphore(%run_scoped3A : memref<!tpu.dma_semaphore, #tpu.memory_space<semaphore_mem>>)
      %dma_wait3A_269 = arith.constant 0 : i32
      %dma_wait3A_270 = arith.constant 0 : i32
      %dma_wait3A_271 = tpu.memref_slice %arg4[%add3A_197, %dma_wait3A_269, %dma_wait3A_270] : memref<16384x50x32xf32, #tpu.memory_space<hbm>> -> memref<1x50x32xf32, #tpu.memory_space<hbm>>
      %dma_wait3A_272 = tpu.memref_squeeze %dma_wait3A_271 : memref<1x50x32xf32, #tpu.memory_space<hbm>> -> memref<50x32xf32, #tpu.memory_space<hbm>>
      %dma_wait3A_273 = arith.constant 0 : i32
      %dma_wait3A_274 = arith.constant 0 : i32
      %dma_wait3A_275 = tpu.memref_slice %arg4[%add3A_197, %dma_wait3A_273, %dma_wait3A_274] : memref<16384x50x32xf32, #tpu.memory_space<hbm>> -> memref<1x50x32xf32, #tpu.memory_space<hbm>>
      %dma_wait3A_276 = tpu.memref_squeeze %dma_wait3A_275 : memref<1x50x32xf32, #tpu.memory_space<hbm>> -> memref<50x32xf32, #tpu.memory_space<hbm>>
      tpu.wait_dma2 semaphore(%run_scoped3A : memref<!tpu.dma_semaphore, #tpu.memory_space<semaphore_mem>>) src(%arg14 : memref<50x32xf32, #tpu.memory_space<vmem>>) dst(%dma_wait3A_276 : memref<50x32xf32, #tpu.memory_space<hbm>>)
      tpu.yield
    }) : () -> ()
    %dma_wait3A_198 = arith.constant 0 : i32
    %dma_wait3A_199 = arith.constant 0 : i32
    %dma_wait3A_200 = tpu.memref_slice %arg5[%dma_wait3A_198, %dma_wait3A_199] : memref<512x50xi32, #tpu.memory_space<vmem>> -> memref<1x50xi32, #tpu.memory_space<vmem>>
    %dma_wait3A_201 = tpu.memref_squeeze %dma_wait3A_200 : memref<1x50xi32, #tpu.memory_space<vmem>> -> memref<50xi32, #tpu.memory_space<vmem>>
    %dma_wait3A_202 = arith.constant 0 : i32
    %dma_wait3A_203 = arith.constant 0 : i32
    %dma_wait3A_204 = tpu.memref_slice %arg2[%dma_wait3A_202, %dma_wait3A_203] : memref<1000000x32xf32, #tpu.memory_space<hbm>> -> memref<1000000x32xf32, #tpu.memory_space<hbm>>
    tpu.wait_indirect_dma semaphore(%arg31 : memref<!tpu.dma_semaphore, #tpu.memory_space<semaphore_mem>>) src(%dma_wait3A_204 : memref<1000000x32xf32, #tpu.memory_space<hbm>>) dst(%arg15 : memref<50x32xf32, #tpu.memory_space<vmem>>)
    %add3A_205 = arith.constant 505 : i32
    %add3A_206 = arith.addi %mul3A_2, %add3A_205 : i32
    "tpu.region"() ({
      %run_scoped3A = tpu.sem_alloc : memref<!tpu.dma_semaphore, #tpu.memory_space<semaphore_mem>>
      %dma_start3A_261 = arith.constant 0 : i32
      %dma_start3A_262 = arith.constant 0 : i32
      %dma_start3A_263 = tpu.memref_slice %arg4[%add3A_206, %dma_start3A_261, %dma_start3A_262] : memref<16384x50x32xf32, #tpu.memory_space<hbm>> -> memref<1x50x32xf32, #tpu.memory_space<hbm>>
      %dma_start3A_264 = tpu.memref_squeeze %dma_start3A_263 : memref<1x50x32xf32, #tpu.memory_space<hbm>> -> memref<50x32xf32, #tpu.memory_space<hbm>>
      %dma_start3A_265 = arith.constant 0 : i32
      %dma_start3A_266 = arith.constant 0 : i32
      %dma_start3A_267 = tpu.memref_slice %arg4[%add3A_206, %dma_start3A_265, %dma_start3A_266] : memref<16384x50x32xf32, #tpu.memory_space<hbm>> -> memref<1x50x32xf32, #tpu.memory_space<hbm>>
      %dma_start3A_268 = tpu.memref_squeeze %dma_start3A_267 : memref<1x50x32xf32, #tpu.memory_space<hbm>> -> memref<50x32xf32, #tpu.memory_space<hbm>>
      tpu.enqueue_dma source(%arg15 : memref<50x32xf32, #tpu.memory_space<vmem>>) target(%dma_start3A_268 : memref<50x32xf32, #tpu.memory_space<hbm>>) target_semaphore(%run_scoped3A : memref<!tpu.dma_semaphore, #tpu.memory_space<semaphore_mem>>)
      %dma_wait3A_269 = arith.constant 0 : i32
      %dma_wait3A_270 = arith.constant 0 : i32
      %dma_wait3A_271 = tpu.memref_slice %arg4[%add3A_206, %dma_wait3A_269, %dma_wait3A_270] : memref<16384x50x32xf32, #tpu.memory_space<hbm>> -> memref<1x50x32xf32, #tpu.memory_space<hbm>>
      %dma_wait3A_272 = tpu.memref_squeeze %dma_wait3A_271 : memref<1x50x32xf32, #tpu.memory_space<hbm>> -> memref<50x32xf32, #tpu.memory_space<hbm>>
      %dma_wait3A_273 = arith.constant 0 : i32
      %dma_wait3A_274 = arith.constant 0 : i32
      %dma_wait3A_275 = tpu.memref_slice %arg4[%add3A_206, %dma_wait3A_273, %dma_wait3A_274] : memref<16384x50x32xf32, #tpu.memory_space<hbm>> -> memref<1x50x32xf32, #tpu.memory_space<hbm>>
      %dma_wait3A_276 = tpu.memref_squeeze %dma_wait3A_275 : memref<1x50x32xf32, #tpu.memory_space<hbm>> -> memref<50x32xf32, #tpu.memory_space<hbm>>
      tpu.wait_dma2 semaphore(%run_scoped3A : memref<!tpu.dma_semaphore, #tpu.memory_space<semaphore_mem>>) src(%arg15 : memref<50x32xf32, #tpu.memory_space<vmem>>) dst(%dma_wait3A_276 : memref<50x32xf32, #tpu.memory_space<hbm>>)
      tpu.yield
    }) : () -> ()
    %dma_wait3A_207 = arith.constant 0 : i32
    %dma_wait3A_208 = arith.constant 0 : i32
    %dma_wait3A_209 = tpu.memref_slice %arg5[%dma_wait3A_207, %dma_wait3A_208] : memref<512x50xi32, #tpu.memory_space<vmem>> -> memref<1x50xi32, #tpu.memory_space<vmem>>
    %dma_wait3A_210 = tpu.memref_squeeze %dma_wait3A_209 : memref<1x50xi32, #tpu.memory_space<vmem>> -> memref<50xi32, #tpu.memory_space<vmem>>
    %dma_wait3A_211 = arith.constant 0 : i32
    %dma_wait3A_212 = arith.constant 0 : i32
    %dma_wait3A_213 = tpu.memref_slice %arg2[%dma_wait3A_211, %dma_wait3A_212] : memref<1000000x32xf32, #tpu.memory_space<hbm>> -> memref<1000000x32xf32, #tpu.memory_space<hbm>>
    tpu.wait_indirect_dma semaphore(%arg32 : memref<!tpu.dma_semaphore, #tpu.memory_space<semaphore_mem>>) src(%dma_wait3A_213 : memref<1000000x32xf32, #tpu.memory_space<hbm>>) dst(%arg16 : memref<50x32xf32, #tpu.memory_space<vmem>>)
    %add3A_214 = arith.constant 506 : i32
    %add3A_215 = arith.addi %mul3A_2, %add3A_214 : i32
    "tpu.region"() ({
      %run_scoped3A = tpu.sem_alloc : memref<!tpu.dma_semaphore, #tpu.memory_space<semaphore_mem>>
      %dma_start3A_261 = arith.constant 0 : i32
      %dma_start3A_262 = arith.constant 0 : i32
      %dma_start3A_263 = tpu.memref_slice %arg4[%add3A_215, %dma_start3A_261, %dma_start3A_262] : memref<16384x50x32xf32, #tpu.memory_space<hbm>> -> memref<1x50x32xf32, #tpu.memory_space<hbm>>
      %dma_start3A_264 = tpu.memref_squeeze %dma_start3A_263 : memref<1x50x32xf32, #tpu.memory_space<hbm>> -> memref<50x32xf32, #tpu.memory_space<hbm>>
      %dma_start3A_265 = arith.constant 0 : i32
      %dma_start3A_266 = arith.constant 0 : i32
      %dma_start3A_267 = tpu.memref_slice %arg4[%add3A_215, %dma_start3A_265, %dma_start3A_266] : memref<16384x50x32xf32, #tpu.memory_space<hbm>> -> memref<1x50x32xf32, #tpu.memory_space<hbm>>
      %dma_start3A_268 = tpu.memref_squeeze %dma_start3A_267 : memref<1x50x32xf32, #tpu.memory_space<hbm>> -> memref<50x32xf32, #tpu.memory_space<hbm>>
      tpu.enqueue_dma source(%arg16 : memref<50x32xf32, #tpu.memory_space<vmem>>) target(%dma_start3A_268 : memref<50x32xf32, #tpu.memory_space<hbm>>) target_semaphore(%run_scoped3A : memref<!tpu.dma_semaphore, #tpu.memory_space<semaphore_mem>>)
      %dma_wait3A_269 = arith.constant 0 : i32
      %dma_wait3A_270 = arith.constant 0 : i32
      %dma_wait3A_271 = tpu.memref_slice %arg4[%add3A_215, %dma_wait3A_269, %dma_wait3A_270] : memref<16384x50x32xf32, #tpu.memory_space<hbm>> -> memref<1x50x32xf32, #tpu.memory_space<hbm>>
      %dma_wait3A_272 = tpu.memref_squeeze %dma_wait3A_271 : memref<1x50x32xf32, #tpu.memory_space<hbm>> -> memref<50x32xf32, #tpu.memory_space<hbm>>
      %dma_wait3A_273 = arith.constant 0 : i32
      %dma_wait3A_274 = arith.constant 0 : i32
      %dma_wait3A_275 = tpu.memref_slice %arg4[%add3A_215, %dma_wait3A_273, %dma_wait3A_274] : memref<16384x50x32xf32, #tpu.memory_space<hbm>> -> memref<1x50x32xf32, #tpu.memory_space<hbm>>
      %dma_wait3A_276 = tpu.memref_squeeze %dma_wait3A_275 : memref<1x50x32xf32, #tpu.memory_space<hbm>> -> memref<50x32xf32, #tpu.memory_space<hbm>>
      tpu.wait_dma2 semaphore(%run_scoped3A : memref<!tpu.dma_semaphore, #tpu.memory_space<semaphore_mem>>) src(%arg16 : memref<50x32xf32, #tpu.memory_space<vmem>>) dst(%dma_wait3A_276 : memref<50x32xf32, #tpu.memory_space<hbm>>)
      tpu.yield
    }) : () -> ()
    %dma_wait3A_216 = arith.constant 0 : i32
    %dma_wait3A_217 = arith.constant 0 : i32
    %dma_wait3A_218 = tpu.memref_slice %arg5[%dma_wait3A_216, %dma_wait3A_217] : memref<512x50xi32, #tpu.memory_space<vmem>> -> memref<1x50xi32, #tpu.memory_space<vmem>>
    %dma_wait3A_219 = tpu.memref_squeeze %dma_wait3A_218 : memref<1x50xi32, #tpu.memory_space<vmem>> -> memref<50xi32, #tpu.memory_space<vmem>>
    %dma_wait3A_220 = arith.constant 0 : i32
    %dma_wait3A_221 = arith.constant 0 : i32
    %dma_wait3A_222 = tpu.memref_slice %arg2[%dma_wait3A_220, %dma_wait3A_221] : memref<1000000x32xf32, #tpu.memory_space<hbm>> -> memref<1000000x32xf32, #tpu.memory_space<hbm>>
    tpu.wait_indirect_dma semaphore(%arg33 : memref<!tpu.dma_semaphore, #tpu.memory_space<semaphore_mem>>) src(%dma_wait3A_222 : memref<1000000x32xf32, #tpu.memory_space<hbm>>) dst(%arg17 : memref<50x32xf32, #tpu.memory_space<vmem>>)
    %add3A_223 = arith.constant 507 : i32
    %add3A_224 = arith.addi %mul3A_2, %add3A_223 : i32
    "tpu.region"() ({
      %run_scoped3A = tpu.sem_alloc : memref<!tpu.dma_semaphore, #tpu.memory_space<semaphore_mem>>
      %dma_start3A_261 = arith.constant 0 : i32
      %dma_start3A_262 = arith.constant 0 : i32
      %dma_start3A_263 = tpu.memref_slice %arg4[%add3A_224, %dma_start3A_261, %dma_start3A_262] : memref<16384x50x32xf32, #tpu.memory_space<hbm>> -> memref<1x50x32xf32, #tpu.memory_space<hbm>>
      %dma_start3A_264 = tpu.memref_squeeze %dma_start3A_263 : memref<1x50x32xf32, #tpu.memory_space<hbm>> -> memref<50x32xf32, #tpu.memory_space<hbm>>
      %dma_start3A_265 = arith.constant 0 : i32
      %dma_start3A_266 = arith.constant 0 : i32
      %dma_start3A_267 = tpu.memref_slice %arg4[%add3A_224, %dma_start3A_265, %dma_start3A_266] : memref<16384x50x32xf32, #tpu.memory_space<hbm>> -> memref<1x50x32xf32, #tpu.memory_space<hbm>>
      %dma_start3A_268 = tpu.memref_squeeze %dma_start3A_267 : memref<1x50x32xf32, #tpu.memory_space<hbm>> -> memref<50x32xf32, #tpu.memory_space<hbm>>
      tpu.enqueue_dma source(%arg17 : memref<50x32xf32, #tpu.memory_space<vmem>>) target(%dma_start3A_268 : memref<50x32xf32, #tpu.memory_space<hbm>>) target_semaphore(%run_scoped3A : memref<!tpu.dma_semaphore, #tpu.memory_space<semaphore_mem>>)
      %dma_wait3A_269 = arith.constant 0 : i32
      %dma_wait3A_270 = arith.constant 0 : i32
      %dma_wait3A_271 = tpu.memref_slice %arg4[%add3A_224, %dma_wait3A_269, %dma_wait3A_270] : memref<16384x50x32xf32, #tpu.memory_space<hbm>> -> memref<1x50x32xf32, #tpu.memory_space<hbm>>
      %dma_wait3A_272 = tpu.memref_squeeze %dma_wait3A_271 : memref<1x50x32xf32, #tpu.memory_space<hbm>> -> memref<50x32xf32, #tpu.memory_space<hbm>>
      %dma_wait3A_273 = arith.constant 0 : i32
      %dma_wait3A_274 = arith.constant 0 : i32
      %dma_wait3A_275 = tpu.memref_slice %arg4[%add3A_224, %dma_wait3A_273, %dma_wait3A_274] : memref<16384x50x32xf32, #tpu.memory_space<hbm>> -> memref<1x50x32xf32, #tpu.memory_space<hbm>>
      %dma_wait3A_276 = tpu.memref_squeeze %dma_wait3A_275 : memref<1x50x32xf32, #tpu.memory_space<hbm>> -> memref<50x32xf32, #tpu.memory_space<hbm>>
      tpu.wait_dma2 semaphore(%run_scoped3A : memref<!tpu.dma_semaphore, #tpu.memory_space<semaphore_mem>>) src(%arg17 : memref<50x32xf32, #tpu.memory_space<vmem>>) dst(%dma_wait3A_276 : memref<50x32xf32, #tpu.memory_space<hbm>>)
      tpu.yield
    }) : () -> ()
    %dma_wait3A_225 = arith.constant 0 : i32
    %dma_wait3A_226 = arith.constant 0 : i32
    %dma_wait3A_227 = tpu.memref_slice %arg5[%dma_wait3A_225, %dma_wait3A_226] : memref<512x50xi32, #tpu.memory_space<vmem>> -> memref<1x50xi32, #tpu.memory_space<vmem>>
    %dma_wait3A_228 = tpu.memref_squeeze %dma_wait3A_227 : memref<1x50xi32, #tpu.memory_space<vmem>> -> memref<50xi32, #tpu.memory_space<vmem>>
    %dma_wait3A_229 = arith.constant 0 : i32
    %dma_wait3A_230 = arith.constant 0 : i32
    %dma_wait3A_231 = tpu.memref_slice %arg2[%dma_wait3A_229, %dma_wait3A_230] : memref<1000000x32xf32, #tpu.memory_space<hbm>> -> memref<1000000x32xf32, #tpu.memory_space<hbm>>
    tpu.wait_indirect_dma semaphore(%arg34 : memref<!tpu.dma_semaphore, #tpu.memory_space<semaphore_mem>>) src(%dma_wait3A_231 : memref<1000000x32xf32, #tpu.memory_space<hbm>>) dst(%arg18 : memref<50x32xf32, #tpu.memory_space<vmem>>)
    %add3A_232 = arith.constant 508 : i32
    %add3A_233 = arith.addi %mul3A_2, %add3A_232 : i32
    "tpu.region"() ({
      %run_scoped3A = tpu.sem_alloc : memref<!tpu.dma_semaphore, #tpu.memory_space<semaphore_mem>>
      %dma_start3A_261 = arith.constant 0 : i32
      %dma_start3A_262 = arith.constant 0 : i32
      %dma_start3A_263 = tpu.memref_slice %arg4[%add3A_233, %dma_start3A_261, %dma_start3A_262] : memref<16384x50x32xf32, #tpu.memory_space<hbm>> -> memref<1x50x32xf32, #tpu.memory_space<hbm>>
      %dma_start3A_264 = tpu.memref_squeeze %dma_start3A_263 : memref<1x50x32xf32, #tpu.memory_space<hbm>> -> memref<50x32xf32, #tpu.memory_space<hbm>>
      %dma_start3A_265 = arith.constant 0 : i32
      %dma_start3A_266 = arith.constant 0 : i32
      %dma_start3A_267 = tpu.memref_slice %arg4[%add3A_233, %dma_start3A_265, %dma_start3A_266] : memref<16384x50x32xf32, #tpu.memory_space<hbm>> -> memref<1x50x32xf32, #tpu.memory_space<hbm>>
      %dma_start3A_268 = tpu.memref_squeeze %dma_start3A_267 : memref<1x50x32xf32, #tpu.memory_space<hbm>> -> memref<50x32xf32, #tpu.memory_space<hbm>>
      tpu.enqueue_dma source(%arg18 : memref<50x32xf32, #tpu.memory_space<vmem>>) target(%dma_start3A_268 : memref<50x32xf32, #tpu.memory_space<hbm>>) target_semaphore(%run_scoped3A : memref<!tpu.dma_semaphore, #tpu.memory_space<semaphore_mem>>)
      %dma_wait3A_269 = arith.constant 0 : i32
      %dma_wait3A_270 = arith.constant 0 : i32
      %dma_wait3A_271 = tpu.memref_slice %arg4[%add3A_233, %dma_wait3A_269, %dma_wait3A_270] : memref<16384x50x32xf32, #tpu.memory_space<hbm>> -> memref<1x50x32xf32, #tpu.memory_space<hbm>>
      %dma_wait3A_272 = tpu.memref_squeeze %dma_wait3A_271 : memref<1x50x32xf32, #tpu.memory_space<hbm>> -> memref<50x32xf32, #tpu.memory_space<hbm>>
      %dma_wait3A_273 = arith.constant 0 : i32
      %dma_wait3A_274 = arith.constant 0 : i32
      %dma_wait3A_275 = tpu.memref_slice %arg4[%add3A_233, %dma_wait3A_273, %dma_wait3A_274] : memref<16384x50x32xf32, #tpu.memory_space<hbm>> -> memref<1x50x32xf32, #tpu.memory_space<hbm>>
      %dma_wait3A_276 = tpu.memref_squeeze %dma_wait3A_275 : memref<1x50x32xf32, #tpu.memory_space<hbm>> -> memref<50x32xf32, #tpu.memory_space<hbm>>
      tpu.wait_dma2 semaphore(%run_scoped3A : memref<!tpu.dma_semaphore, #tpu.memory_space<semaphore_mem>>) src(%arg18 : memref<50x32xf32, #tpu.memory_space<vmem>>) dst(%dma_wait3A_276 : memref<50x32xf32, #tpu.memory_space<hbm>>)
      tpu.yield
    }) : () -> ()
    %dma_wait3A_234 = arith.constant 0 : i32
    %dma_wait3A_235 = arith.constant 0 : i32
    %dma_wait3A_236 = tpu.memref_slice %arg5[%dma_wait3A_234, %dma_wait3A_235] : memref<512x50xi32, #tpu.memory_space<vmem>> -> memref<1x50xi32, #tpu.memory_space<vmem>>
    %dma_wait3A_237 = tpu.memref_squeeze %dma_wait3A_236 : memref<1x50xi32, #tpu.memory_space<vmem>> -> memref<50xi32, #tpu.memory_space<vmem>>
    %dma_wait3A_238 = arith.constant 0 : i32
    %dma_wait3A_239 = arith.constant 0 : i32
    %dma_wait3A_240 = tpu.memref_slice %arg2[%dma_wait3A_238, %dma_wait3A_239] : memref<1000000x32xf32, #tpu.memory_space<hbm>> -> memref<1000000x32xf32, #tpu.memory_space<hbm>>
    tpu.wait_indirect_dma semaphore(%arg35 : memref<!tpu.dma_semaphore, #tpu.memory_space<semaphore_mem>>) src(%dma_wait3A_240 : memref<1000000x32xf32, #tpu.memory_space<hbm>>) dst(%arg19 : memref<50x32xf32, #tpu.memory_space<vmem>>)
    %add3A_241 = arith.constant 509 : i32
    %add3A_242 = arith.addi %mul3A_2, %add3A_241 : i32
    "tpu.region"() ({
      %run_scoped3A = tpu.sem_alloc : memref<!tpu.dma_semaphore, #tpu.memory_space<semaphore_mem>>
      %dma_start3A_261 = arith.constant 0 : i32
      %dma_start3A_262 = arith.constant 0 : i32
      %dma_start3A_263 = tpu.memref_slice %arg4[%add3A_242, %dma_start3A_261, %dma_start3A_262] : memref<16384x50x32xf32, #tpu.memory_space<hbm>> -> memref<1x50x32xf32, #tpu.memory_space<hbm>>
      %dma_start3A_264 = tpu.memref_squeeze %dma_start3A_263 : memref<1x50x32xf32, #tpu.memory_space<hbm>> -> memref<50x32xf32, #tpu.memory_space<hbm>>
      %dma_start3A_265 = arith.constant 0 : i32
      %dma_start3A_266 = arith.constant 0 : i32
      %dma_start3A_267 = tpu.memref_slice %arg4[%add3A_242, %dma_start3A_265, %dma_start3A_266] : memref<16384x50x32xf32, #tpu.memory_space<hbm>> -> memref<1x50x32xf32, #tpu.memory_space<hbm>>
      %dma_start3A_268 = tpu.memref_squeeze %dma_start3A_267 : memref<1x50x32xf32, #tpu.memory_space<hbm>> -> memref<50x32xf32, #tpu.memory_space<hbm>>
      tpu.enqueue_dma source(%arg19 : memref<50x32xf32, #tpu.memory_space<vmem>>) target(%dma_start3A_268 : memref<50x32xf32, #tpu.memory_space<hbm>>) target_semaphore(%run_scoped3A : memref<!tpu.dma_semaphore, #tpu.memory_space<semaphore_mem>>)
      %dma_wait3A_269 = arith.constant 0 : i32
      %dma_wait3A_270 = arith.constant 0 : i32
      %dma_wait3A_271 = tpu.memref_slice %arg4[%add3A_242, %dma_wait3A_269, %dma_wait3A_270] : memref<16384x50x32xf32, #tpu.memory_space<hbm>> -> memref<1x50x32xf32, #tpu.memory_space<hbm>>
      %dma_wait3A_272 = tpu.memref_squeeze %dma_wait3A_271 : memref<1x50x32xf32, #tpu.memory_space<hbm>> -> memref<50x32xf32, #tpu.memory_space<hbm>>
      %dma_wait3A_273 = arith.constant 0 : i32
      %dma_wait3A_274 = arith.constant 0 : i32
      %dma_wait3A_275 = tpu.memref_slice %arg4[%add3A_242, %dma_wait3A_273, %dma_wait3A_274] : memref<16384x50x32xf32, #tpu.memory_space<hbm>> -> memref<1x50x32xf32, #tpu.memory_space<hbm>>
      %dma_wait3A_276 = tpu.memref_squeeze %dma_wait3A_275 : memref<1x50x32xf32, #tpu.memory_space<hbm>> -> memref<50x32xf32, #tpu.memory_space<hbm>>
      tpu.wait_dma2 semaphore(%run_scoped3A : memref<!tpu.dma_semaphore, #tpu.memory_space<semaphore_mem>>) src(%arg19 : memref<50x32xf32, #tpu.memory_space<vmem>>) dst(%dma_wait3A_276 : memref<50x32xf32, #tpu.memory_space<hbm>>)
      tpu.yield
    }) : () -> ()
    %dma_wait3A_243 = arith.constant 0 : i32
    %dma_wait3A_244 = arith.constant 0 : i32
    %dma_wait3A_245 = tpu.memref_slice %arg5[%dma_wait3A_243, %dma_wait3A_244] : memref<512x50xi32, #tpu.memory_space<vmem>> -> memref<1x50xi32, #tpu.memory_space<vmem>>
    %dma_wait3A_246 = tpu.memref_squeeze %dma_wait3A_245 : memref<1x50xi32, #tpu.memory_space<vmem>> -> memref<50xi32, #tpu.memory_space<vmem>>
    %dma_wait3A_247 = arith.constant 0 : i32
    %dma_wait3A_248 = arith.constant 0 : i32
    %dma_wait3A_249 = tpu.memref_slice %arg2[%dma_wait3A_247, %dma_wait3A_248] : memref<1000000x32xf32, #tpu.memory_space<hbm>> -> memref<1000000x32xf32, #tpu.memory_space<hbm>>
    tpu.wait_indirect_dma semaphore(%arg36 : memref<!tpu.dma_semaphore, #tpu.memory_space<semaphore_mem>>) src(%dma_wait3A_249 : memref<1000000x32xf32, #tpu.memory_space<hbm>>) dst(%arg20 : memref<50x32xf32, #tpu.memory_space<vmem>>)
    %add3A_250 = arith.constant 510 : i32
    %add3A_251 = arith.addi %mul3A_2, %add3A_250 : i32
    "tpu.region"() ({
      %run_scoped3A = tpu.sem_alloc : memref<!tpu.dma_semaphore, #tpu.memory_space<semaphore_mem>>
      %dma_start3A_261 = arith.constant 0 : i32
      %dma_start3A_262 = arith.constant 0 : i32
      %dma_start3A_263 = tpu.memref_slice %arg4[%add3A_251, %dma_start3A_261, %dma_start3A_262] : memref<16384x50x32xf32, #tpu.memory_space<hbm>> -> memref<1x50x32xf32, #tpu.memory_space<hbm>>
      %dma_start3A_264 = tpu.memref_squeeze %dma_start3A_263 : memref<1x50x32xf32, #tpu.memory_space<hbm>> -> memref<50x32xf32, #tpu.memory_space<hbm>>
      %dma_start3A_265 = arith.constant 0 : i32
      %dma_start3A_266 = arith.constant 0 : i32
      %dma_start3A_267 = tpu.memref_slice %arg4[%add3A_251, %dma_start3A_265, %dma_start3A_266] : memref<16384x50x32xf32, #tpu.memory_space<hbm>> -> memref<1x50x32xf32, #tpu.memory_space<hbm>>
      %dma_start3A_268 = tpu.memref_squeeze %dma_start3A_267 : memref<1x50x32xf32, #tpu.memory_space<hbm>> -> memref<50x32xf32, #tpu.memory_space<hbm>>
      tpu.enqueue_dma source(%arg20 : memref<50x32xf32, #tpu.memory_space<vmem>>) target(%dma_start3A_268 : memref<50x32xf32, #tpu.memory_space<hbm>>) target_semaphore(%run_scoped3A : memref<!tpu.dma_semaphore, #tpu.memory_space<semaphore_mem>>)
      %dma_wait3A_269 = arith.constant 0 : i32
      %dma_wait3A_270 = arith.constant 0 : i32
      %dma_wait3A_271 = tpu.memref_slice %arg4[%add3A_251, %dma_wait3A_269, %dma_wait3A_270] : memref<16384x50x32xf32, #tpu.memory_space<hbm>> -> memref<1x50x32xf32, #tpu.memory_space<hbm>>
      %dma_wait3A_272 = tpu.memref_squeeze %dma_wait3A_271 : memref<1x50x32xf32, #tpu.memory_space<hbm>> -> memref<50x32xf32, #tpu.memory_space<hbm>>
      %dma_wait3A_273 = arith.constant 0 : i32
      %dma_wait3A_274 = arith.constant 0 : i32
      %dma_wait3A_275 = tpu.memref_slice %arg4[%add3A_251, %dma_wait3A_273, %dma_wait3A_274] : memref<16384x50x32xf32, #tpu.memory_space<hbm>> -> memref<1x50x32xf32, #tpu.memory_space<hbm>>
      %dma_wait3A_276 = tpu.memref_squeeze %dma_wait3A_275 : memref<1x50x32xf32, #tpu.memory_space<hbm>> -> memref<50x32xf32, #tpu.memory_space<hbm>>
      tpu.wait_dma2 semaphore(%run_scoped3A : memref<!tpu.dma_semaphore, #tpu.memory_space<semaphore_mem>>) src(%arg20 : memref<50x32xf32, #tpu.memory_space<vmem>>) dst(%dma_wait3A_276 : memref<50x32xf32, #tpu.memory_space<hbm>>)
      tpu.yield
    }) : () -> ()
    %dma_wait3A_252 = arith.constant 0 : i32
    %dma_wait3A_253 = arith.constant 0 : i32
    %dma_wait3A_254 = tpu.memref_slice %arg5[%dma_wait3A_252, %dma_wait3A_253] : memref<512x50xi32, #tpu.memory_space<vmem>> -> memref<1x50xi32, #tpu.memory_space<vmem>>
    %dma_wait3A_255 = tpu.memref_squeeze %dma_wait3A_254 : memref<1x50xi32, #tpu.memory_space<vmem>> -> memref<50xi32, #tpu.memory_space<vmem>>
    %dma_wait3A_256 = arith.constant 0 : i32
    %dma_wait3A_257 = arith.constant 0 : i32
    %dma_wait3A_258 = tpu.memref_slice %arg2[%dma_wait3A_256, %dma_wait3A_257] : memref<1000000x32xf32, #tpu.memory_space<hbm>> -> memref<1000000x32xf32, #tpu.memory_space<hbm>>
    tpu.wait_indirect_dma semaphore(%arg37 : memref<!tpu.dma_semaphore, #tpu.memory_space<semaphore_mem>>) src(%dma_wait3A_258 : memref<1000000x32xf32, #tpu.memory_space<hbm>>) dst(%arg21 : memref<50x32xf32, #tpu.memory_space<vmem>>)
    %add3A_259 = arith.constant 511 : i32
    %add3A_260 = arith.addi %mul3A_2, %add3A_259 : i32
    "tpu.region"() ({
      %run_scoped3A = tpu.sem_alloc : memref<!tpu.dma_semaphore, #tpu.memory_space<semaphore_mem>>
      %dma_start3A_261 = arith.constant 0 : i32
      %dma_start3A_262 = arith.constant 0 : i32
      %dma_start3A_263 = tpu.memref_slice %arg4[%add3A_260, %dma_start3A_261, %dma_start3A_262] : memref<16384x50x32xf32, #tpu.memory_space<hbm>> -> memref<1x50x32xf32, #tpu.memory_space<hbm>>
      %dma_start3A_264 = tpu.memref_squeeze %dma_start3A_263 : memref<1x50x32xf32, #tpu.memory_space<hbm>> -> memref<50x32xf32, #tpu.memory_space<hbm>>
      %dma_start3A_265 = arith.constant 0 : i32
      %dma_start3A_266 = arith.constant 0 : i32
      %dma_start3A_267 = tpu.memref_slice %arg4[%add3A_260, %dma_start3A_265, %dma_start3A_266] : memref<16384x50x32xf32, #tpu.memory_space<hbm>> -> memref<1x50x32xf32, #tpu.memory_space<hbm>>
      %dma_start3A_268 = tpu.memref_squeeze %dma_start3A_267 : memref<1x50x32xf32, #tpu.memory_space<hbm>> -> memref<50x32xf32, #tpu.memory_space<hbm>>
      tpu.enqueue_dma source(%arg21 : memref<50x32xf32, #tpu.memory_space<vmem>>) target(%dma_start3A_268 : memref<50x32xf32, #tpu.memory_space<hbm>>) target_semaphore(%run_scoped3A : memref<!tpu.dma_semaphore, #tpu.memory_space<semaphore_mem>>)
      %dma_wait3A_269 = arith.constant 0 : i32
      %dma_wait3A_270 = arith.constant 0 : i32
      %dma_wait3A_271 = tpu.memref_slice %arg4[%add3A_260, %dma_wait3A_269, %dma_wait3A_270] : memref<16384x50x32xf32, #tpu.memory_space<hbm>> -> memref<1x50x32xf32, #tpu.memory_space<hbm>>
      %dma_wait3A_272 = tpu.memref_squeeze %dma_wait3A_271 : memref<1x50x32xf32, #tpu.memory_space<hbm>> -> memref<50x32xf32, #tpu.memory_space<hbm>>
      %dma_wait3A_273 = arith.constant 0 : i32
      %dma_wait3A_274 = arith.constant 0 : i32
      %dma_wait3A_275 = tpu.memref_slice %arg4[%add3A_260, %dma_wait3A_273, %dma_wait3A_274] : memref<16384x50x32xf32, #tpu.memory_space<hbm>> -> memref<1x50x32xf32, #tpu.memory_space<hbm>>
      %dma_wait3A_276 = tpu.memref_squeeze %dma_wait3A_275 : memref<1x50x32xf32, #tpu.memory_space<hbm>> -> memref<50x32xf32, #tpu.memory_space<hbm>>
      tpu.wait_dma2 semaphore(%run_scoped3A : memref<!tpu.dma_semaphore, #tpu.memory_space<semaphore_mem>>) src(%arg21 : memref<50x32xf32, #tpu.memory_space<vmem>>) dst(%dma_wait3A_276 : memref<50x32xf32, #tpu.memory_space<hbm>>)
      tpu.yield
    }) : () -> ()
    return
  }
}

</mosaic_0001>

<sc_bundles>
// kernel: kernel.3.cloned.1.call-start
scs
__scs_entry_jumppad:
0x0: {  	(pc) =	sbr.rel $0x88, $3  }
0x1: {  	(tag) =	ssettag $0x0;
	lr =	simm.s32 $0x1  }
0x2: {  	[smem:$0x3F9F] =	sst lr;
	_ =	strace $0xD0000000  }
0x3: {  	_ = 	snop  }
0x4: {  	_ = 	snop  }
0x5: {  	_ = 	snop  }
0x6: {  	_ = 	snop  }
0x7: {  	_ = 	snop  }
__scs_overlays_trampoline_lowered:
0x8: {  	[smem:$0x3FAE] =	sst s0  }
0x9: {  	[smem:$0x3FAF] =	sst s1  }
0xa: {  	[smem:$0x3FB0] =	sst s2  }
0xb: {  	[smem:$0x3FB1] =	sst s3  }
0xc: {  	[smem:$0x3FB2] =	sst s4  }
0xd: {  	[smem:$0x3FB3] =	sst s5  }
0xe: {  	[smem:$0x3FB4] =	sst s6  }
0xf: {  	[smem:$0x3FB5] =	sst s7  }
0x10: {  	[smem:$0x3FB6] =	sst s8  }
0x11: {  	[smem:$0x3FB7] =	sst s9;
	s0 =	simm.s32 @!p0 $0x0  }
0x12: {  	s1 =	sld [smem:$0x3F9D];
	s0 =	simm.s32 @p0 $0x1  }
0x13: {  	[smem:$0x3FB8] =	sst s0;
	s0 =	simm.s32 @!p1 $0x0  }
0x14: {  	s2 =	sld [smem:$0x3F9C];
	s0 =	simm.s32 @p1 $0x1  }
0x15: {  	[smem:$0x3FB9] =	sst s0;
	s0 =	simm.s32 @!p2 $0x0  }
0x16: {  	s3 =	sld [smem:$0x3FDB];
	s0 =	simm.s32 @p2 $0x1  }
0x17: {  	s4 =	simm.s32 $0x1BF5;
	[smem:$0x3FBB] =	sst s0  }
0x18: {  	s0 =	sld [smem:$0x3F9E];
	_ =	swait.ge [sflag:s4], $0x0  }
0x19: {  	s7 =	sld [smem:$0x3F9F]  }
0x1a: {  	s8 =	sadd.s32 $0xFFFFE003, lr  }
0x1b: {  	s9 =	sadd.s32 $0xFFFFFEF7, lr;
	s5 =	simm.s32 $0xFFFFFFFF;
	p2 =	slt.u32 s8, $0xFFFFF086  }
0x1c: {  	p1 =	slt.u32 s9, $0xF7A;
	s5 =	simm.s32 @!p2 $0x0  }
0x1d: {  	s5 =	simm.s32 @p1 $0x1;
	p0 =	seq.s32 s7, s2  }
0x1e: {  	s7 =	smul.u32 @!p0 $0xF7A, s2;
	p2 =	seq.s32 @!p0 s5, $0x0  }
0x1f: {  	s9 =	smul.u32 $0xF7A, s1;
	s8 =	simm.s32 @!p0 $0x1BF5;
	p2 =	por !p2, p0  }
0x20: {  	[sflag:s8] =	ssyncset.s32 @!p0 $0xFFFFF086;
	s6 =	sadd.s32 @!p0 s3, s7;
	s7 =	simm.s32 @!p0 $0x108  }
0x21: {  	s3 =	sadd.s32 s3, s9;
	s6 =	sadd.s32 @!p0 $0x88, s6;
	s7 =	simm.s32 @p2 $0x1082  }
0x22: {  	[simem:s7], [sflag:s8] =	dma.local @!p0 [hbm:s6], $0xF7A  }
0x23: {  	s9 =	sor.u32 $0xD0000000, s2;
	s6 =	simm.s32 $0x108;
	_ =	swait.ge @!p0 [sflag:s8], $0x0  }
0x24: {  	s3 =	sadd.s32 $0x88, s3;
	s6 =	simm.s32 @!p1 $0x1082;
	[sflag:s4] =	ssyncset.s32 $0xFFFFF086  }
0x25: {  	[simem:s6], [sflag:s4] =	dma.local [hbm:s3], $0xF7A  }
0x26: {  	[smem:$0x3F9F] =	sst s1;
	(tag) =	ssettag s2;
	_ =	strace s9  }
0x27: {  	s1 =	sld [smem:$0x3FAF]  }
0x28: {  	s2 =	sld [smem:$0x3FB0]  }
0x29: {  	s4 =	sld [smem:$0x3FB2]  }
0x2a: {  	p0 =	seq.s32 s5, $0x0;
	s5 =	sld [smem:$0x3FB3]  }
0x2b: {  	s6 =	sld [smem:$0x3FB4]  }
0x2c: {  	s7 =	sld [smem:$0x3FB5]  }
0x2d: {  	s3 =	simm.s32 $0x108;
	s8 =	sld [smem:$0x3FB6]  }
0x2e: {  	s3 =	simm.s32 @!p0 $0x1082;
	s9 =	sld [smem:$0x3FB7]  }
0x2f: {  	lr =	sadd.s32 s0, s3;
	s0 =	sld [smem:$0x3FAE]  }
0x30: {  	s3 =	sld [smem:$0x3FB1]  }
0x31: {  	[smem:$0x3FBA] =	sst s10  }
0x32: {  	s10 =	sld [smem:$0x3FB8];
	_ =	sdelay $0x3  }
0x33: {  	p0 =	seq.s32 s10, $0x1;
	s10 =	sld [smem:$0x3FBA];
	_ =	sdelay $0x3  }
0x34: {  	[smem:$0x3FBA] =	sst s10  }
0x35: {  	s10 =	sld [smem:$0x3FB9];
	_ =	sdelay $0x3  }
0x36: {  	p1 =	seq.s32 s10, $0x1;
	s10 =	sld [smem:$0x3FBA];
	_ =	sdelay $0x3  }
0x37: {  	[smem:$0x3FBA] =	sst s10  }
0x38: {  	s10 =	sld [smem:$0x3FBB]  }
0x39: {  	_ = 	snop;
	(pc) =	sbr.ind lr, $3  }
0x3a: {  	_ = 	snop  }
0x3b: {  	_ = 	snop  }
0x3c: {  	p2 =	seq.s32 s10, $0x1;
	s10 =	sld [smem:$0x3FBA]  }
0x3d: {  	_ =	shalt  }
0x3e: {  	_ =	shalt  }
0x3f: {  	_ =	shalt  }
0x40: {  	_ =	shalt  }
0x41: {  	_ =	shalt  }
0x42: {  	_ =	shalt  }
0x43: {  	_ =	shalt  }
0x44: {  	_ =	shalt  }
0x45: {  	_ =	shalt  }
0x46: {  	_ =	shalt  }
0x47: {  	_ =	shalt  }
0x48: {  	_ =	shalt  }
0x49: {  	_ =	shalt  }
0x4a: {  	_ =	shalt  }
0x4b: {  	_ =	shalt  }
0x4c: {  	_ =	shalt  }
0x4d: {  	_ =	shalt  }
0x4e: {  	_ =	shalt  }
0x4f: {  	_ =	shalt  }
0x50: {  	_ =	shalt  }
0x51: {  	_ =	shalt  }
0x52: {  	_ =	shalt  }
0x53: {  	_ =	shalt  }
0x54: {  	_ =	shalt  }
0x55: {  	_ =	shalt  }
0x56: {  	_ =	shalt  }
0x57: {  	_ =	shalt  }
0x58: {  	_ =	shalt  }
0x59: {  	_ =	shalt  }
0x5a: {  	_ =	shalt  }
0x5b: {  	_ =	shalt  }
0x5c: {  	_ =	shalt  }
0x5d: {  	_ =	shalt  }
0x5e: {  	_ =	shalt  }
0x5f: {  	_ =	shalt  }
0x60: {  	_ =	shalt  }
0x61: {  	_ =	shalt  }
0x62: {  	_ =	shalt  }
0x63: {  	_ =	shalt  }
0x64: {  	_ =	shalt  }
0x65: {  	_ =	shalt  }
0x66: {  	_ =	shalt  }
0x67: {  	_ =	shalt  }
0x68: {  	_ =	shalt  }
0x69: {  	_ =	shalt  }
0x6a: {  	_ =	shalt  }
0x6b: {  	_ =	shalt  }
0x6c: {  	_ =	shalt  }
0x6d: {  	_ =	shalt  }
0x6e: {  	_ =	shalt  }
0x6f: {  	_ =	shalt  }
0x70: {  	_ =	shalt  }
0x71: {  	_ =	shalt  }
0x72: {  	_ =	shalt  }
0x73: {  	_ =	shalt  }
0x74: {  	_ =	shalt  }
0x75: {  	_ =	shalt  }
0x76: {  	_ =	shalt  }
0x77: {  	_ =	shalt  }
0x78: {  	_ =	shalt  }
0x79: {  	_ =	shalt  }
0x7a: {  	_ =	shalt  }
0x7b: {  	_ =	shalt  }
0x7c: {  	_ =	shalt  }
0x7d: {  	_ =	shalt  }
0x7e: {  	_ =	shalt  }
0x7f: {  	_ =	shalt  }
0x80: {  	_ =	shalt  }
0x81: {  	_ =	shalt  }
0x82: {  	_ =	shalt  }
0x83: {  	_ =	shalt  }
0x84: {  	_ =	shalt  }
0x85: {  	_ =	shalt  }
0x86: {  	_ =	shalt  }
0x87: {  	_ =	shalt  }
.Lfunc_end0:
.L_simem_size_0:
called_computation.1_lowered:
.L_overlay_start_0:
0x88: {  	s2 =	sld [smem:$0x3FD9]  }
0x89: {  	s3 =	sld [smem:$0x3FFE];
	_ =	sdelay $0x1  }
0x8a: {  	s1 =	srdreg.scid  }
0x8b: {  	s0 =	sand.u32 $0x1, s1  }
0x8c: {  	s17 =	sshll.u32 s0, $0xA;
	s2 =	sadd.s32 s3, s2  }
0x8d: {  	s2 =	sadd.s32 s2, s17  }
0x8e: {  	[smem:$0x3FC6] =	sst s2  }
0x8f: {  	_ = 	snop  }
0x90: {  	s2 =	sld [smem:$0x3FD0];
	(tm) =	ssettm $0x1  }
0x91: {  	s18 =	sld [smem:$0x3FFB];
	_ =	sdelay $0x3  }
0x92: {  	_ =	strace s18  }
0x93: {  	s3 =	sld [smem:$0x3FFC];
	_ =	sdelay $0x3  }
0x94: {  	_ =	strace s3  }
0x95: {  	s3 =	sld [smem:$0x3FFD];
	_ =	sdelay $0x3  }
0x96: {  	_ =	strace s3  }
0x97: {  	_ =	strace $0x8FFFFFFF  }
0x98: {  	s19 =	sld [smem:$0x3FDB];
	_ =	sdelay $0x1  }
0x99: {  	s4 =	simm.s32 $_scs_section_size  }
0x9a: {  	s5 =	simm.s32 $_size__tile_overlayer_lowered;
	s6 =	simm.s32 $_tile_overlayer_lowered  }
0x9b: {  	s22 =	simm.s32 $0x1BFF;
	s21 =	sshll.u32 s6, $0x1;
	s3 =	sadd.s32 s4, s19  }
0x9c: {  	s7 =	simm.s32 $0x0;
	s20 =	sshll.u32 s5, $0x1;
	s5 =	sadd.s32 s21, s3  }
0x9d: {  	[timem:s7], [sflag:s22] =	dma.local [hbm:s5], s20  }
0x9e: {  	_ =	swait.ge [sflag:s22], s20  }
0x9f: {  	s4 =	ssub.s32 $0x0, s20;
	[sflag:s22] =	ssyncset.done $0x0  }
0xa0: {  	[sflag:s22] =	ssyncadd.s32 s4;
	_ =	sdelay $0x1  }
0xa1: {  	s23 =	simm.s32 $0x1B8B  }
0xa2: {  	_ =	swait.ge [sflag:s23], $0x1  }
0xa3: {  	[sflag:s23] =	ssyncset.done $0x0  }
0xa4: {  	s25 =	simm.s32 $0x1B8E;
	s24 =	sld [smem:$0x3FFE];
	[sflag:s23] =	ssyncadd.s32 $0xFFFFFFFF  }
0xa5: {  	s26 =	simm.s32 $execute0_lowered;
	[smem:$0x3FD2] =	sst s25  }
0xa6: {  	s5 =	sshll.u32 s26, $0x1;
	_ =	strace $0x80000046;
	[dreg:$0x1] =	wrdreg $0xFFFFFFFF  }
0xa7: {  	s28 =	simm.s32 $_size_execute0_lowered;
	s3 =	sadd.s32 s3, s5;
	[dreg:$0x0] =	wrdreg $0x0  }
0xa8: {  	s5 =	sshll.u32 s28, $0x1;
	[dreg:$0x2] =	wrdreg s3  }
0xa9: {  	[dreg:$0x3] =	wrdreg s5  }
0xaa: {  	[dreg:$0x4] =	wrdreg $0xC0  }
0xab: {  	_ =	task [dreg:s7], $0x5FFFF  }
0xac: {  	[dreg:$0x1] =	wrdreg $0xFFFFFFFF  }
0xad: {  	[dreg:$0x0] =	wrdreg $0x60  }
0xae: {  	[dreg:$0x2] =	wrdreg s24  }
0xaf: {  	[dreg:$0x3] =	wrdreg s2  }
0xb0: {  	[dreg:$0x4] =	wrdreg $0x9  }
0xb1: {  	_ =	task.clear_ibuf [dreg:s7], $0x5FFFF;
	_ =	strace $0x90000046  }
0xb2: {  	s29 =	simm.s32 $0x9;
	_ =	strace $0x80000048  }
0xb3: {  	_ =	swait.ge [sflag:s29], $0x1  }
0xb4: {  	[sflag:s29] =	ssyncadd.s32 $0xFFFFFFFF  }
0xb5: {  	_ =	strace $0x90000048  }
0xb6: {  	_ =	sfence  }
0xb7: {  	s30 =	sld [smem:$0x0];
	_ =	sdelay $0x2  }
0xb8: {  	s31 =	sshll.u32 s1, $0xD;
	s1 =	sshrl.u32 s1, $0x2  }
0xb9: {  	s3 =	sand.u32 $0x4000, s31;
	s1 =	sadd.s32 s1, s30  }
0xba: {  	s0 =	sor.u32 s3, s0;
	s1 =	sshll.u32 s1, $0x11  }
0xbb: {  	s0 =	sor.u32 s1, s0  }
0xbc: {  	s0 =	sadd.s32 $0x8F2B, s0  }
0xbd: {  	[sflag:s0] =	ssyncadd.remote.s32 $0x1  }
0xbe: {  	_ =	sfence.sel $0xFFFF  }
0xbf: {  	[dreg:$0x0] =	wrdreg $0xFFFFFFFF;
	(pc) =	sbr.abs _section_cstart, $3  }
0xc0: {  	[dreg:$0x1] =	wrdreg $0xFFFFFFFF  }
0xc1: {  	_ =	task.clear_ibuf [dreg:s7], $0x2FFFF;
	_ =	strace $0x9FFFFFFF  }
0xc2: {  	(tm) =	ssettm $0x7FFFFFFF  }
0xc3: {  	_ =	shalt  }
tec
execute0_lowered:
.L_overlay_start_1:
0x0: {  	(tag) =	ssettag $0x1  }
0x1: {  	s0 =	srdreg.scid  }
0x2: {  	s9 =	stileid.u32;
	s0 =	sand.u32 $0x1, s0  }
0x3: {  	s1 =	rddreg [dreg:$0x0];
	s3 =	sshll.u32 s9, $0xA;
	s5 =	sshll.u32 s0, $0x9  }
0x4: {  	s4 =	rddreg [dreg:$0x1];
	s3 =	sor.u32 s5, s3  }
0x5: {  	s2 =	simm.s32 $0x0;
	s7 =	ssub.s32 $0x2, s0;
	s5 =	smul.u32 $0x640, s3  }
0x6: {  	[smem:$0x7FF] =	sst s2;
	s8 =	sshrl.u32 s7, $0x1;
	s6 =	smul.u32 $0x7, s3  }
0x7: {  	_ =	strace $0x80000047;
	s3 =	sadd.s32 $0xF42E00, s1;
	s11 =	ssub.s32 s7, s8  }
0x8: {  	s31 =	smax.u32 s11, $0x1;
	s5 =	sshrl.u32 s5, $0x3;
	s1 =	sadd.s32 s6, s1  }
0x9: {  	[dreg:$0x14] =	wrdreg s31;
	s5 =	sadd.s32 s4, s5;
	s1 =	sadd.s32 $0xA00, s1  }
0xa: {  	[dreg:$0x3] =	wrdreg s1;
	s12 =	sadd.s32 $0x18380, s5  }
0xb: {  	s13 =	sadd.s32 $0x18448, s5;
	[dreg:$0x4] =	wrdreg s12  }
0xc: {  	s14 =	sadd.s32 $0x18510, s5;
	[dreg:$0x5] =	wrdreg s13  }
0xd: {  	s15 =	sadd.s32 $0x185D8, s5;
	[dreg:$0x6] =	wrdreg s14  }
0xe: {  	s16 =	sadd.s32 $0x186A0, s5;
	[dreg:$0x7] =	wrdreg s15  }
0xf: {  	s17 =	sadd.s32 $0x18768, s5;
	[dreg:$0x8] =	wrdreg s16  }
0x10: {  	s18 =	sadd.s32 $0x18830, s5;
	[dreg:$0x9] =	wrdreg s17  }
0x11: {  	s19 =	sadd.s32 $0x188F8, s5;
	[dreg:$0xa] =	wrdreg s18  }
0x12: {  	s20 =	sadd.s32 $0x189C0, s5;
	[dreg:$0xb] =	wrdreg s19  }
0x13: {  	s28 =	simm.s32 $0xD;
	s21 =	sadd.s32 $0x18A88, s5;
	[dreg:$0xc] =	wrdreg s20  }
0x14: {  	s30 =	simm.s32 $0xE;
	s22 =	sadd.s32 $0x18B50, s5;
	[dreg:$0xd] =	wrdreg s21  }
0x15: {  	s25 =	smul.u32 $0x32000, s9;
	s23 =	sadd.s32 $0x18C18, s5;
	[dreg:$0xe] =	wrdreg s22  }
0x16: {  	s0 =	smul.u32 $0x19000, s0;
	s24 =	sadd.s32 $0x18CE0, s5;
	[dreg:$0xf] =	wrdreg s23  }
0x17: {  	s26 =	sadd.s32 $0x18DA8, s5;
	s29 =	sadd.s32 $0x18E70, s5;
	[dreg:$0x10] =	wrdreg s24  }
0x18: {  	s5 =	sadd.s32 $0x18F38, s5;
	s1 =	sadd.s32 s25, s4;
	[dreg:$0x11] =	wrdreg s26  }
0x19: {  	s25 =	simm.s32 $0xC;
	s4 =	simm.s32 $0x0;
	[dreg:$0x12] =	wrdreg s29  }
0x1a: {  	[dreg:$0x13] =	wrdreg s5;
	s0 =	sadd.s32 s0, s1;
	s23 =	simm.s32 $0x11  }
0x1b: {  	s24 =	simm.s32 $0x32;
	s22 =	simm.s32 $0xB;
	s1 =	simm.s32 $0xF  }
0x1c: {  	s26 =	simm.s32 $0x10;
	s21 =	simm.s32 $0xCDC0;
	[dreg:$0x15] =	wrdreg s0  }
.LBB2_1:
0x1d: {  	[dreg:$0x16] =	wrdreg s4  }
0x1e: {  	s0 =	rddreg [dreg:$0x3]  }
0x1f: {  	[tilespmem:s2], [sflag:$0x11] =	stream.linear.gather [hbm4b:s0+s2], $0x7000, $0x38;
	[tilespmem:$0xD400] =	vst v63  }
0x20: {  	_ =	swait.ge [sflag:s23], $0x7000  }
0x21: {  	[sflag:s23] =	ssyncset.done $0x0  }
0x22: {  	s5 =	simm.s32 $0x7000;
	[sflag:s23] =	ssyncadd.s32 $0xFFFF9000  }
0x23: {  	[tilespmem:s5], [sflag:$0x1] =	stream.indirect.gather [hbm4b:s3+s24], $0x20, s2, s24, $0xb8;
	[tilespmem:$0xD400] =	vst v63  }
0x24: {  	s7 =	simm.s32 $0x38;
	s6 =	simm.s32 $0x7640  }
0x25: {  	[tilespmem:s6], [sflag:$0x2] =	stream.indirect.gather [hbm4b:s3+s24], $0x20, s7, s24, $0xb8;
	[tilespmem:$0xD400] =	vst v63  }
0x26: {  	s8 =	simm.s32 $0x70;
	s7 =	simm.s32 $0x7C80  }
0x27: {  	[tilespmem:s7], [sflag:$0x3] =	stream.indirect.gather [hbm4b:s3+s24], $0x20, s8, s24, $0xb8;
	[tilespmem:$0xD400] =	vst v63  }
0x28: {  	s9 =	simm.s32 $0xA8;
	s8 =	simm.s32 $0x82C0  }
0x29: {  	[tilespmem:s8], [sflag:$0x4] =	stream.indirect.gather [hbm4b:s3+s24], $0x20, s9, s24, $0xb8;
	[tilespmem:$0xD400] =	vst v63  }
0x2a: {  	s10 =	simm.s32 $0xE0;
	s9 =	simm.s32 $0x8900  }
0x2b: {  	[tilespmem:s9], [sflag:$0x5] =	stream.indirect.gather [hbm4b:s3+s24], $0x20, s10, s24, $0xb8;
	[tilespmem:$0xD400] =	vst v63  }
0x2c: {  	s11 =	simm.s32 $0x118;
	s10 =	simm.s32 $0x8F40  }
0x2d: {  	[tilespmem:s10], [sflag:$0x6] =	stream.indirect.gather [hbm4b:s3+s24], $0x20, s11, s24, $0xb8;
	[tilespmem:$0xD400] =	vst v63  }
0x2e: {  	s12 =	simm.s32 $0x150;
	s11 =	simm.s32 $0x9580  }
0x2f: {  	[tilespmem:s11], [sflag:$0x7] =	stream.indirect.gather [hbm4b:s3+s24], $0x20, s12, s24, $0xb8;
	[tilespmem:$0xD400] =	vst v63  }
0x30: {  	s13 =	simm.s32 $0x188;
	s12 =	simm.s32 $0x9BC0  }
0x31: {  	[tilespmem:s12], [sflag:$0x8] =	stream.indirect.gather [hbm4b:s3+s24], $0x20, s13, s24, $0xb8;
	[tilespmem:$0xD400] =	vst v63  }
0x32: {  	s14 =	simm.s32 $0x1C0;
	s13 =	simm.s32 $0xA200  }
0x33: {  	[tilespmem:s13], [sflag:$0x9] =	stream.indirect.gather [hbm4b:s3+s24], $0x20, s14, s24, $0xb8;
	[tilespmem:$0xD400] =	vst v63  }
0x34: {  	s15 =	simm.s32 $0x1F8;
	s14 =	simm.s32 $0xA840  }
0x35: {  	[tilespmem:s14], [sflag:$0xA] =	stream.indirect.gather [hbm4b:s3+s24], $0x20, s15, s24, $0xb8;
	[tilespmem:$0xD400] =	vst v63  }
0x36: {  	s16 =	simm.s32 $0x230;
	s15 =	simm.s32 $0xAE80  }
0x37: {  	[tilespmem:s15], [sflag:$0xB] =	stream.indirect.gather [hbm4b:s3+s24], $0x20, s16, s24, $0xb8;
	[tilespmem:$0xD400] =	vst v63  }
0x38: {  	s17 =	simm.s32 $0x268;
	s16 =	simm.s32 $0xB4C0  }
0x39: {  	[tilespmem:s16], [sflag:$0xC] =	stream.indirect.gather [hbm4b:s3+s24], $0x20, s17, s24, $0xb8;
	[tilespmem:$0xD400] =	vst v63  }
0x3a: {  	s18 =	simm.s32 $0x2A0;
	s17 =	simm.s32 $0xBB00  }
0x3b: {  	[tilespmem:s17], [sflag:$0xD] =	stream.indirect.gather [hbm4b:s3+s24], $0x20, s18, s24, $0xb8;
	[tilespmem:$0xD400] =	vst v63  }
0x3c: {  	s19 =	simm.s32 $0x2D8;
	s18 =	simm.s32 $0xC140  }
0x3d: {  	[tilespmem:s18], [sflag:$0xE] =	stream.indirect.gather [hbm4b:s3+s24], $0x20, s19, s24, $0xb8;
	[tilespmem:$0xD400] =	vst v63  }
0x3e: {  	s20 =	simm.s32 $0x310;
	s19 =	simm.s32 $0xC780  }
0x3f: {  	[tilespmem:s19], [sflag:$0xF] =	stream.indirect.gather [hbm4b:s3+s24], $0x20, s20, s24, $0xb8;
	[tilespmem:$0xD400] =	vst v63  }
0x40: {  	s4 =	simm.s32 $0x348;
	s20 =	simm.s32 $0xCDC0  }
0x41: {  	[tilespmem:s20], [sflag:$0x10] =	stream.indirect.gather [hbm4b:s3+s24], $0x20, s4, s24, $0xb8;
	[tilespmem:$0xD400] =	vst v63  }
0x42: {  	s4 =	simm.s32 $0x1  }
0x43: {  	_ =	swait.ge [sflag:s4], $0x640  }
0x44: {  	[sflag:s4] =	ssyncset.done $0x0  }
0x45: {  	[sflag:s4] =	ssyncadd.s32 $0xFFFFF9C0;
	s4 =	rddreg [dreg:$0x15]  }
0x46: {  	[hbm4b:s4+s2] =	stream.linear.scatter [tilespmem:s5], [sflag:$0x11], $0x640, $0x38;
	[tilespmem:$0xD400] =	vst v63  }
0x47: {  	_ =	swait.ge [sflag:s23], $0x640  }
0x48: {  	[sflag:s23] =	ssyncset.done $0x0  }
0x49: {  	s0 =	simm.s32 $0x380;
	[sflag:s23] =	ssyncadd.s32 $0xFFFFF9C0  }
0x4a: {  	[tilespmem:s5], [sflag:$0x1] =	stream.indirect.gather [hbm4b:s3+s24], $0x20, s0, s24, $0xb8;
	[tilespmem:$0xD400] =	vst v63  }
0x4b: {  	s5 =	simm.s32 $0x2  }
0x4c: {  	_ =	swait.ge [sflag:s5], $0x640  }
0x4d: {  	[sflag:s5] =	ssyncset.done $0x0  }
0x4e: {  	[sflag:s5] =	ssyncadd.s32 $0xFFFFF9C0;
	s5 =	sadd.s32 $0xC8, s4  }
0x4f: {  	[hbm4b:s5+s2] =	stream.linear.scatter [tilespmem:s6], [sflag:$0x11], $0x640, $0x38;
	[tilespmem:$0xD400] =	vst v63  }
0x50: {  	_ =	swait.ge [sflag:s23], $0x640  }
0x51: {  	[sflag:s23] =	ssyncset.done $0x0  }
0x52: {  	s5 =	simm.s32 $0x3B8;
	[sflag:s23] =	ssyncadd.s32 $0xFFFFF9C0  }
0x53: {  	[tilespmem:s6], [sflag:$0x2] =	stream.indirect.gather [hbm4b:s3+s24], $0x20, s5, s24, $0xb8;
	[tilespmem:$0xD400] =	vst v63  }
0x54: {  	s6 =	simm.s32 $0x3  }
0x55: {  	_ =	swait.ge [sflag:s6], $0x640  }
0x56: {  	[sflag:s6] =	ssyncset.done $0x0  }
0x57: {  	s5 =	sadd.s32 $0x190, s4;
	[sflag:s6] =	ssyncadd.s32 $0xFFFFF9C0  }
0x58: {  	[hbm4b:s5+s2] =	stream.linear.scatter [tilespmem:s7], [sflag:$0x11], $0x640, $0x38;
	[tilespmem:$0xD400] =	vst v63  }
0x59: {  	_ =	swait.ge [sflag:s23], $0x640  }
0x5a: {  	[sflag:s23] =	ssyncset.done $0x0  }
0x5b: {  	s6 =	simm.s32 $0x3F0;
	s5 =	simm.s32 $0x4;
	[sflag:s23] =	ssyncadd.s32 $0xFFFFF9C0  }
0x5c: {  	[tilespmem:s7], [sflag:$0x3] =	stream.indirect.gather [hbm4b:s3+s24], $0x20, s6, s24, $0xb8;
	[tilespmem:$0xD400] =	vst v63  }
0x5d: {  	_ =	swait.ge [sflag:s5], $0x640  }
0x5e: {  	[sflag:s5] =	ssyncset.done $0x0  }
0x5f: {  	s6 =	sadd.s32 $0x258, s4;
	[sflag:s5] =	ssyncadd.s32 $0xFFFFF9C0  }
0x60: {  	[hbm4b:s6+s2] =	stream.linear.scatter [tilespmem:s8], [sflag:$0x11], $0x640, $0x38;
	[tilespmem:$0xD400] =	vst v63  }
0x61: {  	_ =	swait.ge [sflag:s23], $0x640  }
0x62: {  	[sflag:s23] =	ssyncset.done $0x0  }
0x63: {  	s7 =	simm.s32 $0x428;
	[sflag:s23] =	ssyncadd.s32 $0xFFFFF9C0  }
0x64: {  	[tilespmem:s8], [sflag:$0x4] =	stream.indirect.gather [hbm4b:s3+s24], $0x20, s7, s24, $0xb8;
	[tilespmem:$0xD400] =	vst v63  }
0x65: {  	s8 =	simm.s32 $0x5  }
0x66: {  	_ =	swait.ge [sflag:s8], $0x640  }
0x67: {  	[sflag:s8] =	ssyncset.done $0x0  }
0x68: {  	s5 =	sadd.s32 $0x320, s4;
	[sflag:s8] =	ssyncadd.s32 $0xFFFFF9C0  }
0x69: {  	[hbm4b:s5+s2] =	stream.linear.scatter [tilespmem:s9], [sflag:$0x11], $0x640, $0x38;
	[tilespmem:$0xD400] =	vst v63  }
0x6a: {  	_ =	swait.ge [sflag:s23], $0x640  }
0x6b: {  	[sflag:s23] =	ssyncset.done $0x0  }
0x6c: {  	s6 =	simm.s32 $0x460;
	s7 =	simm.s32 $0x6;
	[sflag:s23] =	ssyncadd.s32 $0xFFFFF9C0  }
0x6d: {  	[tilespmem:s9], [sflag:$0x5] =	stream.indirect.gather [hbm4b:s3+s24], $0x20, s6, s24, $0xb8;
	[tilespmem:$0xD400] =	vst v63  }
0x6e: {  	_ =	swait.ge [sflag:s7], $0x640  }
0x6f: {  	[sflag:s7] =	ssyncset.done $0x0  }
0x70: {  	s8 =	sadd.s32 $0x3E8, s4;
	[sflag:s7] =	ssyncadd.s32 $0xFFFFF9C0  }
0x71: {  	[hbm4b:s8+s2] =	stream.linear.scatter [tilespmem:s10], [sflag:$0x11], $0x640, $0x38;
	[tilespmem:$0xD400] =	vst v63  }
0x72: {  	_ =	swait.ge [sflag:s23], $0x640  }
0x73: {  	[sflag:s23] =	ssyncset.done $0x0  }
0x74: {  	s5 =	simm.s32 $0x7;
	s9 =	simm.s32 $0x498;
	[sflag:s23] =	ssyncadd.s32 $0xFFFFF9C0  }
0x75: {  	[tilespmem:s10], [sflag:$0x6] =	stream.indirect.gather [hbm4b:s3+s24], $0x20, s9, s24, $0xb8;
	[tilespmem:$0xD400] =	vst v63  }
0x76: {  	_ =	swait.ge [sflag:s5], $0x640  }
0x77: {  	[sflag:s5] =	ssyncset.done $0x0  }
0x78: {  	s6 =	sadd.s32 $0x4B0, s4;
	[sflag:s5] =	ssyncadd.s32 $0xFFFFF9C0  }
0x79: {  	[hbm4b:s6+s2] =	stream.linear.scatter [tilespmem:s11], [sflag:$0x11], $0x640, $0x38;
	[tilespmem:$0xD400] =	vst v63  }
0x7a: {  	_ =	swait.ge [sflag:s23], $0x640  }
0x7b: {  	[sflag:s23] =	ssyncset.done $0x0  }
0x7c: {  	s7 =	simm.s32 $0x4D0;
	s8 =	simm.s32 $0x8;
	[sflag:s23] =	ssyncadd.s32 $0xFFFFF9C0  }
0x7d: {  	[tilespmem:s11], [sflag:$0x7] =	stream.indirect.gather [hbm4b:s3+s24], $0x20, s7, s24, $0xb8;
	[tilespmem:$0xD400] =	vst v63  }
0x7e: {  	_ =	swait.ge [sflag:s8], $0x640  }
0x7f: {  	[sflag:s8] =	ssyncset.done $0x0  }
0x80: {  	s9 =	sadd.s32 $0x578, s4;
	[sflag:s8] =	ssyncadd.s32 $0xFFFFF9C0  }
0x81: {  	[hbm4b:s9+s2] =	stream.linear.scatter [tilespmem:s12], [sflag:$0x11], $0x640, $0x38;
	[tilespmem:$0xD400] =	vst v63  }
0x82: {  	_ =	swait.ge [sflag:s23], $0x640  }
0x83: {  	[sflag:s23] =	ssyncset.done $0x0  }
0x84: {  	s10 =	simm.s32 $0x508;
	s11 =	simm.s32 $0x9;
	[sflag:s23] =	ssyncadd.s32 $0xFFFFF9C0  }
0x85: {  	[tilespmem:s12], [sflag:$0x8] =	stream.indirect.gather [hbm4b:s3+s24], $0x20, s10, s24, $0xb8;
	[tilespmem:$0xD400] =	vst v63  }
0x86: {  	_ =	swait.ge [sflag:s11], $0x640  }
0x87: {  	[sflag:s11] =	ssyncset.done $0x0  }
0x88: {  	s12 =	sadd.s32 $0x640, s4;
	[sflag:s11] =	ssyncadd.s32 $0xFFFFF9C0  }
0x89: {  	[hbm4b:s12+s2] =	stream.linear.scatter [tilespmem:s13], [sflag:$0x11], $0x640, $0x38;
	[tilespmem:$0xD400] =	vst v63  }
0x8a: {  	_ =	swait.ge [sflag:s23], $0x640  }
0x8b: {  	[sflag:s23] =	ssyncset.done $0x0  }
0x8c: {  	s5 =	simm.s32 $0x540;
	s6 =	simm.s32 $0xA;
	[sflag:s23] =	ssyncadd.s32 $0xFFFFF9C0  }
0x8d: {  	[tilespmem:s13], [sflag:$0x9] =	stream.indirect.gather [hbm4b:s3+s24], $0x20, s5, s24, $0xb8;
	[tilespmem:$0xD400] =	vst v63  }
0x8e: {  	_ =	swait.ge [sflag:s6], $0x640  }
0x8f: {  	[sflag:s6] =	ssyncset.done $0x0  }
0x90: {  	s7 =	sadd.s32 $0x708, s4;
	[sflag:s6] =	ssyncadd.s32 $0xFFFFF9C0  }
0x91: {  	[hbm4b:s7+s2] =	stream.linear.scatter [tilespmem:s14], [sflag:$0x11], $0x640, $0x38;
	[tilespmem:$0xD400] =	vst v63  }
0x92: {  	_ =	swait.ge [sflag:s23], $0x640  }
0x93: {  	[sflag:s23] =	ssyncset.done $0x0  }
0x94: {  	s8 =	simm.s32 $0x578;
	[sflag:s23] =	ssyncadd.s32 $0xFFFFF9C0  }
0x95: {  	[tilespmem:s14], [sflag:$0xA] =	stream.indirect.gather [hbm4b:s3+s24], $0x20, s8, s24, $0xb8;
	[tilespmem:$0xD400] =	vst v63  }
0x96: {  	_ =	swait.ge [sflag:s22], $0x640  }
0x97: {  	[sflag:s22] =	ssyncset.done $0x0  }
0x98: {  	s9 =	sadd.s32 $0x7D0, s4;
	[sflag:s22] =	ssyncadd.s32 $0xFFFFF9C0  }
0x99: {  	[hbm4b:s9+s2] =	stream.linear.scatter [tilespmem:s15], [sflag:$0x11], $0x640, $0x38;
	[tilespmem:$0xD400] =	vst v63  }
0x9a: {  	_ =	swait.ge [sflag:s23], $0x640  }
0x9b: {  	[sflag:s23] =	ssyncset.done $0x0  }
0x9c: {  	s10 =	simm.s32 $0x5B0;
	[sflag:s23] =	ssyncadd.s32 $0xFFFFF9C0  }
0x9d: {  	[tilespmem:s15], [sflag:$0xB] =	stream.indirect.gather [hbm4b:s3+s24], $0x20, s10, s24, $0xb8;
	[tilespmem:$0xD400] =	vst v63  }
0x9e: {  	_ =	swait.ge [sflag:s25], $0x640  }
0x9f: {  	[sflag:s25] =	ssyncset.done $0x0  }
0xa0: {  	s11 =	sadd.s32 $0x898, s4;
	[sflag:s25] =	ssyncadd.s32 $0xFFFFF9C0  }
0xa1: {  	[hbm4b:s11+s2] =	stream.linear.scatter [tilespmem:s16], [sflag:$0x11], $0x640, $0x38;
	[tilespmem:$0xD400] =	vst v63  }
0xa2: {  	_ =	swait.ge [sflag:s23], $0x640  }
0xa3: {  	[sflag:s23] =	ssyncset.done $0x0  }
0xa4: {  	s12 =	simm.s32 $0x5E8;
	[sflag:s23] =	ssyncadd.s32 $0xFFFFF9C0  }
0xa5: {  	[tilespmem:s16], [sflag:$0xC] =	stream.indirect.gather [hbm4b:s3+s24], $0x20, s12, s24, $0xb8;
	[tilespmem:$0xD400] =	vst v63  }
0xa6: {  	_ =	swait.ge [sflag:s28], $0x640  }
0xa7: {  	[sflag:s28] =	ssyncset.done $0x0  }
0xa8: {  	s13 =	sadd.s32 $0x960, s4;
	[sflag:s28] =	ssyncadd.s32 $0xFFFFF9C0  }
0xa9: {  	[hbm4b:s13+s2] =	stream.linear.scatter [tilespmem:s17], [sflag:$0x11], $0x640, $0x38;
	[tilespmem:$0xD400] =	vst v63  }
0xaa: {  	_ =	swait.ge [sflag:s23], $0x640  }
0xab: {  	[sflag:s23] =	ssyncset.done $0x0  }
0xac: {  	s14 =	simm.s32 $0x620;
	[sflag:s23] =	ssyncadd.s32 $0xFFFFF9C0  }
0xad: {  	[tilespmem:s17], [sflag:$0xD] =	stream.indirect.gather [hbm4b:s3+s24], $0x20, s14, s24, $0xb8;
	[tilespmem:$0xD400] =	vst v63  }
0xae: {  	_ =	swait.ge [sflag:s30], $0x640  }
0xaf: {  	[sflag:s30] =	ssyncset.done $0x0  }
0xb0: {  	s15 =	sadd.s32 $0xA28, s4;
	[sflag:s30] =	ssyncadd.s32 $0xFFFFF9C0  }
0xb1: {  	[hbm4b:s15+s2] =	stream.linear.scatter [tilespmem:s18], [sflag:$0x11], $0x640, $0x38;
	[tilespmem:$0xD400] =	vst v63  }
0xb2: {  	_ =	swait.ge [sflag:s23], $0x640  }
0xb3: {  	[sflag:s23] =	ssyncset.done $0x0  }
0xb4: {  	s16 =	simm.s32 $0x658;
	[sflag:s23] =	ssyncadd.s32 $0xFFFFF9C0  }
0xb5: {  	[tilespmem:s18], [sflag:$0xE] =	stream.indirect.gather [hbm4b:s3+s24], $0x20, s16, s24, $0xb8;
	[tilespmem:$0xD400] =	vst v63  }
0xb6: {  	_ =	swait.ge [sflag:s1], $0x640  }
0xb7: {  	[sflag:s1] =	ssyncset.done $0x0  }
0xb8: {  	s17 =	sadd.s32 $0xAF0, s4;
	[sflag:s1] =	ssyncadd.s32 $0xFFFFF9C0  }
0xb9: {  	[hbm4b:s17+s2] =	stream.linear.scatter [tilespmem:s19], [sflag:$0x11], $0x640, $0x38;
	[tilespmem:$0xD400] =	vst v63  }
0xba: {  	_ =	swait.ge [sflag:s23], $0x640  }
0xbb: {  	[sflag:s23] =	ssyncset.done $0x0  }
0xbc: {  	s18 =	simm.s32 $0x690;
	[sflag:s23] =	ssyncadd.s32 $0xFFFFF9C0  }
0xbd: {  	[tilespmem:s19], [sflag:$0xF] =	stream.indirect.gather [hbm4b:s3+s24], $0x20, s18, s24, $0xb8;
	[tilespmem:$0xD400] =	vst v63  }
0xbe: {  	_ =	swait.ge [sflag:s26], $0x640  }
0xbf: {  	[sflag:s26] =	ssyncset.done $0x0  }
0xc0: {  	s19 =	sadd.s32 $0xBB8, s4;
	[sflag:s26] =	ssyncadd.s32 $0xFFFFF9C0  }
0xc1: {  	[hbm4b:s19+s2] =	stream.linear.scatter [tilespmem:s20], [sflag:$0x11], $0x640, $0x38;
	[tilespmem:$0xD400] =	vst v63  }
0xc2: {  	_ =	swait.ge [sflag:s23], $0x640  }
0xc3: {  	s31 =	simm.s32 $0xE00;
	[sflag:s23] =	ssyncset.done $0x0  }
0xc4: {  	s29 =	sadd.s32 $0xC80, s4;
	s0 =	simm.s32 $0x6C8;
	[sflag:s23] =	ssyncadd.s32 $0xFFFFF9C0  }
.LBB2_2:
0xc5: {  	[tilespmem:s21], [sflag:$0x10] =	stream.indirect.gather [hbm4b:s3+s24], $0x20, s0, s24, $0xb8;
	[tilespmem:$0xD400] =	vst v63  }
0xc6: {  	s0 =	smov.u32 s31;
	s4 =	simm.s32 $0x1  }
0xc7: {  	p0 =	sne.s32 s31, $0x1A400;
	s31 =	sadd.s32 $0xE00, s31;
	_ =	swait.ge [sflag:s4], $0x640  }
0xc8: {  	[sflag:s4] =	ssyncset.done $0x0  }
0xc9: {  	s6 =	simm.s32 $0x7000;
	[sflag:s4] =	ssyncadd.s32 $0xFFFFF9C0  }
0xca: {  	[hbm4b:s29+s2] =	stream.linear.scatter [tilespmem:s6], [sflag:$0x11], $0x640, $0x38;
	[tilespmem:$0xD400] =	vst v63  }
0xcb: {  	_ =	swait.ge [sflag:s23], $0x640  }
0xcc: {  	s0 =	sshra.s32 s0, $0x2;
	[sflag:s23] =	ssyncset.done $0x0  }
0xcd: {  	s4 =	sadd.s32 $0x380, s0;
	[sflag:s23] =	ssyncadd.s32 $0xFFFFF9C0  }
0xce: {  	[tilespmem:s6], [sflag:$0x1] =	stream.indirect.gather [hbm4b:s3+s24], $0x20, s4, s24, $0xb8;
	[tilespmem:$0xD400] =	vst v63  }
0xcf: {  	s5 =	simm.s32 $0x7000;
	s4 =	simm.s32 $0x2  }
0xd0: {  	_ =	swait.ge [sflag:s4], $0x640  }
0xd1: {  	[sflag:s4] =	ssyncset.done $0x0  }
0xd2: {  	s7 =	simm.s32 $0x7640;
	[sflag:s4] =	ssyncadd.s32 $0xFFFFF9C0;
	s4 =	sadd.s32 $0xC8, s29  }
0xd3: {  	[hbm4b:s4+s2] =	stream.linear.scatter [tilespmem:s7], [sflag:$0x11], $0x640, $0x38;
	[tilespmem:$0xD400] =	vst v63  }
0xd4: {  	_ =	swait.ge [sflag:s23], $0x640  }
0xd5: {  	[sflag:s23] =	ssyncset.done $0x0  }
0xd6: {  	s4 =	sadd.s32 $0x3B8, s0;
	[sflag:s23] =	ssyncadd.s32 $0xFFFFF9C0  }
0xd7: {  	[tilespmem:s7], [sflag:$0x2] =	stream.indirect.gather [hbm4b:s3+s24], $0x20, s4, s24, $0xb8;
	[tilespmem:$0xD400] =	vst v63  }
0xd8: {  	s6 =	simm.s32 $0x7640;
	s4 =	simm.s32 $0x3  }
0xd9: {  	_ =	swait.ge [sflag:s4], $0x640  }
0xda: {  	[sflag:s4] =	ssyncset.done $0x0  }
0xdb: {  	s8 =	simm.s32 $0x7C80;
	[sflag:s4] =	ssyncadd.s32 $0xFFFFF9C0;
	s4 =	sadd.s32 $0x190, s29  }
0xdc: {  	[hbm4b:s4+s2] =	stream.linear.scatter [tilespmem:s8], [sflag:$0x11], $0x640, $0x38;
	[tilespmem:$0xD400] =	vst v63  }
0xdd: {  	_ =	swait.ge [sflag:s23], $0x640  }
0xde: {  	[sflag:s23] =	ssyncset.done $0x0  }
0xdf: {  	s4 =	sadd.s32 $0x3F0, s0;
	[sflag:s23] =	ssyncadd.s32 $0xFFFFF9C0  }
0xe0: {  	[tilespmem:s8], [sflag:$0x3] =	stream.indirect.gather [hbm4b:s3+s24], $0x20, s4, s24, $0xb8;
	[tilespmem:$0xD400] =	vst v63  }
0xe1: {  	s7 =	simm.s32 $0x7C80;
	s4 =	simm.s32 $0x4  }
0xe2: {  	_ =	swait.ge [sflag:s4], $0x640  }
0xe3: {  	[sflag:s4] =	ssyncset.done $0x0  }
0xe4: {  	s9 =	simm.s32 $0x82C0;
	[sflag:s4] =	ssyncadd.s32 $0xFFFFF9C0;
	s4 =	sadd.s32 $0x258, s29  }
0xe5: {  	[hbm4b:s4+s2] =	stream.linear.scatter [tilespmem:s9], [sflag:$0x11], $0x640, $0x38;
	[tilespmem:$0xD400] =	vst v63  }
0xe6: {  	_ =	swait.ge [sflag:s23], $0x640  }
0xe7: {  	[sflag:s23] =	ssyncset.done $0x0  }
0xe8: {  	s4 =	sadd.s32 $0x428, s0;
	[sflag:s23] =	ssyncadd.s32 $0xFFFFF9C0  }
0xe9: {  	[tilespmem:s9], [sflag:$0x4] =	stream.indirect.gather [hbm4b:s3+s24], $0x20, s4, s24, $0xb8;
	[tilespmem:$0xD400] =	vst v63  }
0xea: {  	s8 =	simm.s32 $0x82C0;
	s4 =	simm.s32 $0x5  }
0xeb: {  	_ =	swait.ge [sflag:s4], $0x640  }
0xec: {  	[sflag:s4] =	ssyncset.done $0x0  }
0xed: {  	s10 =	simm.s32 $0x8900;
	[sflag:s4] =	ssyncadd.s32 $0xFFFFF9C0;
	s4 =	sadd.s32 $0x320, s29  }
0xee: {  	[hbm4b:s4+s2] =	stream.linear.scatter [tilespmem:s10], [sflag:$0x11], $0x640, $0x38;
	[tilespmem:$0xD400] =	vst v63  }
0xef: {  	_ =	swait.ge [sflag:s23], $0x640  }
0xf0: {  	[sflag:s23] =	ssyncset.done $0x0  }
0xf1: {  	s4 =	sadd.s32 $0x460, s0;
	[sflag:s23] =	ssyncadd.s32 $0xFFFFF9C0  }
0xf2: {  	[tilespmem:s10], [sflag:$0x5] =	stream.indirect.gather [hbm4b:s3+s24], $0x20, s4, s24, $0xb8;
	[tilespmem:$0xD400] =	vst v63  }
0xf3: {  	s9 =	simm.s32 $0x8900;
	s4 =	simm.s32 $0x6  }
0xf4: {  	_ =	swait.ge [sflag:s4], $0x640  }
0xf5: {  	[sflag:s4] =	ssyncset.done $0x0  }
0xf6: {  	s11 =	simm.s32 $0x8F40;
	[sflag:s4] =	ssyncadd.s32 $0xFFFFF9C0;
	s4 =	sadd.s32 $0x3E8, s29  }
0xf7: {  	[hbm4b:s4+s2] =	stream.linear.scatter [tilespmem:s11], [sflag:$0x11], $0x640, $0x38;
	[tilespmem:$0xD400] =	vst v63  }
0xf8: {  	_ =	swait.ge [sflag:s23], $0x640  }
0xf9: {  	[sflag:s23] =	ssyncset.done $0x0  }
0xfa: {  	s4 =	sadd.s32 $0x498, s0;
	[sflag:s23] =	ssyncadd.s32 $0xFFFFF9C0  }
0xfb: {  	[tilespmem:s11], [sflag:$0x6] =	stream.indirect.gather [hbm4b:s3+s24], $0x20, s4, s24, $0xb8;
	[tilespmem:$0xD400] =	vst v63  }
0xfc: {  	s10 =	simm.s32 $0x8F40;
	s4 =	simm.s32 $0x7  }
0xfd: {  	_ =	swait.ge [sflag:s4], $0x640  }
0xfe: {  	[sflag:s4] =	ssyncset.done $0x0  }
0xff: {  	s12 =	simm.s32 $0x9580;
	[sflag:s4] =	ssyncadd.s32 $0xFFFFF9C0;
	s4 =	sadd.s32 $0x4B0, s29  }
0x100: {  	[hbm4b:s4+s2] =	stream.linear.scatter [tilespmem:s12], [sflag:$0x11], $0x640, $0x38;
	[tilespmem:$0xD400] =	vst v63  }
0x101: {  	_ =	swait.ge [sflag:s23], $0x640  }
0x102: {  	[sflag:s23] =	ssyncset.done $0x0  }
0x103: {  	s4 =	sadd.s32 $0x4D0, s0;
	[sflag:s23] =	ssyncadd.s32 $0xFFFFF9C0  }
0x104: {  	[tilespmem:s12], [sflag:$0x7] =	stream.indirect.gather [hbm4b:s3+s24], $0x20, s4, s24, $0xb8;
	[tilespmem:$0xD400] =	vst v63  }
0x105: {  	s11 =	simm.s32 $0x9580;
	s4 =	simm.s32 $0x8  }
0x106: {  	_ =	swait.ge [sflag:s4], $0x640  }
0x107: {  	[sflag:s4] =	ssyncset.done $0x0  }
0x108: {  	s13 =	simm.s32 $0x9BC0;
	[sflag:s4] =	ssyncadd.s32 $0xFFFFF9C0;
	s4 =	sadd.s32 $0x578, s29  }
0x109: {  	[hbm4b:s4+s2] =	stream.linear.scatter [tilespmem:s13], [sflag:$0x11], $0x640, $0x38;
	[tilespmem:$0xD400] =	vst v63  }
0x10a: {  	_ =	swait.ge [sflag:s23], $0x640  }
0x10b: {  	[sflag:s23] =	ssyncset.done $0x0  }
0x10c: {  	s4 =	sadd.s32 $0x508, s0;
	[sflag:s23] =	ssyncadd.s32 $0xFFFFF9C0  }
0x10d: {  	[tilespmem:s13], [sflag:$0x8] =	stream.indirect.gather [hbm4b:s3+s24], $0x20, s4, s24, $0xb8;
	[tilespmem:$0xD400] =	vst v63  }
0x10e: {  	s12 =	simm.s32 $0x9BC0;
	s4 =	simm.s32 $0x9  }
0x10f: {  	_ =	swait.ge [sflag:s4], $0x640  }
0x110: {  	[sflag:s4] =	ssyncset.done $0x0  }
0x111: {  	s14 =	simm.s32 $0xA200;
	[sflag:s4] =	ssyncadd.s32 $0xFFFFF9C0;
	s4 =	sadd.s32 $0x640, s29  }
0x112: {  	[hbm4b:s4+s2] =	stream.linear.scatter [tilespmem:s14], [sflag:$0x11], $0x640, $0x38;
	[tilespmem:$0xD400] =	vst v63  }
0x113: {  	_ =	swait.ge [sflag:s23], $0x640  }
0x114: {  	[sflag:s23] =	ssyncset.done $0x0  }
0x115: {  	s4 =	sadd.s32 $0x540, s0;
	[sflag:s23] =	ssyncadd.s32 $0xFFFFF9C0  }
0x116: {  	[tilespmem:s14], [sflag:$0x9] =	stream.indirect.gather [hbm4b:s3+s24], $0x20, s4, s24, $0xb8;
	[tilespmem:$0xD400] =	vst v63  }
0x117: {  	s13 =	simm.s32 $0xA200;
	s4 =	simm.s32 $0xA  }
0x118: {  	_ =	swait.ge [sflag:s4], $0x640  }
0x119: {  	[sflag:s4] =	ssyncset.done $0x0  }
0x11a: {  	s15 =	simm.s32 $0xA840;
	[sflag:s4] =	ssyncadd.s32 $0xFFFFF9C0;
	s4 =	sadd.s32 $0x708, s29  }
0x11b: {  	[hbm4b:s4+s2] =	stream.linear.scatter [tilespmem:s15], [sflag:$0x11], $0x640, $0x38;
	[tilespmem:$0xD400] =	vst v63  }
0x11c: {  	_ =	swait.ge [sflag:s23], $0x640  }
0x11d: {  	[sflag:s23] =	ssyncset.done $0x0  }
0x11e: {  	s14 =	simm.s32 $0xA840;
	s4 =	sadd.s32 $0x578, s0;
	[sflag:s23] =	ssyncadd.s32 $0xFFFFF9C0  }
0x11f: {  	[tilespmem:s15], [sflag:$0xA] =	stream.indirect.gather [hbm4b:s3+s24], $0x20, s4, s24, $0xb8;
	[tilespmem:$0xD400] =	vst v63  }
0x120: {  	_ =	swait.ge [sflag:s22], $0x640  }
0x121: {  	[sflag:s22] =	ssyncset.done $0x0  }
0x122: {  	s16 =	simm.s32 $0xAE80;
	s4 =	sadd.s32 $0x7D0, s29;
	[sflag:s22] =	ssyncadd.s32 $0xFFFFF9C0  }
0x123: {  	[hbm4b:s4+s2] =	stream.linear.scatter [tilespmem:s16], [sflag:$0x11], $0x640, $0x38;
	[tilespmem:$0xD400] =	vst v63  }
0x124: {  	_ =	swait.ge [sflag:s23], $0x640  }
0x125: {  	[sflag:s23] =	ssyncset.done $0x0  }
0x126: {  	s15 =	simm.s32 $0xAE80;
	s4 =	sadd.s32 $0x5B0, s0;
	[sflag:s23] =	ssyncadd.s32 $0xFFFFF9C0  }
0x127: {  	[tilespmem:s16], [sflag:$0xB] =	stream.indirect.gather [hbm4b:s3+s24], $0x20, s4, s24, $0xb8;
	[tilespmem:$0xD400] =	vst v63  }
0x128: {  	_ =	swait.ge [sflag:s25], $0x640  }
0x129: {  	[sflag:s25] =	ssyncset.done $0x0  }
0x12a: {  	s17 =	simm.s32 $0xB4C0;
	s4 =	sadd.s32 $0x898, s29;
	[sflag:s25] =	ssyncadd.s32 $0xFFFFF9C0  }
0x12b: {  	[hbm4b:s4+s2] =	stream.linear.scatter [tilespmem:s17], [sflag:$0x11], $0x640, $0x38;
	[tilespmem:$0xD400] =	vst v63  }
0x12c: {  	_ =	swait.ge [sflag:s23], $0x640  }
0x12d: {  	[sflag:s23] =	ssyncset.done $0x0  }
0x12e: {  	s16 =	simm.s32 $0xB4C0;
	s4 =	sadd.s32 $0x5E8, s0;
	[sflag:s23] =	ssyncadd.s32 $0xFFFFF9C0  }
0x12f: {  	[tilespmem:s17], [sflag:$0xC] =	stream.indirect.gather [hbm4b:s3+s24], $0x20, s4, s24, $0xb8;
	[tilespmem:$0xD400] =	vst v63  }
0x130: {  	_ =	swait.ge [sflag:s28], $0x640  }
0x131: {  	[sflag:s28] =	ssyncset.done $0x0  }
0x132: {  	s18 =	simm.s32 $0xBB00;
	s4 =	sadd.s32 $0x960, s29;
	[sflag:s28] =	ssyncadd.s32 $0xFFFFF9C0  }
0x133: {  	[hbm4b:s4+s2] =	stream.linear.scatter [tilespmem:s18], [sflag:$0x11], $0x640, $0x38;
	[tilespmem:$0xD400] =	vst v63  }
0x134: {  	_ =	swait.ge [sflag:s23], $0x640  }
0x135: {  	[sflag:s23] =	ssyncset.done $0x0  }
0x136: {  	s17 =	simm.s32 $0xBB00;
	s4 =	sadd.s32 $0x620, s0;
	[sflag:s23] =	ssyncadd.s32 $0xFFFFF9C0  }
0x137: {  	[tilespmem:s18], [sflag:$0xD] =	stream.indirect.gather [hbm4b:s3+s24], $0x20, s4, s24, $0xb8;
	[tilespmem:$0xD400] =	vst v63  }
0x138: {  	_ =	swait.ge [sflag:s30], $0x640  }
0x139: {  	[sflag:s30] =	ssyncset.done $0x0  }
0x13a: {  	s19 =	simm.s32 $0xC140;
	s4 =	sadd.s32 $0xA28, s29;
	[sflag:s30] =	ssyncadd.s32 $0xFFFFF9C0  }
0x13b: {  	[hbm4b:s4+s2] =	stream.linear.scatter [tilespmem:s19], [sflag:$0x11], $0x640, $0x38;
	[tilespmem:$0xD400] =	vst v63  }
0x13c: {  	_ =	swait.ge [sflag:s23], $0x640  }
0x13d: {  	[sflag:s23] =	ssyncset.done $0x0  }
0x13e: {  	s18 =	simm.s32 $0xC140;
	s4 =	sadd.s32 $0x658, s0;
	[sflag:s23] =	ssyncadd.s32 $0xFFFFF9C0  }
0x13f: {  	[tilespmem:s19], [sflag:$0xE] =	stream.indirect.gather [hbm4b:s3+s24], $0x20, s4, s24, $0xb8;
	[tilespmem:$0xD400] =	vst v63  }
0x140: {  	_ =	swait.ge [sflag:s1], $0x640  }
0x141: {  	[sflag:s1] =	ssyncset.done $0x0  }
0x142: {  	s20 =	simm.s32 $0xC780;
	s4 =	sadd.s32 $0xAF0, s29;
	[sflag:s1] =	ssyncadd.s32 $0xFFFFF9C0  }
0x143: {  	[hbm4b:s4+s2] =	stream.linear.scatter [tilespmem:s20], [sflag:$0x11], $0x640, $0x38;
	[tilespmem:$0xD400] =	vst v63  }
0x144: {  	_ =	swait.ge [sflag:s23], $0x640  }
0x145: {  	[sflag:s23] =	ssyncset.done $0x0  }
0x146: {  	s19 =	simm.s32 $0xC780;
	s4 =	sadd.s32 $0x690, s0;
	[sflag:s23] =	ssyncadd.s32 $0xFFFFF9C0  }
0x147: {  	[tilespmem:s20], [sflag:$0xF] =	stream.indirect.gather [hbm4b:s3+s24], $0x20, s4, s24, $0xb8;
	[tilespmem:$0xD400] =	vst v63  }
0x148: {  	_ =	swait.ge [sflag:s26], $0x640  }
0x149: {  	[sflag:s26] =	ssyncset.done $0x0  }
.Ltmp0:
0x14a: {  	s4 =	sadd.s32 $0xBB8, s29;
	[sflag:s26] =	ssyncadd.s32 $0xFFFFF9C0;
	(pc) =	sbr.rel @p0 .LBB2_2-.Ltmp0, $4  }
0x14b: {  	[hbm4b:s4+s2] =	stream.linear.scatter [tilespmem:s21], [sflag:$0x11], $0x640, $0x38;
	[tilespmem:$0xD400] =	vst v63  }
0x14c: {  	_ =	swait.ge [sflag:s23], $0x640  }
0x14d: {  	[sflag:s23] =	ssyncset.done $0x0  }
0x14e: {  	s0 =	sadd.s32 $0x6C8, s0;
	s29 =	sadd.s32 $0xC80, s29;
	[sflag:s23] =	ssyncadd.s32 $0xFFFFF9C0  }
0x14f: {  	s4 =	simm.s32 $0xCDC0;
	s29 =	simm.s32 $0x1  }
0x150: {  	[tilespmem:s4], [sflag:$0x10] =	stream.indirect.gather [hbm4b:s3+s24], $0x20, s0, s24, $0xb8;
	[tilespmem:$0xD400] =	vst v63  }
0x151: {  	_ =	swait.ge [sflag:s29], $0x640  }
0x152: {  	[sflag:s29] =	ssyncset.done $0x0  }
0x153: {  	s31 =	rddreg [dreg:$0x4];
	[sflag:s29] =	ssyncadd.s32 $0xFFFFF9C0  }
0x154: {  	[hbm4b:s31+s2] =	stream.linear.scatter [tilespmem:s5], [sflag:$0x11], $0x640, $0x38;
	[tilespmem:$0xD400] =	vst v63  }
0x155: {  	_ =	swait.ge [sflag:s23], $0x640  }
0x156: {  	[sflag:s23] =	ssyncset.done $0x0  }
0x157: {  	s20 =	simm.s32 $0x2;
	[sflag:s23] =	ssyncadd.s32 $0xFFFFF9C0  }
0x158: {  	_ =	swait.ge [sflag:s20], $0x640  }
0x159: {  	[sflag:s20] =	ssyncset.done $0x0  }
0x15a: {  	s29 =	rddreg [dreg:$0x5];
	[sflag:s20] =	ssyncadd.s32 $0xFFFFF9C0  }
0x15b: {  	[hbm4b:s29+s2] =	stream.linear.scatter [tilespmem:s6], [sflag:$0x11], $0x640, $0x38;
	[tilespmem:$0xD400] =	vst v63  }
0x15c: {  	_ =	swait.ge [sflag:s23], $0x640  }
0x15d: {  	[sflag:s23] =	ssyncset.done $0x0  }
0x15e: {  	s31 =	simm.s32 $0x3;
	[sflag:s23] =	ssyncadd.s32 $0xFFFFF9C0  }
0x15f: {  	_ =	swait.ge [sflag:s31], $0x640  }
0x160: {  	[sflag:s31] =	ssyncset.done $0x0  }
0x161: {  	s5 =	rddreg [dreg:$0x6];
	[sflag:s31] =	ssyncadd.s32 $0xFFFFF9C0  }
0x162: {  	[hbm4b:s5+s2] =	stream.linear.scatter [tilespmem:s7], [sflag:$0x11], $0x640, $0x38;
	[tilespmem:$0xD400] =	vst v63  }
0x163: {  	_ =	swait.ge [sflag:s23], $0x640  }
0x164: {  	[sflag:s23] =	ssyncset.done $0x0  }
0x165: {  	s6 =	simm.s32 $0x4;
	[sflag:s23] =	ssyncadd.s32 $0xFFFFF9C0  }
0x166: {  	_ =	swait.ge [sflag:s6], $0x640  }
0x167: {  	[sflag:s6] =	ssyncset.done $0x0  }
0x168: {  	s7 =	rddreg [dreg:$0x7];
	[sflag:s6] =	ssyncadd.s32 $0xFFFFF9C0  }
0x169: {  	[hbm4b:s7+s2] =	stream.linear.scatter [tilespmem:s8], [sflag:$0x11], $0x640, $0x38;
	[tilespmem:$0xD400] =	vst v63  }
0x16a: {  	_ =	swait.ge [sflag:s23], $0x640  }
0x16b: {  	[sflag:s23] =	ssyncset.done $0x0  }
0x16c: {  	s20 =	simm.s32 $0x5;
	[sflag:s23] =	ssyncadd.s32 $0xFFFFF9C0  }
0x16d: {  	_ =	swait.ge [sflag:s20], $0x640  }
0x16e: {  	[sflag:s20] =	ssyncset.done $0x0  }
0x16f: {  	s29 =	rddreg [dreg:$0x8];
	[sflag:s20] =	ssyncadd.s32 $0xFFFFF9C0  }
0x170: {  	[hbm4b:s29+s2] =	stream.linear.scatter [tilespmem:s9], [sflag:$0x11], $0x640, $0x38;
	[tilespmem:$0xD400] =	vst v63  }
0x171: {  	_ =	swait.ge [sflag:s23], $0x640  }
0x172: {  	[sflag:s23] =	ssyncset.done $0x0  }
0x173: {  	s31 =	simm.s32 $0x6;
	[sflag:s23] =	ssyncadd.s32 $0xFFFFF9C0  }
0x174: {  	_ =	swait.ge [sflag:s31], $0x640  }
0x175: {  	[sflag:s31] =	ssyncset.done $0x0  }
0x176: {  	s5 =	rddreg [dreg:$0x9];
	[sflag:s31] =	ssyncadd.s32 $0xFFFFF9C0  }
0x177: {  	[hbm4b:s5+s2] =	stream.linear.scatter [tilespmem:s10], [sflag:$0x11], $0x640, $0x38;
	[tilespmem:$0xD400] =	vst v63  }
0x178: {  	_ =	swait.ge [sflag:s23], $0x640  }
0x179: {  	[sflag:s23] =	ssyncset.done $0x0  }
0x17a: {  	s6 =	simm.s32 $0x7;
	[sflag:s23] =	ssyncadd.s32 $0xFFFFF9C0  }
0x17b: {  	_ =	swait.ge [sflag:s6], $0x640  }
0x17c: {  	[sflag:s6] =	ssyncset.done $0x0  }
0x17d: {  	s7 =	rddreg [dreg:$0xa];
	[sflag:s6] =	ssyncadd.s32 $0xFFFFF9C0  }
0x17e: {  	[hbm4b:s7+s2] =	stream.linear.scatter [tilespmem:s11], [sflag:$0x11], $0x640, $0x38;
	[tilespmem:$0xD400] =	vst v63  }
0x17f: {  	_ =	swait.ge [sflag:s23], $0x640  }
0x180: {  	[sflag:s23] =	ssyncset.done $0x0  }
0x181: {  	s8 =	simm.s32 $0x8;
	[sflag:s23] =	ssyncadd.s32 $0xFFFFF9C0  }
0x182: {  	_ =	swait.ge [sflag:s8], $0x640  }
0x183: {  	[sflag:s8] =	ssyncset.done $0x0  }
0x184: {  	s9 =	rddreg [dreg:$0xb];
	[sflag:s8] =	ssyncadd.s32 $0xFFFFF9C0  }
0x185: {  	[hbm4b:s9+s2] =	stream.linear.scatter [tilespmem:s12], [sflag:$0x11], $0x640, $0x38;
	[tilespmem:$0xD400] =	vst v63  }
0x186: {  	_ =	swait.ge [sflag:s23], $0x640  }
0x187: {  	[sflag:s23] =	ssyncset.done $0x0  }
0x188: {  	s10 =	simm.s32 $0x9;
	[sflag:s23] =	ssyncadd.s32 $0xFFFFF9C0  }
0x189: {  	_ =	swait.ge [sflag:s10], $0x640  }
0x18a: {  	[sflag:s10] =	ssyncset.done $0x0  }
0x18b: {  	s11 =	rddreg [dreg:$0xc];
	[sflag:s10] =	ssyncadd.s32 $0xFFFFF9C0  }
0x18c: {  	[hbm4b:s11+s2] =	stream.linear.scatter [tilespmem:s13], [sflag:$0x11], $0x640, $0x38;
	[tilespmem:$0xD400] =	vst v63  }
0x18d: {  	_ =	swait.ge [sflag:s23], $0x640  }
0x18e: {  	[sflag:s23] =	ssyncset.done $0x0  }
0x18f: {  	s12 =	simm.s32 $0xA;
	[sflag:s23] =	ssyncadd.s32 $0xFFFFF9C0  }
0x190: {  	_ =	swait.ge [sflag:s12], $0x640  }
0x191: {  	[sflag:s12] =	ssyncset.done $0x0  }
0x192: {  	s13 =	rddreg [dreg:$0xd];
	[sflag:s12] =	ssyncadd.s32 $0xFFFFF9C0  }
0x193: {  	[hbm4b:s13+s2] =	stream.linear.scatter [tilespmem:s14], [sflag:$0x11], $0x640, $0x38;
	[tilespmem:$0xD400] =	vst v63  }
0x194: {  	_ =	swait.ge [sflag:s23], $0x640  }
0x195: {  	[sflag:s23] =	ssyncset.done $0x0  }
0x196: {  	[sflag:s23] =	ssyncadd.s32 $0xFFFFF9C0  }
0x197: {  	_ =	swait.ge [sflag:s22], $0x640  }
0x198: {  	[sflag:s22] =	ssyncset.done $0x0  }
0x199: {  	s14 =	rddreg [dreg:$0xe];
	[sflag:s22] =	ssyncadd.s32 $0xFFFFF9C0  }
0x19a: {  	[hbm4b:s14+s2] =	stream.linear.scatter [tilespmem:s15], [sflag:$0x11], $0x640, $0x38;
	[tilespmem:$0xD400] =	vst v63  }
0x19b: {  	_ =	swait.ge [sflag:s23], $0x640  }
0x19c: {  	[sflag:s23] =	ssyncset.done $0x0  }
0x19d: {  	[sflag:s23] =	ssyncadd.s32 $0xFFFFF9C0  }
0x19e: {  	_ =	swait.ge [sflag:s25], $0x640  }
0x19f: {  	[sflag:s25] =	ssyncset.done $0x0  }
0x1a0: {  	s15 =	rddreg [dreg:$0xf];
	[sflag:s25] =	ssyncadd.s32 $0xFFFFF9C0  }
0x1a1: {  	[hbm4b:s15+s2] =	stream.linear.scatter [tilespmem:s16], [sflag:$0x11], $0x640, $0x38;
	[tilespmem:$0xD400] =	vst v63  }
0x1a2: {  	_ =	swait.ge [sflag:s23], $0x640  }
0x1a3: {  	[sflag:s23] =	ssyncset.done $0x0  }
0x1a4: {  	[sflag:s23] =	ssyncadd.s32 $0xFFFFF9C0  }
0x1a5: {  	_ =	swait.ge [sflag:s28], $0x640  }
0x1a6: {  	[sflag:s28] =	ssyncset.done $0x0  }
0x1a7: {  	s16 =	rddreg [dreg:$0x10];
	[sflag:s28] =	ssyncadd.s32 $0xFFFFF9C0  }
0x1a8: {  	[hbm4b:s16+s2] =	stream.linear.scatter [tilespmem:s17], [sflag:$0x11], $0x640, $0x38;
	[tilespmem:$0xD400] =	vst v63  }
0x1a9: {  	_ =	swait.ge [sflag:s23], $0x640  }
0x1aa: {  	[sflag:s23] =	ssyncset.done $0x0  }
0x1ab: {  	[sflag:s23] =	ssyncadd.s32 $0xFFFFF9C0  }
0x1ac: {  	_ =	swait.ge [sflag:s30], $0x640  }
0x1ad: {  	[sflag:s30] =	ssyncset.done $0x0  }
0x1ae: {  	s17 =	rddreg [dreg:$0x11];
	[sflag:s30] =	ssyncadd.s32 $0xFFFFF9C0  }
0x1af: {  	[hbm4b:s17+s2] =	stream.linear.scatter [tilespmem:s18], [sflag:$0x11], $0x640, $0x38;
	[tilespmem:$0xD400] =	vst v63  }
0x1b0: {  	_ =	swait.ge [sflag:s23], $0x640  }
0x1b1: {  	[sflag:s23] =	ssyncset.done $0x0  }
0x1b2: {  	[sflag:s23] =	ssyncadd.s32 $0xFFFFF9C0  }
0x1b3: {  	_ =	swait.ge [sflag:s1], $0x640  }
0x1b4: {  	[sflag:s1] =	ssyncset.done $0x0  }
0x1b5: {  	s18 =	rddreg [dreg:$0x12];
	[sflag:s1] =	ssyncadd.s32 $0xFFFFF9C0  }
0x1b6: {  	[hbm4b:s18+s2] =	stream.linear.scatter [tilespmem:s19], [sflag:$0x11], $0x640, $0x38;
	[tilespmem:$0xD400] =	vst v63  }
0x1b7: {  	_ =	swait.ge [sflag:s23], $0x640  }
0x1b8: {  	[sflag:s23] =	ssyncset.done $0x0  }
0x1b9: {  	[sflag:s23] =	ssyncadd.s32 $0xFFFFF9C0  }
0x1ba: {  	_ =	swait.ge [sflag:s26], $0x640  }
0x1bb: {  	[sflag:s26] =	ssyncset.done $0x0  }
0x1bc: {  	s20 =	rddreg [dreg:$0x13];
	[sflag:s26] =	ssyncadd.s32 $0xFFFFF9C0  }
0x1bd: {  	[hbm4b:s20+s2] =	stream.linear.scatter [tilespmem:s4], [sflag:$0x11], $0x640, $0x38;
	[tilespmem:$0xD400] =	vst v63  }
0x1be: {  	_ =	swait.ge [sflag:s23], $0x640  }
0x1bf: {  	s29 =	rddreg [dreg:$0x16]  }
0x1c0: {  	s31 =	rddreg [dreg:$0x14];
	s4 =	sadd.s32 $0x1, s29  }
0x1c1: {  	p0 =	sne.s32 s4, s31  }
.Ltmp1:
0x1c2: {  	_ = 	snop;
	(pc) =	sbr.rel @p0 .LBB2_1-.Ltmp1, $3  }
0x1c3: {  	_ =	sdelay $0x1  }
0x1c4: {  	[sflag:s23] =	ssyncset.done $0x0  }
0x1c5: {  	[sflag:s23] =	ssyncadd.s32 $0xFFFFF9C0  }
0x1c6: {  	_ =	sfence.sel $0x180000  }
0x1c7: {  	[bflag:$0x0] =	sbarrier.arrive $0xFFFF  }
0x1c8: {  	_ =	strace $0x90000047  }
0x1c9: {  	s0 =	stileid.u32;
	[bflag:$0x2] =	sbarrier.arrive $0xFFFF  }
0x1ca: {  	p0 =	sne.s32 s0, $0x0;
	s0 =	rddreg [dreg:$0x2]  }
0x1cb: {  	s0 =	sadd.s32 @!p0 $0x100000, s0  }
0x1cc: {  	[sflag:s0] =	ssyncadd.tile.s32 @!p0 $0x1;
	_ =	shalt  }
.Lfunc_end2:
_tile_overlayer_lowered:
.L_overlay_start_2:
0x1cd: {  	(tag) =	ssettag $0x2  }
0x1ce: {  	s0 =	rddreg [dreg:$0x0];
	s2 =	stileid.u32  }
0x1cf: {  	s1 =	rddreg [dreg:$0x1];
	p0 =	sne.s32 s2, $0x0  }
0x1d0: {  	s3 =	rddreg [dreg:$0x2];
	[bflag:$0x3] =	sbarrier.arrive $0xFFFF;
	s2 =	simm.s32 @!p0 $0x1C11  }
0x1d1: {  	[timem:s3], [sflag:s2] =	dma.local @!p0 [hbm:s0], s1  }
0x1d2: {  	s0 =	simm.s32 @!p0 $0x11  }
0x1d3: {  	_ =	swait.ge @!p0 [sflag:s0], s1  }
0x1d4: {  	s1 =	ssub.s32 @!p0 $0x0, s1;
	[sflag:s0] =	ssyncset.done @!p0 $0x0  }
0x1d5: {  	[sflag:s0] =	ssyncadd.s32 @!p0 s1  }
0x1d6: {  	[bflag:$0x3] =	sbarrier.arrive $0xFFFF  }
0x1d7: {  	_ =	shalt  }

// kernel: sparse-core-data-format-call.cloned.1.call-start
scs
called_computation_lowered:
.L_overlay_start_0:
0x0: {  	s2 =	sld [smem:$0x3FD9]  }
0x1: {  	s3 =	sld [smem:$0x3FFE];
	_ =	sdelay $0x1  }
0x2: {  	s1 =	srdreg.scid  }
0x3: {  	s0 =	sand.u32 $0x1, s1  }
0x4: {  	s18 =	sshll.u32 s0, $0xA;
	s2 =	sadd.s32 s3, s2  }
0x5: {  	s2 =	sadd.s32 s2, s18  }
0x6: {  	[smem:$0x3FC6] =	sst s2  }
0x7: {  	_ = 	snop  }
0x8: {  	s2 =	sld [smem:$0x3FD0];
	(tm) =	ssettm $0x1  }
0x9: {  	s19 =	sld [smem:$0x3FFB];
	_ =	sdelay $0x3  }
0xa: {  	_ =	strace s19  }
0xb: {  	s3 =	sld [smem:$0x3FFC];
	_ =	sdelay $0x3  }
0xc: {  	_ =	strace s3  }
0xd: {  	s3 =	sld [smem:$0x3FFD];
	_ =	sdelay $0x3  }
0xe: {  	_ =	strace s3  }
0xf: {  	_ =	strace $0x8FFFFFFF  }
0x10: {  	s20 =	sld [smem:$0x3FDB];
	_ =	sdelay $0x1  }
0x11: {  	s4 =	simm.s32 $_scs_section_size  }
0x12: {  	s5 =	simm.s32 $_size__tile_overlayer_lowered;
	s6 =	simm.s32 $_tile_overlayer_lowered  }
0x13: {  	s23 =	simm.s32 $0x1BFF;
	s22 =	sshll.u32 s6, $0x1;
	s3 =	sadd.s32 s4, s20  }
0x14: {  	s7 =	simm.s32 $0x0;
	s21 =	sshll.u32 s5, $0x1;
	s5 =	sadd.s32 s22, s3  }
0x15: {  	[timem:s7], [sflag:s23] =	dma.local [hbm:s5], s21  }
0x16: {  	_ =	swait.ge [sflag:s23], s21  }
0x17: {  	s4 =	ssub.s32 $0x0, s21;
	[sflag:s23] =	ssyncset.done $0x0  }
0x18: {  	[sflag:s23] =	ssyncadd.s32 s4;
	_ =	sdelay $0x1  }
0x19: {  	s24 =	simm.s32 $0x1B8B  }
0x1a: {  	_ =	swait.ge [sflag:s24], $0x1  }
0x1b: {  	[sflag:s24] =	ssyncset.done $0x0  }
0x1c: {  	s26 =	simm.s32 $0x1B8E;
	s25 =	sld [smem:$0x3FFE];
	[sflag:s24] =	ssyncadd.s32 $0xFFFFFFFF  }
0x1d: {  	s27 =	simm.s32 $execute0_lowered;
	[smem:$0x3FD2] =	sst s26  }
0x1e: {  	s5 =	sshll.u32 s27, $0x1;
	_ =	strace $0x80000049;
	[dreg:$0x1] =	wrdreg $0xFFFFFFFF  }
0x1f: {  	s28 =	simm.s32 $_size_execute0_lowered;
	s3 =	sadd.s32 s3, s5;
	[dreg:$0x0] =	wrdreg $0x0  }
0x20: {  	s5 =	sshll.u32 s28, $0x1;
	[dreg:$0x2] =	wrdreg s3  }
0x21: {  	[dreg:$0x3] =	wrdreg s5  }
0x22: {  	[dreg:$0x4] =	wrdreg $0xC0  }
0x23: {  	_ =	task [dreg:s7], $0x5FFFF  }
0x24: {  	[dreg:$0x1] =	wrdreg $0xFFFFFFFF  }
0x25: {  	[dreg:$0x0] =	wrdreg $0x60  }
0x26: {  	[dreg:$0x2] =	wrdreg s25  }
0x27: {  	[dreg:$0x3] =	wrdreg s2  }
0x28: {  	[dreg:$0x4] =	wrdreg $0x9  }
0x29: {  	_ =	task.clear_ibuf [dreg:s7], $0x5FFFF;
	_ =	strace $0x90000049  }
0x2a: {  	s29 =	simm.s32 $0x9;
	_ =	strace $0x8000004B  }
0x2b: {  	_ =	swait.ge [sflag:s29], $0x1  }
0x2c: {  	[sflag:s29] =	ssyncadd.s32 $0xFFFFFFFF  }
0x2d: {  	_ =	strace $0x9000004B  }
0x2e: {  	_ =	sfence  }
0x2f: {  	s30 =	sld [smem:$0x0];
	_ =	sdelay $0x2  }
0x30: {  	s31 =	sshll.u32 s1, $0xD;
	s1 =	sshrl.u32 s1, $0x2  }
0x31: {  	s3 =	sand.u32 $0x4000, s31;
	s1 =	sadd.s32 s1, s30  }
0x32: {  	s0 =	sor.u32 s3, s0;
	s1 =	sshll.u32 s1, $0x11  }
0x33: {  	s0 =	sor.u32 s1, s0  }
0x34: {  	s0 =	sadd.s32 $0x8F2B, s0  }
0x35: {  	[sflag:s0] =	ssyncadd.remote.s32 $0x1  }
0x36: {  	_ =	sfence.sel $0xFFFF  }
0x37: {  	[dreg:$0x0] =	wrdreg $0xFFFFFFFF;
	(pc) =	sbr.abs _section_cstart, $3  }
0x38: {  	[dreg:$0x1] =	wrdreg $0xFFFFFFFF  }
0x39: {  	_ =	task.clear_ibuf [dreg:s7], $0x2FFFF;
	_ =	strace $0x9FFFFFFF  }
0x3a: {  	(tm) =	ssettm $0x7FFFFFFF  }
0x3b: {  	_ =	shalt  }
tec
execute0_lowered:
.L_overlay_start_1:
0x0: {  	(tag) =	ssettag $0x1  }
0x1: {  	s0 =	srdreg.scid  }
0x2: {  	s1 =	sshll.u32 s0, $0x4  }
0x3: {  	s0 =	stileid.u32;
	s1 =	sand.u32 $0x10, s1  }
0x4: {  	s1 =	sor.u32 s0, s1  }
0x5: {  	s6 =	rddreg [dreg:$0x0];
	s4 =	simm.s32 $0x1;
	s2 =	sshll.u32 s1, $0x7  }
0x6: {  	s7 =	simm.s32 $0x2;
	s12 =	simm.s32 $0x0;
	s1 =	ssub.s32 $0x4000, s2  }
0x7: {  	s8 =	simm.s32 $0x20000;
	s13 =	simm.s32 $0x0;
	s3 =	sand.u32 $0xF80, s1  }
0x8: {  	s9 =	simm.s32 $0x0;
	s5 =	sshrl.u32 s1, $0xC;
	p0 =	sne.s32 s3, $0x0  }
.Ltmp0:
0x9: {  	s1 =	rddreg [dreg:$0x2];
	s4 =	simm.s32 @!p0 $0x0;
	(pc) =	sbr.rel .LBB1_1-.Ltmp0, $4  }
0xa: {  	s11 =	simm.s32 $0x0;
	s3 =	rddreg [dreg:$0x1];
	s5 =	sadd.s32 s4, s5  }
0xb: {  	_ =	strace $0x8000004A;
	s4 =	simm.s32 $0x1;
	s5 =	smul.u32 $0x32, s5  }
0xc: {  	s6 =	sadd.s32 $0xA00, s6;
	s10 =	smov.u32 s2;
	[sflag:s4] =	ssyncpa.u1 $0x0  }
0xd: {  	p0 =	por $0x0, $0x0;
	[sflag:s7] =	ssyncpa.u1 $0x0;
	s7 =	sor.u32 $0x1, s5  }
.LBB1_4:
0xe: {  	s16 =	sshll.u32 s13, $0x3;
	s17 =	sand.u32 $0x78, s13  }
0xf: {  	s30 =	sand.u32 $0xF800, s13;
	s12 =	sshll.u32 s12, $0x10;
	s16 =	sand.u32 $0x3C00, s16  }
0x10: {  	s31 =	sand.u32 $0x7, s13;
	s16 =	sor.u32 s17, s16;
	s17 =	sadd.s32 s3, s30  }
0x11: {  	s13 =	sshll.u32 s31, $0x12;
	s16 =	sshrl.u32 s16, $0x3;
	s12 =	sadd.s32 s12, s17  }
0x12: {  	[tilespmem:s15+$0x0 ss:$0x81] =	vst.msk $0xffff, v0;
	s13 =	sor.u32 $0x400, s13;
	s12 =	sadd.s32 s16, s12  }
0x13: {  	[hbm4b:s12+s13] =	stream.strided.scatter [tilespmem:s14], [sflag:$0x2], $0x1000, s8, s13, $0x20;
	[tilespmem:$0x4040] =	vst v63  }
.LBB1_5:
0x14: {  	s14 =	sadd.s32 $0x1, s9  }
0x15: {  	s12 =	sadd.s32 $0x1000, s10;
	s16 =	smov.u32 s10;
	p2 =	sgt.s32 s14, $0x31  }
0x16: {  	s16 =	smov.u32 @p2 s12  }
0x17: {  	s14 =	simm.s32 @p2 $0x0;
	p2 =	sgt.s32 s16, $0x3FFF  }
0x18: {  	s16 =	smov.u32 @p2 s2;
	p2 =	sne.s32 s11, s7  }
.Ltmp1:
0x19: {  	p1 =	slt.u32 s11, $0x2;
	(pc) =	sbr.rel @!p2 .LBB1_6-.Ltmp1, $4  }
0x1a: {  	s15 =	simm.s32 @!p1 $0x2  }
0x1b: {  	s13 =	smov.u32 s10;
	p0 =	por !p0, !p0;
	_ =	swait.ge @!p1 [sflag:s15], $0x1000  }
0x1c: {  	s12 =	smov.u32 s9;
	[sflag:s15] =	ssyncset.done @!p1 $0x0;
	s9 =	smov.u32 s14  }
0x1d: {  	s11 =	sadd.s32 $0x1, s11;
	[sflag:s15] =	ssyncadd.s32 @!p1 $0xFFFFF000;
	s10 =	smov.u32 s16  }
.LBB1_1:
0x1e: {  	p1 =	sge.u32 s11, s5  }
0x1f: {  	s14 =	sand.u32 @!p1 $0x1FFFFFF, s9  }
0x20: {  	s15 =	smulhi.u32 @!p1 $0x4924925, s14;
	_ =	sdelay $0x1  }
0x21: {  	s15 =	smul.u32 @!p1 $0x38, s15  }
0x22: {  	s16 =	sxor.u32 @!p1 $0xFFFFFFFF, s11;
	s17 =	smul.u32 @!p1 $0x380, s10  }
0x23: {  	s31 =	sadd.s32 $0xFFFFFFFF, s11;
	s16 =	sshll.u32 @!p1 s16, $0xC;
	s14 =	ssub.s32 @!p1 s14, s15  }
0x24: {  	s15 =	sand.u32 @!p1 $0x1000, s16;
	s16 =	sadd.s32 @!p1 s6, s17;
	s14 =	sshll.u32 @!p1 s14, $0x4  }
0x25: {  	s17 =	simm.s32 @!p1 $0x1C00;
	s14 =	sadd.s32 @!p1 s14, s16;
	s16 =	simm.s32 @!p1 $0x20  }
0x26: {  	[tilespmem:s15], [sflag:$0x1] =	stream.strided.gather @!p1 [hbm4b:s14+s16], $0x1000, s17, s16, $0x38;
	[tilespmem:$0x4040] =	vst v63  }
0x27: {  	p1 =	sge.u32 s31, s5  }
.Ltmp2:
0x28: {  	_ = 	snop;
	(pc) =	sbr.rel @p1 .LBB1_5-.Ltmp2, $1  }
0x29: {  	_ =	sdelay $0x3  }
0x2a: {  	s14 =	simm.s32 $0x1  }
0x2b: {  	_ =	swait.ge [sflag:s4], $0x1000;
	s14 =	simm.s32 @!p0 $0x0  }
0x2c: {  	[sflag:s4] =	ssyncset.done $0x0;
	s15 =	sshll.u32 s14, $0xC  }
0x2d: {  	[sflag:s4] =	ssyncadd.s32 $0xFFFFF000;
	s18 =	sor.u32 $0x10, s15  }
0x2e: {  	s14 =	smul.u32 $0x4080, s14;
	v1 =	vld [tilespmem:s18+$0x0]  }
0x2f: {  	s30 =	sand.u32 $0x1, s11;
	v0 =	vld [tilespmem:s18+$0xFFFFFFF0]  }
0x30: {  	s15 =	smul.u32 $0x4080, s30;
	s14 =	sshrl.u32 s14, $0x2  }
0x31: {  	s16 =	sor.u32 $0x2000, s14  }
0x32: {  	s31 =	sshrl.u32 s15, $0x2;
	s15 =	sadd.s32 $0x0, s16  }
0x33: {  	s17 =	simm.s32 $0x4;
	s18 =	sadd.s32 $0x20, s18;
	s14 =	sor.u32 $0x2000, s31;
	[tilespmem:s15+$0x810 ss:$0x81] =	vst.msk $0xffff, v1  }
.LBB1_3:
0x34: {  	v1 =	vld [tilespmem:s18+$0x0];
	p1 =	sne.s32 s17, $0x1FC;
	[tilespmem:s15+$0x0 ss:$0x81] =	vst.msk $0xffff, v0;
	s15 =	smov.u32 s17;
	s17 =	sadd.s32 $0x4, s17  }
.Ltmp3:
0x35: {  	v0 =	vld [tilespmem:s18+$0xFFFFFFF0];
	(pc) =	sbr.rel @p1 .LBB1_3-.Ltmp3, $4  }
0x36: {  	_ = 	snop  }
0x37: {  	s15 =	sshra.s32 s15, $0x2  }
0x38: {  	s15 =	sadd.s32 s15, s16  }
0x39: {  	s18 =	sadd.s32 $0x20, s18;
	[tilespmem:s15+$0x810 ss:$0x81] =	vst.msk $0xffff, v1  }
.Ltmp4:
0x3a: {  	_ = 	snop;
	(pc) =	sbr.rel .LBB1_4-.Ltmp4, $1  }
0x3b: {  	_ =	sdelay $0x3  }
.LBB1_6:
0x3c: {  	_ =	sfence.sel $0x180000  }
0x3d: {  	s2 =	simm.s32 $0x1;
	[bflag:$0x0] =	sbarrier.arrive $0xFFFF  }
0x3e: {  	s31 =	simm.s32 $0x2;
	[sflag:s2] =	ssyncpa.u1 $0x1  }
0x3f: {  	[sflag:s31] =	ssyncpa.u1 $0x1  }
0x40: {  	p0 =	sne.s32 s0, $0x0;
	_ =	strace $0x9000004A  }
0x41: {  	s0 =	sadd.s32 @!p0 $0x100000, s1;
	[bflag:$0x2] =	sbarrier.arrive $0xFFFF  }
0x42: {  	[sflag:s0] =	ssyncadd.tile.s32 @!p0 $0x1;
	_ =	shalt  }
.Lfunc_end1:
_tile_overlayer_lowered:
.L_overlay_start_2:
0x43: {  	(tag) =	ssettag $0x2  }
0x44: {  	s0 =	rddreg [dreg:$0x0];
	s2 =	stileid.u32  }
0x45: {  	s1 =	rddreg [dreg:$0x1];
	p0 =	sne.s32 s2, $0x0  }
0x46: {  	s3 =	rddreg [dreg:$0x2];
	[bflag:$0x3] =	sbarrier.arrive $0xFFFF;
	s2 =	simm.s32 @!p0 $0x1C01  }
0x47: {  	[timem:s3], [sflag:s2] =	dma.local @!p0 [hbm:s0], s1  }
0x48: {  	s0 =	simm.s32 @!p0 $0x1  }
0x49: {  	_ =	swait.ge @!p0 [sflag:s0], s1  }
0x4a: {  	s1 =	ssub.s32 @!p0 $0x0, s1;
	[sflag:s0] =	ssyncset.done @!p0 $0x0  }
0x4b: {  	[sflag:s0] =	ssyncadd.s32 @!p0 s1  }
0x4c: {  	[bflag:$0x3] =	sbarrier.arrive $0xFFFF  }
0x4d: {  	_ =	shalt  }

</sc_bundles>
